<compile_context>
chip_gen: v7x
topology: tpu7x:2x2x1
jax: 0.10.2.dev20260603
libtpu: 0.0.44.dev20260713+nightly
codegen_flags: <defaults>
</compile_context>

<pallas_src>
import functools

import jax
import jax.numpy as jnp
from jax import lax
from jax.experimental import pallas as pl
from jax.experimental.pallas import tpu as pltpu
from jax.experimental.pallas import tpu_sc as plsc

B = 4096
S = 200
D = 64
NW = 32
RPW = B // NW
NCHUNK = 13
WPAD = 224
NEG = -1e30
UNROLL = 8
NBUF = 4

_mesh = plsc.VectorSubcoreMesh(core_axis_name="c", subcore_axis_name="s")

_GDN = lax.GatherDimensionNumbers(
    offset_dims=(), collapsed_slice_dims=(0,), start_index_map=(0,))


def _lane_shuffle(v, idx):
    return lax.gather(v, idx[:, None], _GDN, (1,),
                      mode=lax.GatherScatterMode.PROMISE_IN_BOUNDS)


def _butterfly(v, op):
    lane = lax.iota(jnp.int32, 16)
    for d in (1, 2, 4, 8):
        v = op(v, _lane_shuffle(v, lane ^ d))
    return v


_scratch = [pltpu.VMEM((RPW, S), jnp.int32)]
_scratch += [pltpu.VMEM((WPAD,), jnp.float32)] * NBUF
_scratch += [pltpu.VMEM((S, D), jnp.float32)] * NBUF
_scratch += [pltpu.VMEM((WPAD,), jnp.float32)]
_scratch += [pltpu.VMEM((RPW, D), jnp.float32)]
_scratch += [pltpu.SemaphoreType.DMA] * NBUF


@functools.partial(
    pl.kernel,
    out_type=jax.ShapeDtypeStruct((B, D), jnp.float32),
    mesh=_mesh,
    compiler_params=pltpu.CompilerParams(
        needs_layout_passes=False, use_tc_tiling_on_sc=False),
    scratch_types=_scratch,
)
def _encode(doc_hbm, emb_hbm, wt_hbm, out_hbm, doc_v, *bufs):
    w_bufs = bufs[:NBUF]
    e_bufs = bufs[NBUF:2 * NBUF]
    p_v = bufs[2 * NBUF]
    o_v = bufs[2 * NBUF + 1]
    sems = bufs[2 * NBUF + 2:]

    cid = lax.axis_index("c")
    sid = lax.axis_index("s")
    wid = sid * 2 + cid
    base = wid * RPW

    pltpu.sync_copy(doc_hbm.at[pl.ds(base, RPW)], doc_v)

    for w_v in w_bufs:
        w_v[pl.ds(200, 16)] = jnp.full((16,), NEG, jnp.float32)

    def copies(r, e_v, w_v, sem):
        i = doc_v.at[r, pl.ds(0, S)]
        return (
            pltpu.make_async_copy(emb_hbm.at[i], e_v, sem),
            pltpu.make_async_copy(wt_hbm.at[i], w_v.at[pl.ds(0, S)], sem),
        )

    def issue(r, e_v, w_v, sem):
        @pl.when(r < RPW)
        def _():
            for c in copies(r, e_v, w_v, sem):
                c.start()

    def drain(r, e_v, w_v, sem):
        for c in copies(r, e_v, w_v, sem):
            c.wait()

    def compute(r, e_v, w_v):
        def max_body(k, m):
            return jnp.maximum(m, w_v[pl.ds(k * 16, 16)])

        mvec = lax.fori_loop(0, NCHUNK, max_body,
                             jnp.full((16,), NEG, jnp.float32))
        m = _butterfly(mvec, jnp.maximum)

        def exp_body(k, s):
            p = jnp.exp(w_v[pl.ds(k * 16, 16)] - m)
            p_v[pl.ds(k * 16, 16)] = p
            return s + p

        svec = lax.fori_loop(0, NCHUNK, exp_body,
                             jnp.zeros((16,), jnp.float32))
        inv = 1.0 / _butterfly(svec, jnp.add)

        def tok_body(tb, accs):
            a0, a1, a2, a3 = accs
            t0 = tb * UNROLL
            for j in range(UNROLL):
                t = t0 + j
                pb = plsc.load_gather(p_v, [jnp.full((16,), t, jnp.int32)])
                a0 = a0 + pb * e_v[t, pl.ds(0, 16)]
                a1 = a1 + pb * e_v[t, pl.ds(16, 16)]
                a2 = a2 + pb * e_v[t, pl.ds(32, 16)]
                a3 = a3 + pb * e_v[t, pl.ds(48, 16)]
            return (a0, a1, a2, a3)

        z = jnp.zeros((16,), jnp.float32)
        a0, a1, a2, a3 = lax.fori_loop(0, S // UNROLL, tok_body, (z, z, z, z))
        o_v[r, pl.ds(0, 16)] = a0 * inv
        o_v[r, pl.ds(16, 16)] = a1 * inv
        o_v[r, pl.ds(32, 16)] = a2 * inv
        o_v[r, pl.ds(48, 16)] = a3 * inv

    for k in range(NBUF):
        issue(k, e_bufs[k], w_bufs[k], sems[k])

    def group_body(i, carry):
        r0 = i * NBUF
        for k in range(NBUF):
            r = r0 + k
            drain(r, e_bufs[k], w_bufs[k], sems[k])
            compute(r, e_bufs[k], w_bufs[k])
            issue(r + NBUF, e_bufs[k], w_bufs[k], sems[k])
        return carry

    lax.fori_loop(0, RPW // NBUF, group_body, 0)
    pltpu.sync_copy(o_v, out_hbm.at[pl.ds(base, RPW)])


@jax.jit
def kernel(document, lens, embed_table, weight_table):
    del lens
    doc = document.astype(jnp.int32)
    wt = weight_table.reshape(-1)
    return _encode(doc, embed_table, wt)

# --- scband reference (transcript-rebuilt; emitter-appended) ---
"""Pipeline reference for scband-document-encoder-11957188952541 (READ-ONLY COPY).

The authoritative reference and input builder live on the scoring server;
editing this copy changes nothing except your own understanding.
"""

import jax, jax.numpy as jnp
import numpy as np

VOCAB = 1000000
EMBED_DIM = 64
BATCH = 4096
SEQ = 200

def setup_inputs(seed: int = 0) -> dict:
    key = jax.random.key(seed)
    k1, k2, k3, k4 = jax.random.split(key, 4)
    document = jax.random.randint(k1, (BATCH, SEQ), 0, VOCAB)
    lens = jax.random.randint(k2, (BATCH,), 1, SEQ + 1)
    embed_table = jax.random.normal(k3, (VOCAB, EMBED_DIM), dtype=jnp.float32) * 0.02
    weight_table = jax.random.normal(k4, (VOCAB, 1), dtype=jnp.float32) * 0.02
    return {"document": document, "lens": lens, "embed_table": embed_table, "weight_table": weight_table}

def reference(document, lens, embed_table, weight_table):
    # default path of DocumentEncoder.forward -> _weighted_forward
    # document_tokens = self.document_token_embeds(document)
    document_tokens = jnp.take(embed_table, document, axis=0)  # [B, S, D]
    # token_weights = self.weights(document)
    token_weights = jnp.take(weight_table, document, axis=0)  # [B, S, 1]
    # normalized_weights = F.softmax(token_weights, 1)
    normalized_weights = jax.nn.softmax(token_weights, axis=1)
    # doc_vecs = torch.sum(normalized_weights * document_tokens, 1)
    doc_vecs = jnp.sum(normalized_weights * document_tokens, axis=1)  # [B, D]
    return doc_vecs

if __name__ == "__main__":
    import jax
    _d = setup_inputs()
    print(jax.jit(kernel)(*tuple(_d.values())))

</pallas_src>

<mosaic_0001>
#map = affine_map<(d0, d1) -> (0, 0)>
#map1 = affine_map<(d0, d1) -> (0)>
module attributes {stable_mosaic.version = 14 : i64} {
  func.func @_encode(%arg0: i32, %arg1: i32, %arg2: memref<4096x200xi32, #tpu.memory_space<hbm>>, %arg3: memref<1000000x64xf32, #tpu.memory_space<hbm>>, %arg4: memref<1000000xf32, #tpu.memory_space<hbm>>, %arg5: memref<4096x64xf32, #tpu.memory_space<hbm>>, %arg6: memref<128x200xi32, #tpu.memory_space<vmem>>, %arg7: memref<224xf32, #tpu.memory_space<vmem>>, %arg8: memref<224xf32, #tpu.memory_space<vmem>>, %arg9: memref<224xf32, #tpu.memory_space<vmem>>, %arg10: memref<224xf32, #tpu.memory_space<vmem>>, %arg11: memref<200x64xf32, #tpu.memory_space<vmem>>, %arg12: memref<200x64xf32, #tpu.memory_space<vmem>>, %arg13: memref<200x64xf32, #tpu.memory_space<vmem>>, %arg14: memref<200x64xf32, #tpu.memory_space<vmem>>, %arg15: memref<224xf32, #tpu.memory_space<vmem>>, %arg16: memref<128x64xf32, #tpu.memory_space<vmem>>, %arg17: memref<!tpu.dma_semaphore, #tpu.memory_space<semaphore_mem>>, %arg18: memref<!tpu.dma_semaphore, #tpu.memory_space<semaphore_mem>>, %arg19: memref<!tpu.dma_semaphore, #tpu.memory_space<semaphore_mem>>, %arg20: memref<!tpu.dma_semaphore, #tpu.memory_space<semaphore_mem>>) attributes {dimension_semantics = [#tpu.dimension_semantics<core_parallel>, #tpu.dimension_semantics<subcore_parallel>], iteration_bounds = array<i64: 2, 16>, scalar_prefetch = 0 : i64, scratch_operands = 15 : i64, tpu.core_type = #tpu.core_type<sc_vector_subcore>, window_params = [{transform_indices = #map}, {transform_indices = #map}, {transform_indices = #map1}, {transform_indices = #map}]} {
    %mul3A = arith.constant 2 : i32
    %mul3A_0 = arith.muli %arg1, %mul3A : i32
    %add3A = arith.addi %mul3A_0, %arg0 : i32
    %mul3A_1 = arith.constant 128 : i32
    %mul3A_2 = arith.muli %add3A, %mul3A_1 : i32
    "tpu.region"() ({
      %run_scoped3A = tpu.sem_alloc : memref<!tpu.dma_semaphore, #tpu.memory_space<semaphore_mem>>
      %dma_start3A_81 = arith.constant 0 : i32
      %dma_start3A_82 = tpu.memref_slice %arg2[%mul3A_2, %dma_start3A_81] : memref<4096x200xi32, #tpu.memory_space<hbm>> -> memref<128x200xi32, #tpu.memory_space<hbm>>
      %dma_start3A_83 = arith.constant 0 : i32
      %dma_start3A_84 = tpu.memref_slice %arg2[%mul3A_2, %dma_start3A_83] : memref<4096x200xi32, #tpu.memory_space<hbm>> -> memref<128x200xi32, #tpu.memory_space<hbm>>
      tpu.enqueue_dma source(%dma_start3A_84 : memref<128x200xi32, #tpu.memory_space<hbm>>) target(%arg6 : memref<128x200xi32, #tpu.memory_space<vmem>>) target_semaphore(%run_scoped3A : memref<!tpu.dma_semaphore, #tpu.memory_space<semaphore_mem>>)
      %dma_wait3A = arith.constant 0 : i32
      %dma_wait3A_85 = tpu.memref_slice %arg2[%mul3A_2, %dma_wait3A] : memref<4096x200xi32, #tpu.memory_space<hbm>> -> memref<128x200xi32, #tpu.memory_space<hbm>>
      %dma_wait3A_86 = arith.constant 0 : i32
      %dma_wait3A_87 = tpu.memref_slice %arg2[%mul3A_2, %dma_wait3A_86] : memref<4096x200xi32, #tpu.memory_space<hbm>> -> memref<128x200xi32, #tpu.memory_space<hbm>>
      tpu.wait_dma2 semaphore(%run_scoped3A : memref<!tpu.dma_semaphore, #tpu.memory_space<semaphore_mem>>) src(%dma_wait3A_87 : memref<128x200xi32, #tpu.memory_space<hbm>>) dst(%arg6 : memref<128x200xi32, #tpu.memory_space<vmem>>)
      tpu.yield
    }) : () -> ()
    %broadcast_in_dim3A = arith.constant -1.000000e+30 : f32
    %broadcast_in_dim3A_3 = vector.broadcast %broadcast_in_dim3A : f32 to vector<16xf32>
    %swap3A = arith.constant 200 : index
    %swap3A_4 = tpu.vector_load %arg7[%swap3A] {strides = array<i32>} : memref<224xf32, #tpu.memory_space<vmem>>, vector<16xf32>,
    tpu.vector_store %arg7[%swap3A], %broadcast_in_dim3A_3 {strides = array<i32>} : memref<224xf32, #tpu.memory_space<vmem>>, vector<16xf32>,
    %broadcast_in_dim3A_5 = arith.constant -1.000000e+30 : f32
    %broadcast_in_dim3A_6 = vector.broadcast %broadcast_in_dim3A_5 : f32 to vector<16xf32>
    %swap3A_7 = arith.constant 200 : index
    %swap3A_8 = tpu.vector_load %arg8[%swap3A_7] {strides = array<i32>} : memref<224xf32, #tpu.memory_space<vmem>>, vector<16xf32>,
    tpu.vector_store %arg8[%swap3A_7], %broadcast_in_dim3A_6 {strides = array<i32>} : memref<224xf32, #tpu.memory_space<vmem>>, vector<16xf32>,
    %broadcast_in_dim3A_9 = arith.constant -1.000000e+30 : f32
    %broadcast_in_dim3A_10 = vector.broadcast %broadcast_in_dim3A_9 : f32 to vector<16xf32>
    %swap3A_11 = arith.constant 200 : index
    %swap3A_12 = tpu.vector_load %arg9[%swap3A_11] {strides = array<i32>} : memref<224xf32, #tpu.memory_space<vmem>>, vector<16xf32>,
    tpu.vector_store %arg9[%swap3A_11], %broadcast_in_dim3A_10 {strides = array<i32>} : memref<224xf32, #tpu.memory_space<vmem>>, vector<16xf32>,
    %broadcast_in_dim3A_13 = arith.constant -1.000000e+30 : f32
    %broadcast_in_dim3A_14 = vector.broadcast %broadcast_in_dim3A_13 : f32 to vector<16xf32>
    %swap3A_15 = arith.constant 200 : index
    %swap3A_16 = tpu.vector_load %arg10[%swap3A_15] {strides = array<i32>} : memref<224xf32, #tpu.memory_space<vmem>>, vector<16xf32>,
    tpu.vector_store %arg10[%swap3A_15], %broadcast_in_dim3A_14 {strides = array<i32>} : memref<224xf32, #tpu.memory_space<vmem>>, vector<16xf32>,
    %dma_start3A = arith.constant 0 : i32
    %dma_start3A_17 = arith.constant 0 : i32
    %dma_start3A_18 = tpu.memref_slice %arg6[%dma_start3A, %dma_start3A_17] : memref<128x200xi32, #tpu.memory_space<vmem>> -> memref<1x200xi32, #tpu.memory_space<vmem>>
    %dma_start3A_19 = tpu.memref_squeeze %dma_start3A_18 : memref<1x200xi32, #tpu.memory_space<vmem>> -> memref<200xi32, #tpu.memory_space<vmem>>
    %dma_start3A_20 = arith.constant 0 : i32
    %dma_start3A_21 = arith.constant 0 : i32
    %dma_start3A_22 = tpu.memref_slice %arg3[%dma_start3A_20, %dma_start3A_21] : memref<1000000x64xf32, #tpu.memory_space<hbm>> -> memref<1000000x64xf32, #tpu.memory_space<hbm>>
    tpu.enqueue_indirect_dma source(%dma_start3A_22 : memref<1000000x64xf32, #tpu.memory_space<hbm>>) target(%arg11 : memref<200x64xf32, #tpu.memory_space<vmem>>) offsets(%dma_start3A_19 : memref<200xi32, #tpu.memory_space<vmem>>) semaphore(%arg17 : memref<!tpu.dma_semaphore, #tpu.memory_space<semaphore_mem>>)
    %dma_start3A_23 = arith.constant 0 : i32
    %dma_start3A_24 = arith.constant 0 : i32
    %dma_start3A_25 = tpu.memref_slice %arg7[%dma_start3A_24] : memref<224xf32, #tpu.memory_space<vmem>> -> memref<200xf32, #tpu.memory_space<vmem>>
    %dma_start3A_26 = arith.constant 0 : i32
    %dma_start3A_27 = tpu.memref_slice %arg6[%dma_start3A_23, %dma_start3A_26] : memref<128x200xi32, #tpu.memory_space<vmem>> -> memref<1x200xi32, #tpu.memory_space<vmem>>
    %dma_start3A_28 = tpu.memref_squeeze %dma_start3A_27 : memref<1x200xi32, #tpu.memory_space<vmem>> -> memref<200xi32, #tpu.memory_space<vmem>>
    %dma_start3A_29 = arith.constant 0 : i32
    %dma_start3A_30 = tpu.memref_slice %arg4[%dma_start3A_29] : memref<1000000xf32, #tpu.memory_space<hbm>> -> memref<1000000xf32, #tpu.memory_space<hbm>>
    tpu.enqueue_indirect_dma source(%dma_start3A_30 : memref<1000000xf32, #tpu.memory_space<hbm>>) target(%dma_start3A_25 : memref<200xf32, #tpu.memory_space<vmem>>) offsets(%dma_start3A_28 : memref<200xi32, #tpu.memory_space<vmem>>) semaphore(%arg17 : memref<!tpu.dma_semaphore, #tpu.memory_space<semaphore_mem>>)
    %dma_start3A_31 = arith.constant 1 : i32
    %dma_start3A_32 = arith.constant 0 : i32
    %dma_start3A_33 = tpu.memref_slice %arg6[%dma_start3A_31, %dma_start3A_32] : memref<128x200xi32, #tpu.memory_space<vmem>> -> memref<1x200xi32, #tpu.memory_space<vmem>>
    %dma_start3A_34 = tpu.memref_squeeze %dma_start3A_33 : memref<1x200xi32, #tpu.memory_space<vmem>> -> memref<200xi32, #tpu.memory_space<vmem>>
    %dma_start3A_35 = arith.constant 0 : i32
    %dma_start3A_36 = arith.constant 0 : i32
    %dma_start3A_37 = tpu.memref_slice %arg3[%dma_start3A_35, %dma_start3A_36] : memref<1000000x64xf32, #tpu.memory_space<hbm>> -> memref<1000000x64xf32, #tpu.memory_space<hbm>>
    tpu.enqueue_indirect_dma source(%dma_start3A_37 : memref<1000000x64xf32, #tpu.memory_space<hbm>>) target(%arg12 : memref<200x64xf32, #tpu.memory_space<vmem>>) offsets(%dma_start3A_34 : memref<200xi32, #tpu.memory_space<vmem>>) semaphore(%arg18 : memref<!tpu.dma_semaphore, #tpu.memory_space<semaphore_mem>>)
    %dma_start3A_38 = arith.constant 1 : i32
    %dma_start3A_39 = arith.constant 0 : i32
    %dma_start3A_40 = tpu.memref_slice %arg8[%dma_start3A_39] : memref<224xf32, #tpu.memory_space<vmem>> -> memref<200xf32, #tpu.memory_space<vmem>>
    %dma_start3A_41 = arith.constant 0 : i32
    %dma_start3A_42 = tpu.memref_slice %arg6[%dma_start3A_38, %dma_start3A_41] : memref<128x200xi32, #tpu.memory_space<vmem>> -> memref<1x200xi32, #tpu.memory_space<vmem>>
    %dma_start3A_43 = tpu.memref_squeeze %dma_start3A_42 : memref<1x200xi32, #tpu.memory_space<vmem>> -> memref<200xi32, #tpu.memory_space<vmem>>
    %dma_start3A_44 = arith.constant 0 : i32
    %dma_start3A_45 = tpu.memref_slice %arg4[%dma_start3A_44] : memref<1000000xf32, #tpu.memory_space<hbm>> -> memref<1000000xf32, #tpu.memory_space<hbm>>
    tpu.enqueue_indirect_dma source(%dma_start3A_45 : memref<1000000xf32, #tpu.memory_space<hbm>>) target(%dma_start3A_40 : memref<200xf32, #tpu.memory_space<vmem>>) offsets(%dma_start3A_43 : memref<200xi32, #tpu.memory_space<vmem>>) semaphore(%arg18 : memref<!tpu.dma_semaphore, #tpu.memory_space<semaphore_mem>>)
    %dma_start3A_46 = arith.constant 2 : i32
    %dma_start3A_47 = arith.constant 0 : i32
    %dma_start3A_48 = tpu.memref_slice %arg6[%dma_start3A_46, %dma_start3A_47] : memref<128x200xi32, #tpu.memory_space<vmem>> -> memref<1x200xi32, #tpu.memory_space<vmem>>
    %dma_start3A_49 = tpu.memref_squeeze %dma_start3A_48 : memref<1x200xi32, #tpu.memory_space<vmem>> -> memref<200xi32, #tpu.memory_space<vmem>>
    %dma_start3A_50 = arith.constant 0 : i32
    %dma_start3A_51 = arith.constant 0 : i32
    %dma_start3A_52 = tpu.memref_slice %arg3[%dma_start3A_50, %dma_start3A_51] : memref<1000000x64xf32, #tpu.memory_space<hbm>> -> memref<1000000x64xf32, #tpu.memory_space<hbm>>
    tpu.enqueue_indirect_dma source(%dma_start3A_52 : memref<1000000x64xf32, #tpu.memory_space<hbm>>) target(%arg13 : memref<200x64xf32, #tpu.memory_space<vmem>>) offsets(%dma_start3A_49 : memref<200xi32, #tpu.memory_space<vmem>>) semaphore(%arg19 : memref<!tpu.dma_semaphore, #tpu.memory_space<semaphore_mem>>)
    %dma_start3A_53 = arith.constant 2 : i32
    %dma_start3A_54 = arith.constant 0 : i32
    %dma_start3A_55 = tpu.memref_slice %arg9[%dma_start3A_54] : memref<224xf32, #tpu.memory_space<vmem>> -> memref<200xf32, #tpu.memory_space<vmem>>
    %dma_start3A_56 = arith.constant 0 : i32
    %dma_start3A_57 = tpu.memref_slice %arg6[%dma_start3A_53, %dma_start3A_56] : memref<128x200xi32, #tpu.memory_space<vmem>> -> memref<1x200xi32, #tpu.memory_space<vmem>>
    %dma_start3A_58 = tpu.memref_squeeze %dma_start3A_57 : memref<1x200xi32, #tpu.memory_space<vmem>> -> memref<200xi32, #tpu.memory_space<vmem>>
    %dma_start3A_59 = arith.constant 0 : i32
    %dma_start3A_60 = tpu.memref_slice %arg4[%dma_start3A_59] : memref<1000000xf32, #tpu.memory_space<hbm>> -> memref<1000000xf32, #tpu.memory_space<hbm>>
    tpu.enqueue_indirect_dma source(%dma_start3A_60 : memref<1000000xf32, #tpu.memory_space<hbm>>) target(%dma_start3A_55 : memref<200xf32, #tpu.memory_space<vmem>>) offsets(%dma_start3A_58 : memref<200xi32, #tpu.memory_space<vmem>>) semaphore(%arg19 : memref<!tpu.dma_semaphore, #tpu.memory_space<semaphore_mem>>)
    %dma_start3A_61 = arith.constant 3 : i32
    %dma_start3A_62 = arith.constant 0 : i32
    %dma_start3A_63 = tpu.memref_slice %arg6[%dma_start3A_61, %dma_start3A_62] : memref<128x200xi32, #tpu.memory_space<vmem>> -> memref<1x200xi32, #tpu.memory_space<vmem>>
    %dma_start3A_64 = tpu.memref_squeeze %dma_start3A_63 : memref<1x200xi32, #tpu.memory_space<vmem>> -> memref<200xi32, #tpu.memory_space<vmem>>
    %dma_start3A_65 = arith.constant 0 : i32
    %dma_start3A_66 = arith.constant 0 : i32
    %dma_start3A_67 = tpu.memref_slice %arg3[%dma_start3A_65, %dma_start3A_66] : memref<1000000x64xf32, #tpu.memory_space<hbm>> -> memref<1000000x64xf32, #tpu.memory_space<hbm>>
    tpu.enqueue_indirect_dma source(%dma_start3A_67 : memref<1000000x64xf32, #tpu.memory_space<hbm>>) target(%arg14 : memref<200x64xf32, #tpu.memory_space<vmem>>) offsets(%dma_start3A_64 : memref<200xi32, #tpu.memory_space<vmem>>) semaphore(%arg20 : memref<!tpu.dma_semaphore, #tpu.memory_space<semaphore_mem>>)
    %dma_start3A_68 = arith.constant 3 : i32
    %dma_start3A_69 = arith.constant 0 : i32
    %dma_start3A_70 = tpu.memref_slice %arg10[%dma_start3A_69] : memref<224xf32, #tpu.memory_space<vmem>> -> memref<200xf32, #tpu.memory_space<vmem>>
    %dma_start3A_71 = arith.constant 0 : i32
    %dma_start3A_72 = tpu.memref_slice %arg6[%dma_start3A_68, %dma_start3A_71] : memref<128x200xi32, #tpu.memory_space<vmem>> -> memref<1x200xi32, #tpu.memory_space<vmem>>
    %dma_start3A_73 = tpu.memref_squeeze %dma_start3A_72 : memref<1x200xi32, #tpu.memory_space<vmem>> -> memref<200xi32, #tpu.memory_space<vmem>>
    %dma_start3A_74 = arith.constant 0 : i32
    %dma_start3A_75 = tpu.memref_slice %arg4[%dma_start3A_74] : memref<1000000xf32, #tpu.memory_space<hbm>> -> memref<1000000xf32, #tpu.memory_space<hbm>>
    tpu.enqueue_indirect_dma source(%dma_start3A_75 : memref<1000000xf32, #tpu.memory_space<hbm>>) target(%dma_start3A_70 : memref<200xf32, #tpu.memory_space<vmem>>) offsets(%dma_start3A_73 : memref<200xi32, #tpu.memory_space<vmem>>) semaphore(%arg20 : memref<!tpu.dma_semaphore, #tpu.memory_space<semaphore_mem>>)
    %scan3A = arith.constant 0 : i32
    %scan3A_76 = arith.constant 0 : i32
    %scan3A_77 = arith.constant 32 : i32
    %scan3A_78 = arith.addi %scan3A_76, %scan3A_77 : i32
    %scan3A_79 = arith.constant 1 : i32
    scf.for %scan3A_81 = %scan3A_76 to %scan3A_78 step %scan3A_79  : i32 {
      %mul3A_82 = arith.constant 4 : i32
      %mul3A_83 = arith.muli %scan3A_81, %mul3A_82 : i32
      %add3A_84 = arith.constant 0 : i32
      %add3A_85 = arith.addi %mul3A_83, %add3A_84 : i32
      %dma_wait3A = arith.constant 0 : i32
      %dma_wait3A_86 = tpu.memref_slice %arg6[%add3A_85, %dma_wait3A] : memref<128x200xi32, #tpu.memory_space<vmem>> -> memref<1x200xi32, #tpu.memory_space<vmem>>
      %dma_wait3A_87 = tpu.memref_squeeze %dma_wait3A_86 : memref<1x200xi32, #tpu.memory_space<vmem>> -> memref<200xi32, #tpu.memory_space<vmem>>
      %dma_wait3A_88 = arith.constant 0 : i32
      %dma_wait3A_89 = arith.constant 0 : i32
      %dma_wait3A_90 = tpu.memref_slice %arg3[%dma_wait3A_88, %dma_wait3A_89] : memref<1000000x64xf32, #tpu.memory_space<hbm>> -> memref<1000000x64xf32, #tpu.memory_space<hbm>>
      tpu.wait_indirect_dma semaphore(%arg17 : memref<!tpu.dma_semaphore, #tpu.memory_space<semaphore_mem>>) src(%dma_wait3A_90 : memref<1000000x64xf32, #tpu.memory_space<hbm>>) dst(%arg11 : memref<200x64xf32, #tpu.memory_space<vmem>>)
      %dma_wait3A_91 = arith.constant 0 : i32
      %dma_wait3A_92 = tpu.memref_slice %arg7[%dma_wait3A_91] : memref<224xf32, #tpu.memory_space<vmem>> -> memref<200xf32, #tpu.memory_space<vmem>>
      %dma_wait3A_93 = arith.constant 0 : i32
      %dma_wait3A_94 = tpu.memref_slice %arg6[%add3A_85, %dma_wait3A_93] : memref<128x200xi32, #tpu.memory_space<vmem>> -> memref<1x200xi32, #tpu.memory_space<vmem>>
      %dma_wait3A_95 = tpu.memref_squeeze %dma_wait3A_94 : memref<1x200xi32, #tpu.memory_space<vmem>> -> memref<200xi32, #tpu.memory_space<vmem>>
      %dma_wait3A_96 = arith.constant 0 : i32
      %dma_wait3A_97 = tpu.memref_slice %arg4[%dma_wait3A_96] : memref<1000000xf32, #tpu.memory_space<hbm>> -> memref<1000000xf32, #tpu.memory_space<hbm>>
      tpu.wait_indirect_dma semaphore(%arg17 : memref<!tpu.dma_semaphore, #tpu.memory_space<semaphore_mem>>) src(%dma_wait3A_97 : memref<1000000xf32, #tpu.memory_space<hbm>>) dst(%dma_wait3A_92 : memref<200xf32, #tpu.memory_space<vmem>>)
      %broadcast_in_dim3A_98 = arith.constant -1.000000e+30 : f32
      %broadcast_in_dim3A_99 = vector.broadcast %broadcast_in_dim3A_98 : f32 to vector<16xf32>
      %scan3A_100 = arith.constant 0 : i32
      %scan3A_101 = arith.constant 13 : i32
      %scan3A_102 = arith.addi %scan3A_100, %scan3A_101 : i32
      %scan3A_103 = arith.constant 1 : i32
      %scan3A_104 = scf.for %scan3A_567 = %scan3A_100 to %scan3A_102 step %scan3A_103 iter_args(%scan3A_568 = %broadcast_in_dim3A_99) -> (vector<16xf32>)  : i32 {
        %mul3A_569 = arith.constant 16 : i32
        %mul3A_570 = arith.muli %scan3A_567, %mul3A_569 : i32
        %get3A = arith.index_cast %mul3A_570 : i32 to index
        %get3A_571 = tpu.vector_load %arg7[%get3A] {strides = array<i32>} : memref<224xf32, #tpu.memory_space<vmem>>, vector<16xf32>,
        %max3A_572 = arith.maximumf %scan3A_568, %get3A_571 : vector<16xf32>
        scf.yield %max3A_572 : vector<16xf32>
      }
      %scan3A_105 = arith.constant 13 : i32
      %iota3A = tpu.iota {dimensions = array<i32: 0>} : vector<16xi32>
      %xor3A = arith.constant 1 : i32
      %xor3A_106 = vector.broadcast %xor3A : i32 to vector<16xi32>
      %xor3A_107 = arith.xori %iota3A, %xor3A_106 : vector<16xi32>
      %broadcast_in_dim3A_108 = vector.shape_cast %xor3A_107 : vector<16xi32> to vector<16x1xi32>
      %gather3A = vector.shape_cast %broadcast_in_dim3A_108 : vector<16x1xi32> to vector<16xi32>
      %gather3A_109 = tpu.dynamic_gather %scan3A_104[%gather3A] in [0] : vector<16xf32>, vector<16xi32> -> vector<16xf32>
      %max3A = arith.maximumf %scan3A_104, %gather3A_109 : vector<16xf32>
      %xor3A_110 = arith.constant 2 : i32
      %xor3A_111 = vector.broadcast %xor3A_110 : i32 to vector<16xi32>
      %xor3A_112 = arith.xori %iota3A, %xor3A_111 : vector<16xi32>
      %broadcast_in_dim3A_113 = vector.shape_cast %xor3A_112 : vector<16xi32> to vector<16x1xi32>
      %gather3A_114 = vector.shape_cast %broadcast_in_dim3A_113 : vector<16x1xi32> to vector<16xi32>
      %gather3A_115 = tpu.dynamic_gather %max3A[%gather3A_114] in [0] : vector<16xf32>, vector<16xi32> -> vector<16xf32>
      %max3A_116 = arith.maximumf %max3A, %gather3A_115 : vector<16xf32>
      %xor3A_117 = arith.constant 4 : i32
      %xor3A_118 = vector.broadcast %xor3A_117 : i32 to vector<16xi32>
      %xor3A_119 = arith.xori %iota3A, %xor3A_118 : vector<16xi32>
      %broadcast_in_dim3A_120 = vector.shape_cast %xor3A_119 : vector<16xi32> to vector<16x1xi32>
      %gather3A_121 = vector.shape_cast %broadcast_in_dim3A_120 : vector<16x1xi32> to vector<16xi32>
      %gather3A_122 = tpu.dynamic_gather %max3A_116[%gather3A_121] in [0] : vector<16xf32>, vector<16xi32> -> vector<16xf32>
      %max3A_123 = arith.maximumf %max3A_116, %gather3A_122 : vector<16xf32>
      %xor3A_124 = arith.constant 8 : i32
      %xor3A_125 = vector.broadcast %xor3A_124 : i32 to vector<16xi32>
      %xor3A_126 = arith.xori %iota3A, %xor3A_125 : vector<16xi32>
      %broadcast_in_dim3A_127 = vector.shape_cast %xor3A_126 : vector<16xi32> to vector<16x1xi32>
      %gather3A_128 = vector.shape_cast %broadcast_in_dim3A_127 : vector<16x1xi32> to vector<16xi32>
      %gather3A_129 = tpu.dynamic_gather %max3A_123[%gather3A_128] in [0] : vector<16xf32>, vector<16xi32> -> vector<16xf32>
      %max3A_130 = arith.maximumf %max3A_123, %gather3A_129 : vector<16xf32>
      %broadcast_in_dim3A_131 = arith.constant 0.000000e+00 : f32
      %broadcast_in_dim3A_132 = vector.broadcast %broadcast_in_dim3A_131 : f32 to vector<16xf32>
      %scan3A_133 = arith.constant 0 : i32
      %scan3A_134 = arith.constant 13 : i32
      %scan3A_135 = arith.addi %scan3A_133, %scan3A_134 : i32
      %scan3A_136 = arith.constant 1 : i32
      %scan3A_137 = scf.for %scan3A_567 = %scan3A_133 to %scan3A_135 step %scan3A_136 iter_args(%scan3A_568 = %broadcast_in_dim3A_132) -> (vector<16xf32>)  : i32 {
        %mul3A_569 = arith.constant 16 : i32
        %mul3A_570 = arith.muli %scan3A_567, %mul3A_569 : i32
        %get3A = arith.index_cast %mul3A_570 : i32 to index
        %get3A_571 = tpu.vector_load %arg7[%get3A] {strides = array<i32>} : memref<224xf32, #tpu.memory_space<vmem>>, vector<16xf32>,
        %sub3A = arith.subf %get3A_571, %max3A_130 : vector<16xf32>
        %exp3A = math.exp %sub3A : vector<16xf32>
        %mul3A_572 = arith.constant 16 : i32
        %mul3A_573 = arith.muli %scan3A_567, %mul3A_572 : i32
        %swap3A_574 = arith.index_cast %mul3A_573 : i32 to index
        %swap3A_575 = tpu.vector_load %arg15[%swap3A_574] {strides = array<i32>} : memref<224xf32, #tpu.memory_space<vmem>>, vector<16xf32>,
        tpu.vector_store %arg15[%swap3A_574], %exp3A {strides = array<i32>} : memref<224xf32, #tpu.memory_space<vmem>>, vector<16xf32>,
        %add3A_576 = arith.addf %scan3A_568, %exp3A : vector<16xf32>
        scf.yield %add3A_576 : vector<16xf32>
      }
      %scan3A_138 = arith.constant 13 : i32
      %iota3A_139 = tpu.iota {dimensions = array<i32: 0>} : vector<16xi32>
      %xor3A_140 = arith.constant 1 : i32
      %xor3A_141 = vector.broadcast %xor3A_140 : i32 to vector<16xi32>
      %xor3A_142 = arith.xori %iota3A_139, %xor3A_141 : vector<16xi32>
      %broadcast_in_dim3A_143 = vector.shape_cast %xor3A_142 : vector<16xi32> to vector<16x1xi32>
      %gather3A_144 = vector.shape_cast %broadcast_in_dim3A_143 : vector<16x1xi32> to vector<16xi32>
      %gather3A_145 = tpu.dynamic_gather %scan3A_137[%gather3A_144] in [0] : vector<16xf32>, vector<16xi32> -> vector<16xf32>
      %add3A_146 = arith.addf %scan3A_137, %gather3A_145 : vector<16xf32>
      %xor3A_147 = arith.constant 2 : i32
      %xor3A_148 = vector.broadcast %xor3A_147 : i32 to vector<16xi32>
      %xor3A_149 = arith.xori %iota3A_139, %xor3A_148 : vector<16xi32>
      %broadcast_in_dim3A_150 = vector.shape_cast %xor3A_149 : vector<16xi32> to vector<16x1xi32>
      %gather3A_151 = vector.shape_cast %broadcast_in_dim3A_150 : vector<16x1xi32> to vector<16xi32>
      %gather3A_152 = tpu.dynamic_gather %add3A_146[%gather3A_151] in [0] : vector<16xf32>, vector<16xi32> -> vector<16xf32>
      %add3A_153 = arith.addf %add3A_146, %gather3A_152 : vector<16xf32>
      %xor3A_154 = arith.constant 4 : i32
      %xor3A_155 = vector.broadcast %xor3A_154 : i32 to vector<16xi32>
      %xor3A_156 = arith.xori %iota3A_139, %xor3A_155 : vector<16xi32>
      %broadcast_in_dim3A_157 = vector.shape_cast %xor3A_156 : vector<16xi32> to vector<16x1xi32>
      %gather3A_158 = vector.shape_cast %broadcast_in_dim3A_157 : vector<16x1xi32> to vector<16xi32>
      %gather3A_159 = tpu.dynamic_gather %add3A_153[%gather3A_158] in [0] : vector<16xf32>, vector<16xi32> -> vector<16xf32>
      %add3A_160 = arith.addf %add3A_153, %gather3A_159 : vector<16xf32>
      %xor3A_161 = arith.constant 8 : i32
      %xor3A_162 = vector.broadcast %xor3A_161 : i32 to vector<16xi32>
      %xor3A_163 = arith.xori %iota3A_139, %xor3A_162 : vector<16xi32>
      %broadcast_in_dim3A_164 = vector.shape_cast %xor3A_163 : vector<16xi32> to vector<16x1xi32>
      %gather3A_165 = vector.shape_cast %broadcast_in_dim3A_164 : vector<16x1xi32> to vector<16xi32>
      %gather3A_166 = tpu.dynamic_gather %add3A_160[%gather3A_165] in [0] : vector<16xf32>, vector<16xi32> -> vector<16xf32>
      %add3A_167 = arith.addf %add3A_160, %gather3A_166 : vector<16xf32>
      %div3A = arith.constant 1.000000e+00 : f32
      %div3A_168 = vector.broadcast %div3A : f32 to vector<16xf32>
      %div3A_169 = arith.divf %div3A_168, %add3A_167 : vector<16xf32>
      %broadcast_in_dim3A_170 = arith.constant 0.000000e+00 : f32
      %broadcast_in_dim3A_171 = vector.broadcast %broadcast_in_dim3A_170 : f32 to vector<16xf32>
      %scan3A_172 = arith.constant 0 : i32
      %scan3A_173 = arith.constant 25 : i32
      %scan3A_174 = arith.addi %scan3A_172, %scan3A_173 : i32
      %scan3A_175 = arith.constant 1 : i32
      %scan3A_176:4 = scf.for %scan3A_567 = %scan3A_172 to %scan3A_174 step %scan3A_175 iter_args(%scan3A_568 = %broadcast_in_dim3A_171, %scan3A_569 = %broadcast_in_dim3A_171, %scan3A_570 = %broadcast_in_dim3A_171, %scan3A_571 = %broadcast_in_dim3A_171) -> (vector<16xf32>, vector<16xf32>, vector<16xf32>, vector<16xf32>)  : i32 {
        %mul3A_572 = arith.constant 8 : i32
        %mul3A_573 = arith.muli %scan3A_567, %mul3A_572 : i32
        %add3A_574 = arith.constant 0 : i32
        %add3A_575 = arith.addi %mul3A_573, %add3A_574 : i32
        %broadcast_in_dim3A_576 = vector.broadcast %add3A_575 : i32 to vector<16xi32>
        %gather3A_577 = tpu.vector_load_idx %arg15[%broadcast_in_dim3A_576] : memref<224xf32, #tpu.memory_space<vmem>>[vector<16xi32>], vector<16xf32>,
        %get3A = arith.index_cast %add3A_575 : i32 to index
        %get3A_578 = arith.constant 0 : index
        %get3A_579 = tpu.vector_load %arg11[%get3A, %get3A_578] {strides = array<i32>} : memref<200x64xf32, #tpu.memory_space<vmem>>, vector<16xf32>,
        %mul3A_580 = arith.mulf %gather3A_577, %get3A_579 : vector<16xf32>
        %add3A_581 = arith.addf %scan3A_568, %mul3A_580 : vector<16xf32>
        %get3A_582 = arith.index_cast %add3A_575 : i32 to index
        %get3A_583 = arith.constant 16 : index
        %get3A_584 = tpu.vector_load %arg11[%get3A_582, %get3A_583] {strides = array<i32>} : memref<200x64xf32, #tpu.memory_space<vmem>>, vector<16xf32>,
        %mul3A_585 = arith.mulf %gather3A_577, %get3A_584 : vector<16xf32>
        %add3A_586 = arith.addf %scan3A_569, %mul3A_585 : vector<16xf32>
        %get3A_587 = arith.index_cast %add3A_575 : i32 to index
        %get3A_588 = arith.constant 32 : index
        %get3A_589 = tpu.vector_load %arg11[%get3A_587, %get3A_588] {strides = array<i32>} : memref<200x64xf32, #tpu.memory_space<vmem>>, vector<16xf32>,
        %mul3A_590 = arith.mulf %gather3A_577, %get3A_589 : vector<16xf32>
        %add3A_591 = arith.addf %scan3A_570, %mul3A_590 : vector<16xf32>
        %get3A_592 = arith.index_cast %add3A_575 : i32 to index
        %get3A_593 = arith.constant 48 : index
        %get3A_594 = tpu.vector_load %arg11[%get3A_592, %get3A_593] {strides = array<i32>} : memref<200x64xf32, #tpu.memory_space<vmem>>, vector<16xf32>,
        %mul3A_595 = arith.mulf %gather3A_577, %get3A_594 : vector<16xf32>
        %add3A_596 = arith.addf %scan3A_571, %mul3A_595 : vector<16xf32>
        %add3A_597 = arith.constant 1 : i32
        %add3A_598 = arith.addi %mul3A_573, %add3A_597 : i32
        %broadcast_in_dim3A_599 = vector.broadcast %add3A_598 : i32 to vector<16xi32>
        %gather3A_600 = tpu.vector_load_idx %arg15[%broadcast_in_dim3A_599] : memref<224xf32, #tpu.memory_space<vmem>>[vector<16xi32>], vector<16xf32>,
        %get3A_601 = arith.index_cast %add3A_598 : i32 to index
        %get3A_602 = arith.constant 0 : index
        %get3A_603 = tpu.vector_load %arg11[%get3A_601, %get3A_602] {strides = array<i32>} : memref<200x64xf32, #tpu.memory_space<vmem>>, vector<16xf32>,
        %mul3A_604 = arith.mulf %gather3A_600, %get3A_603 : vector<16xf32>
        %add3A_605 = arith.addf %add3A_581, %mul3A_604 : vector<16xf32>
        %get3A_606 = arith.index_cast %add3A_598 : i32 to index
        %get3A_607 = arith.constant 16 : index
        %get3A_608 = tpu.vector_load %arg11[%get3A_606, %get3A_607] {strides = array<i32>} : memref<200x64xf32, #tpu.memory_space<vmem>>, vector<16xf32>,
        %mul3A_609 = arith.mulf %gather3A_600, %get3A_608 : vector<16xf32>
        %add3A_610 = arith.addf %add3A_586, %mul3A_609 : vector<16xf32>
        %get3A_611 = arith.index_cast %add3A_598 : i32 to index
        %get3A_612 = arith.constant 32 : index
        %get3A_613 = tpu.vector_load %arg11[%get3A_611, %get3A_612] {strides = array<i32>} : memref<200x64xf32, #tpu.memory_space<vmem>>, vector<16xf32>,
        %mul3A_614 = arith.mulf %gather3A_600, %get3A_613 : vector<16xf32>
        %add3A_615 = arith.addf %add3A_591, %mul3A_614 : vector<16xf32>
        %get3A_616 = arith.index_cast %add3A_598 : i32 to index
        %get3A_617 = arith.constant 48 : index
        %get3A_618 = tpu.vector_load %arg11[%get3A_616, %get3A_617] {strides = array<i32>} : memref<200x64xf32, #tpu.memory_space<vmem>>, vector<16xf32>,
        %mul3A_619 = arith.mulf %gather3A_600, %get3A_618 : vector<16xf32>
        %add3A_620 = arith.addf %add3A_596, %mul3A_619 : vector<16xf32>
        %add3A_621 = arith.constant 2 : i32
        %add3A_622 = arith.addi %mul3A_573, %add3A_621 : i32
        %broadcast_in_dim3A_623 = vector.broadcast %add3A_622 : i32 to vector<16xi32>
        %gather3A_624 = tpu.vector_load_idx %arg15[%broadcast_in_dim3A_623] : memref<224xf32, #tpu.memory_space<vmem>>[vector<16xi32>], vector<16xf32>,
        %get3A_625 = arith.index_cast %add3A_622 : i32 to index
        %get3A_626 = arith.constant 0 : index
        %get3A_627 = tpu.vector_load %arg11[%get3A_625, %get3A_626] {strides = array<i32>} : memref<200x64xf32, #tpu.memory_space<vmem>>, vector<16xf32>,
        %mul3A_628 = arith.mulf %gather3A_624, %get3A_627 : vector<16xf32>
        %add3A_629 = arith.addf %add3A_605, %mul3A_628 : vector<16xf32>
        %get3A_630 = arith.index_cast %add3A_622 : i32 to index
        %get3A_631 = arith.constant 16 : index
        %get3A_632 = tpu.vector_load %arg11[%get3A_630, %get3A_631] {strides = array<i32>} : memref<200x64xf32, #tpu.memory_space<vmem>>, vector<16xf32>,
        %mul3A_633 = arith.mulf %gather3A_624, %get3A_632 : vector<16xf32>
        %add3A_634 = arith.addf %add3A_610, %mul3A_633 : vector<16xf32>
        %get3A_635 = arith.index_cast %add3A_622 : i32 to index
        %get3A_636 = arith.constant 32 : index
        %get3A_637 = tpu.vector_load %arg11[%get3A_635, %get3A_636] {strides = array<i32>} : memref<200x64xf32, #tpu.memory_space<vmem>>, vector<16xf32>,
        %mul3A_638 = arith.mulf %gather3A_624, %get3A_637 : vector<16xf32>
        %add3A_639 = arith.addf %add3A_615, %mul3A_638 : vector<16xf32>
        %get3A_640 = arith.index_cast %add3A_622 : i32 to index
        %get3A_641 = arith.constant 48 : index
        %get3A_642 = tpu.vector_load %arg11[%get3A_640, %get3A_641] {strides = array<i32>} : memref<200x64xf32, #tpu.memory_space<vmem>>, vector<16xf32>,
        %mul3A_643 = arith.mulf %gather3A_624, %get3A_642 : vector<16xf32>
        %add3A_644 = arith.addf %add3A_620, %mul3A_643 : vector<16xf32>
        %add3A_645 = arith.constant 3 : i32
        %add3A_646 = arith.addi %mul3A_573, %add3A_645 : i32
        %broadcast_in_dim3A_647 = vector.broadcast %add3A_646 : i32 to vector<16xi32>
        %gather3A_648 = tpu.vector_load_idx %arg15[%broadcast_in_dim3A_647] : memref<224xf32, #tpu.memory_space<vmem>>[vector<16xi32>], vector<16xf32>,
        %get3A_649 = arith.index_cast %add3A_646 : i32 to index
        %get3A_650 = arith.constant 0 : index
        %get3A_651 = tpu.vector_load %arg11[%get3A_649, %get3A_650] {strides = array<i32>} : memref<200x64xf32, #tpu.memory_space<vmem>>, vector<16xf32>,
        %mul3A_652 = arith.mulf %gather3A_648, %get3A_651 : vector<16xf32>
        %add3A_653 = arith.addf %add3A_629, %mul3A_652 : vector<16xf32>
        %get3A_654 = arith.index_cast %add3A_646 : i32 to index
        %get3A_655 = arith.constant 16 : index
        %get3A_656 = tpu.vector_load %arg11[%get3A_654, %get3A_655] {strides = array<i32>} : memref<200x64xf32, #tpu.memory_space<vmem>>, vector<16xf32>,
        %mul3A_657 = arith.mulf %gather3A_648, %get3A_656 : vector<16xf32>
        %add3A_658 = arith.addf %add3A_634, %mul3A_657 : vector<16xf32>
        %get3A_659 = arith.index_cast %add3A_646 : i32 to index
        %get3A_660 = arith.constant 32 : index
        %get3A_661 = tpu.vector_load %arg11[%get3A_659, %get3A_660] {strides = array<i32>} : memref<200x64xf32, #tpu.memory_space<vmem>>, vector<16xf32>,
        %mul3A_662 = arith.mulf %gather3A_648, %get3A_661 : vector<16xf32>
        %add3A_663 = arith.addf %add3A_639, %mul3A_662 : vector<16xf32>
        %get3A_664 = arith.index_cast %add3A_646 : i32 to index
        %get3A_665 = arith.constant 48 : index
        %get3A_666 = tpu.vector_load %arg11[%get3A_664, %get3A_665] {strides = array<i32>} : memref<200x64xf32, #tpu.memory_space<vmem>>, vector<16xf32>,
        %mul3A_667 = arith.mulf %gather3A_648, %get3A_666 : vector<16xf32>
        %add3A_668 = arith.addf %add3A_644, %mul3A_667 : vector<16xf32>
        %add3A_669 = arith.constant 4 : i32
        %add3A_670 = arith.addi %mul3A_573, %add3A_669 : i32
        %broadcast_in_dim3A_671 = vector.broadcast %add3A_670 : i32 to vector<16xi32>
        %gather3A_672 = tpu.vector_load_idx %arg15[%broadcast_in_dim3A_671] : memref<224xf32, #tpu.memory_space<vmem>>[vector<16xi32>], vector<16xf32>,
        %get3A_673 = arith.index_cast %add3A_670 : i32 to index
        %get3A_674 = arith.constant 0 : index
        %get3A_675 = tpu.vector_load %arg11[%get3A_673, %get3A_674] {strides = array<i32>} : memref<200x64xf32, #tpu.memory_space<vmem>>, vector<16xf32>,
        %mul3A_676 = arith.mulf %gather3A_672, %get3A_675 : vector<16xf32>
        %add3A_677 = arith.addf %add3A_653, %mul3A_676 : vector<16xf32>
        %get3A_678 = arith.index_cast %add3A_670 : i32 to index
        %get3A_679 = arith.constant 16 : index
        %get3A_680 = tpu.vector_load %arg11[%get3A_678, %get3A_679] {strides = array<i32>} : memref<200x64xf32, #tpu.memory_space<vmem>>, vector<16xf32>,
        %mul3A_681 = arith.mulf %gather3A_672, %get3A_680 : vector<16xf32>
        %add3A_682 = arith.addf %add3A_658, %mul3A_681 : vector<16xf32>
        %get3A_683 = arith.index_cast %add3A_670 : i32 to index
        %get3A_684 = arith.constant 32 : index
        %get3A_685 = tpu.vector_load %arg11[%get3A_683, %get3A_684] {strides = array<i32>} : memref<200x64xf32, #tpu.memory_space<vmem>>, vector<16xf32>,
        %mul3A_686 = arith.mulf %gather3A_672, %get3A_685 : vector<16xf32>
        %add3A_687 = arith.addf %add3A_663, %mul3A_686 : vector<16xf32>
        %get3A_688 = arith.index_cast %add3A_670 : i32 to index
        %get3A_689 = arith.constant 48 : index
        %get3A_690 = tpu.vector_load %arg11[%get3A_688, %get3A_689] {strides = array<i32>} : memref<200x64xf32, #tpu.memory_space<vmem>>, vector<16xf32>,
        %mul3A_691 = arith.mulf %gather3A_672, %get3A_690 : vector<16xf32>
        %add3A_692 = arith.addf %add3A_668, %mul3A_691 : vector<16xf32>
        %add3A_693 = arith.constant 5 : i32
        %add3A_694 = arith.addi %mul3A_573, %add3A_693 : i32
        %broadcast_in_dim3A_695 = vector.broadcast %add3A_694 : i32 to vector<16xi32>
        %gather3A_696 = tpu.vector_load_idx %arg15[%broadcast_in_dim3A_695] : memref<224xf32, #tpu.memory_space<vmem>>[vector<16xi32>], vector<16xf32>,
        %get3A_697 = arith.index_cast %add3A_694 : i32 to index
        %get3A_698 = arith.constant 0 : index
        %get3A_699 = tpu.vector_load %arg11[%get3A_697, %get3A_698] {strides = array<i32>} : memref<200x64xf32, #tpu.memory_space<vmem>>, vector<16xf32>,
        %mul3A_700 = arith.mulf %gather3A_696, %get3A_699 : vector<16xf32>
        %add3A_701 = arith.addf %add3A_677, %mul3A_700 : vector<16xf32>
        %get3A_702 = arith.index_cast %add3A_694 : i32 to index
        %get3A_703 = arith.constant 16 : index
        %get3A_704 = tpu.vector_load %arg11[%get3A_702, %get3A_703] {strides = array<i32>} : memref<200x64xf32, #tpu.memory_space<vmem>>, vector<16xf32>,
        %mul3A_705 = arith.mulf %gather3A_696, %get3A_704 : vector<16xf32>
        %add3A_706 = arith.addf %add3A_682, %mul3A_705 : vector<16xf32>
        %get3A_707 = arith.index_cast %add3A_694 : i32 to index
        %get3A_708 = arith.constant 32 : index
        %get3A_709 = tpu.vector_load %arg11[%get3A_707, %get3A_708] {strides = array<i32>} : memref<200x64xf32, #tpu.memory_space<vmem>>, vector<16xf32>,
        %mul3A_710 = arith.mulf %gather3A_696, %get3A_709 : vector<16xf32>
        %add3A_711 = arith.addf %add3A_687, %mul3A_710 : vector<16xf32>
        %get3A_712 = arith.index_cast %add3A_694 : i32 to index
        %get3A_713 = arith.constant 48 : index
        %get3A_714 = tpu.vector_load %arg11[%get3A_712, %get3A_713] {strides = array<i32>} : memref<200x64xf32, #tpu.memory_space<vmem>>, vector<16xf32>,
        %mul3A_715 = arith.mulf %gather3A_696, %get3A_714 : vector<16xf32>
        %add3A_716 = arith.addf %add3A_692, %mul3A_715 : vector<16xf32>
        %add3A_717 = arith.constant 6 : i32
        %add3A_718 = arith.addi %mul3A_573, %add3A_717 : i32
        %broadcast_in_dim3A_719 = vector.broadcast %add3A_718 : i32 to vector<16xi32>
        %gather3A_720 = tpu.vector_load_idx %arg15[%broadcast_in_dim3A_719] : memref<224xf32, #tpu.memory_space<vmem>>[vector<16xi32>], vector<16xf32>,
        %get3A_721 = arith.index_cast %add3A_718 : i32 to index
        %get3A_722 = arith.constant 0 : index
        %get3A_723 = tpu.vector_load %arg11[%get3A_721, %get3A_722] {strides = array<i32>} : memref<200x64xf32, #tpu.memory_space<vmem>>, vector<16xf32>,
        %mul3A_724 = arith.mulf %gather3A_720, %get3A_723 : vector<16xf32>
        %add3A_725 = arith.addf %add3A_701, %mul3A_724 : vector<16xf32>
        %get3A_726 = arith.index_cast %add3A_718 : i32 to index
        %get3A_727 = arith.constant 16 : index
        %get3A_728 = tpu.vector_load %arg11[%get3A_726, %get3A_727] {strides = array<i32>} : memref<200x64xf32, #tpu.memory_space<vmem>>, vector<16xf32>,
        %mul3A_729 = arith.mulf %gather3A_720, %get3A_728 : vector<16xf32>
        %add3A_730 = arith.addf %add3A_706, %mul3A_729 : vector<16xf32>
        %get3A_731 = arith.index_cast %add3A_718 : i32 to index
        %get3A_732 = arith.constant 32 : index
        %get3A_733 = tpu.vector_load %arg11[%get3A_731, %get3A_732] {strides = array<i32>} : memref<200x64xf32, #tpu.memory_space<vmem>>, vector<16xf32>,
        %mul3A_734 = arith.mulf %gather3A_720, %get3A_733 : vector<16xf32>
        %add3A_735 = arith.addf %add3A_711, %mul3A_734 : vector<16xf32>
        %get3A_736 = arith.index_cast %add3A_718 : i32 to index
        %get3A_737 = arith.constant 48 : index
        %get3A_738 = tpu.vector_load %arg11[%get3A_736, %get3A_737] {strides = array<i32>} : memref<200x64xf32, #tpu.memory_space<vmem>>, vector<16xf32>,
        %mul3A_739 = arith.mulf %gather3A_720, %get3A_738 : vector<16xf32>
        %add3A_740 = arith.addf %add3A_716, %mul3A_739 : vector<16xf32>
        %add3A_741 = arith.constant 7 : i32
        %add3A_742 = arith.addi %mul3A_573, %add3A_741 : i32
        %broadcast_in_dim3A_743 = vector.broadcast %add3A_742 : i32 to vector<16xi32>
        %gather3A_744 = tpu.vector_load_idx %arg15[%broadcast_in_dim3A_743] : memref<224xf32, #tpu.memory_space<vmem>>[vector<16xi32>], vector<16xf32>,
        %get3A_745 = arith.index_cast %add3A_742 : i32 to index
        %get3A_746 = arith.constant 0 : index
        %get3A_747 = tpu.vector_load %arg11[%get3A_745, %get3A_746] {strides = array<i32>} : memref<200x64xf32, #tpu.memory_space<vmem>>, vector<16xf32>,
        %mul3A_748 = arith.mulf %gather3A_744, %get3A_747 : vector<16xf32>
        %add3A_749 = arith.addf %add3A_725, %mul3A_748 : vector<16xf32>
        %get3A_750 = arith.index_cast %add3A_742 : i32 to index
        %get3A_751 = arith.constant 16 : index
        %get3A_752 = tpu.vector_load %arg11[%get3A_750, %get3A_751] {strides = array<i32>} : memref<200x64xf32, #tpu.memory_space<vmem>>, vector<16xf32>,
        %mul3A_753 = arith.mulf %gather3A_744, %get3A_752 : vector<16xf32>
        %add3A_754 = arith.addf %add3A_730, %mul3A_753 : vector<16xf32>
        %get3A_755 = arith.index_cast %add3A_742 : i32 to index
        %get3A_756 = arith.constant 32 : index
        %get3A_757 = tpu.vector_load %arg11[%get3A_755, %get3A_756] {strides = array<i32>} : memref<200x64xf32, #tpu.memory_space<vmem>>, vector<16xf32>,
        %mul3A_758 = arith.mulf %gather3A_744, %get3A_757 : vector<16xf32>
        %add3A_759 = arith.addf %add3A_735, %mul3A_758 : vector<16xf32>
        %get3A_760 = arith.index_cast %add3A_742 : i32 to index
        %get3A_761 = arith.constant 48 : index
        %get3A_762 = tpu.vector_load %arg11[%get3A_760, %get3A_761] {strides = array<i32>} : memref<200x64xf32, #tpu.memory_space<vmem>>, vector<16xf32>,
        %mul3A_763 = arith.mulf %gather3A_744, %get3A_762 : vector<16xf32>
        %add3A_764 = arith.addf %add3A_740, %mul3A_763 : vector<16xf32>
        scf.yield %add3A_749, %add3A_754, %add3A_759, %add3A_764 : vector<16xf32>, vector<16xf32>, vector<16xf32>, vector<16xf32>
      }
      %scan3A_177 = arith.constant 25 : i32
      %mul3A_178 = arith.mulf %scan3A_176#0, %div3A_169 : vector<16xf32>
      %swap3A_179 = arith.index_cast %add3A_85 : i32 to index
      %swap3A_180 = arith.constant 0 : index
      %swap3A_181 = tpu.vector_load %arg16[%swap3A_179, %swap3A_180] {strides = array<i32>} : memref<128x64xf32, #tpu.memory_space<vmem>>, vector<16xf32>,
      tpu.vector_store %arg16[%swap3A_179, %swap3A_180], %mul3A_178 {strides = array<i32>} : memref<128x64xf32, #tpu.memory_space<vmem>>, vector<16xf32>,
      %mul3A_182 = arith.mulf %scan3A_176#1, %div3A_169 : vector<16xf32>
      %swap3A_183 = arith.index_cast %add3A_85 : i32 to index
      %swap3A_184 = arith.constant 16 : index
      %swap3A_185 = tpu.vector_load %arg16[%swap3A_183, %swap3A_184] {strides = array<i32>} : memref<128x64xf32, #tpu.memory_space<vmem>>, vector<16xf32>,
      tpu.vector_store %arg16[%swap3A_183, %swap3A_184], %mul3A_182 {strides = array<i32>} : memref<128x64xf32, #tpu.memory_space<vmem>>, vector<16xf32>,
      %mul3A_186 = arith.mulf %scan3A_176#2, %div3A_169 : vector<16xf32>
      %swap3A_187 = arith.index_cast %add3A_85 : i32 to index
      %swap3A_188 = arith.constant 32 : index
      %swap3A_189 = tpu.vector_load %arg16[%swap3A_187, %swap3A_188] {strides = array<i32>} : memref<128x64xf32, #tpu.memory_space<vmem>>, vector<16xf32>,
      tpu.vector_store %arg16[%swap3A_187, %swap3A_188], %mul3A_186 {strides = array<i32>} : memref<128x64xf32, #tpu.memory_space<vmem>>, vector<16xf32>,
      %mul3A_190 = arith.mulf %scan3A_176#3, %div3A_169 : vector<16xf32>
      %swap3A_191 = arith.index_cast %add3A_85 : i32 to index
      %swap3A_192 = arith.constant 48 : index
      %swap3A_193 = tpu.vector_load %arg16[%swap3A_191, %swap3A_192] {strides = array<i32>} : memref<128x64xf32, #tpu.memory_space<vmem>>, vector<16xf32>,
      tpu.vector_store %arg16[%swap3A_191, %swap3A_192], %mul3A_190 {strides = array<i32>} : memref<128x64xf32, #tpu.memory_space<vmem>>, vector<16xf32>,
      %add3A_194 = arith.constant 4 : i32
      %add3A_195 = arith.addi %add3A_85, %add3A_194 : i32
      %lt3A = arith.constant 128 : i32
      %lt3A_196 = arith.cmpi slt, %add3A_195, %lt3A : i32
      %convert_element_type3A = arith.extui %lt3A_196 : i1 to i32
      %cond3A = arith.constant 0 : i32
      %cond3A_197 = arith.cmpi ne, %convert_element_type3A, %cond3A : i32
      scf.if %cond3A_197 {
        %dma_start3A_567 = arith.constant 0 : i32
        %dma_start3A_568 = tpu.memref_slice %arg6[%add3A_195, %dma_start3A_567] : memref<128x200xi32, #tpu.memory_space<vmem>> -> memref<1x200xi32, #tpu.memory_space<vmem>>
        %dma_start3A_569 = tpu.memref_squeeze %dma_start3A_568 : memref<1x200xi32, #tpu.memory_space<vmem>> -> memref<200xi32, #tpu.memory_space<vmem>>
        %dma_start3A_570 = arith.constant 0 : i32
        %dma_start3A_571 = arith.constant 0 : i32
        %dma_start3A_572 = tpu.memref_slice %arg3[%dma_start3A_570, %dma_start3A_571] : memref<1000000x64xf32, #tpu.memory_space<hbm>> -> memref<1000000x64xf32, #tpu.memory_space<hbm>>
        tpu.enqueue_indirect_dma source(%dma_start3A_572 : memref<1000000x64xf32, #tpu.memory_space<hbm>>) target(%arg11 : memref<200x64xf32, #tpu.memory_space<vmem>>) offsets(%dma_start3A_569 : memref<200xi32, #tpu.memory_space<vmem>>) semaphore(%arg17 : memref<!tpu.dma_semaphore, #tpu.memory_space<semaphore_mem>>)
        %dma_start3A_573 = arith.constant 0 : i32
        %dma_start3A_574 = tpu.memref_slice %arg7[%dma_start3A_573] : memref<224xf32, #tpu.memory_space<vmem>> -> memref<200xf32, #tpu.memory_space<vmem>>
        %dma_start3A_575 = arith.constant 0 : i32
        %dma_start3A_576 = tpu.memref_slice %arg6[%add3A_195, %dma_start3A_575] : memref<128x200xi32, #tpu.memory_space<vmem>> -> memref<1x200xi32, #tpu.memory_space<vmem>>
        %dma_start3A_577 = tpu.memref_squeeze %dma_start3A_576 : memref<1x200xi32, #tpu.memory_space<vmem>> -> memref<200xi32, #tpu.memory_space<vmem>>
        %dma_start3A_578 = arith.constant 0 : i32
        %dma_start3A_579 = tpu.memref_slice %arg4[%dma_start3A_578] : memref<1000000xf32, #tpu.memory_space<hbm>> -> memref<1000000xf32, #tpu.memory_space<hbm>>
        tpu.enqueue_indirect_dma source(%dma_start3A_579 : memref<1000000xf32, #tpu.memory_space<hbm>>) target(%dma_start3A_574 : memref<200xf32, #tpu.memory_space<vmem>>) offsets(%dma_start3A_577 : memref<200xi32, #tpu.memory_space<vmem>>) semaphore(%arg17 : memref<!tpu.dma_semaphore, #tpu.memory_space<semaphore_mem>>)
      } else {
      }
      %add3A_198 = arith.constant 1 : i32
      %add3A_199 = arith.addi %mul3A_83, %add3A_198 : i32
      %dma_wait3A_200 = arith.constant 0 : i32
      %dma_wait3A_201 = tpu.memref_slice %arg6[%add3A_199, %dma_wait3A_200] : memref<128x200xi32, #tpu.memory_space<vmem>> -> memref<1x200xi32, #tpu.memory_space<vmem>>
      %dma_wait3A_202 = tpu.memref_squeeze %dma_wait3A_201 : memref<1x200xi32, #tpu.memory_space<vmem>> -> memref<200xi32, #tpu.memory_space<vmem>>
      %dma_wait3A_203 = arith.constant 0 : i32
      %dma_wait3A_204 = arith.constant 0 : i32
      %dma_wait3A_205 = tpu.memref_slice %arg3[%dma_wait3A_203, %dma_wait3A_204] : memref<1000000x64xf32, #tpu.memory_space<hbm>> -> memref<1000000x64xf32, #tpu.memory_space<hbm>>
      tpu.wait_indirect_dma semaphore(%arg18 : memref<!tpu.dma_semaphore, #tpu.memory_space<semaphore_mem>>) src(%dma_wait3A_205 : memref<1000000x64xf32, #tpu.memory_space<hbm>>) dst(%arg12 : memref<200x64xf32, #tpu.memory_space<vmem>>)
      %dma_wait3A_206 = arith.constant 0 : i32
      %dma_wait3A_207 = tpu.memref_slice %arg8[%dma_wait3A_206] : memref<224xf32, #tpu.memory_space<vmem>> -> memref<200xf32, #tpu.memory_space<vmem>>
      %dma_wait3A_208 = arith.constant 0 : i32
      %dma_wait3A_209 = tpu.memref_slice %arg6[%add3A_199, %dma_wait3A_208] : memref<128x200xi32, #tpu.memory_space<vmem>> -> memref<1x200xi32, #tpu.memory_space<vmem>>
      %dma_wait3A_210 = tpu.memref_squeeze %dma_wait3A_209 : memref<1x200xi32, #tpu.memory_space<vmem>> -> memref<200xi32, #tpu.memory_space<vmem>>
      %dma_wait3A_211 = arith.constant 0 : i32
      %dma_wait3A_212 = tpu.memref_slice %arg4[%dma_wait3A_211] : memref<1000000xf32, #tpu.memory_space<hbm>> -> memref<1000000xf32, #tpu.memory_space<hbm>>
      tpu.wait_indirect_dma semaphore(%arg18 : memref<!tpu.dma_semaphore, #tpu.memory_space<semaphore_mem>>) src(%dma_wait3A_212 : memref<1000000xf32, #tpu.memory_space<hbm>>) dst(%dma_wait3A_207 : memref<200xf32, #tpu.memory_space<vmem>>)
      %broadcast_in_dim3A_213 = arith.constant -1.000000e+30 : f32
      %broadcast_in_dim3A_214 = vector.broadcast %broadcast_in_dim3A_213 : f32 to vector<16xf32>
      %scan3A_215 = arith.constant 0 : i32
      %scan3A_216 = arith.constant 13 : i32
      %scan3A_217 = arith.addi %scan3A_215, %scan3A_216 : i32
      %scan3A_218 = arith.constant 1 : i32
      %scan3A_219 = scf.for %scan3A_567 = %scan3A_215 to %scan3A_217 step %scan3A_218 iter_args(%scan3A_568 = %broadcast_in_dim3A_214) -> (vector<16xf32>)  : i32 {
        %mul3A_569 = arith.constant 16 : i32
        %mul3A_570 = arith.muli %scan3A_567, %mul3A_569 : i32
        %get3A = arith.index_cast %mul3A_570 : i32 to index
        %get3A_571 = tpu.vector_load %arg8[%get3A] {strides = array<i32>} : memref<224xf32, #tpu.memory_space<vmem>>, vector<16xf32>,
        %max3A_572 = arith.maximumf %scan3A_568, %get3A_571 : vector<16xf32>
        scf.yield %max3A_572 : vector<16xf32>
      }
      %scan3A_220 = arith.constant 13 : i32
      %iota3A_221 = tpu.iota {dimensions = array<i32: 0>} : vector<16xi32>
      %xor3A_222 = arith.constant 1 : i32
      %xor3A_223 = vector.broadcast %xor3A_222 : i32 to vector<16xi32>
      %xor3A_224 = arith.xori %iota3A_221, %xor3A_223 : vector<16xi32>
      %broadcast_in_dim3A_225 = vector.shape_cast %xor3A_224 : vector<16xi32> to vector<16x1xi32>
      %gather3A_226 = vector.shape_cast %broadcast_in_dim3A_225 : vector<16x1xi32> to vector<16xi32>
      %gather3A_227 = tpu.dynamic_gather %scan3A_219[%gather3A_226] in [0] : vector<16xf32>, vector<16xi32> -> vector<16xf32>
      %max3A_228 = arith.maximumf %scan3A_219, %gather3A_227 : vector<16xf32>
      %xor3A_229 = arith.constant 2 : i32
      %xor3A_230 = vector.broadcast %xor3A_229 : i32 to vector<16xi32>
      %xor3A_231 = arith.xori %iota3A_221, %xor3A_230 : vector<16xi32>
      %broadcast_in_dim3A_232 = vector.shape_cast %xor3A_231 : vector<16xi32> to vector<16x1xi32>
      %gather3A_233 = vector.shape_cast %broadcast_in_dim3A_232 : vector<16x1xi32> to vector<16xi32>
      %gather3A_234 = tpu.dynamic_gather %max3A_228[%gather3A_233] in [0] : vector<16xf32>, vector<16xi32> -> vector<16xf32>
      %max3A_235 = arith.maximumf %max3A_228, %gather3A_234 : vector<16xf32>
      %xor3A_236 = arith.constant 4 : i32
      %xor3A_237 = vector.broadcast %xor3A_236 : i32 to vector<16xi32>
      %xor3A_238 = arith.xori %iota3A_221, %xor3A_237 : vector<16xi32>
      %broadcast_in_dim3A_239 = vector.shape_cast %xor3A_238 : vector<16xi32> to vector<16x1xi32>
      %gather3A_240 = vector.shape_cast %broadcast_in_dim3A_239 : vector<16x1xi32> to vector<16xi32>
      %gather3A_241 = tpu.dynamic_gather %max3A_235[%gather3A_240] in [0] : vector<16xf32>, vector<16xi32> -> vector<16xf32>
      %max3A_242 = arith.maximumf %max3A_235, %gather3A_241 : vector<16xf32>
      %xor3A_243 = arith.constant 8 : i32
      %xor3A_244 = vector.broadcast %xor3A_243 : i32 to vector<16xi32>
      %xor3A_245 = arith.xori %iota3A_221, %xor3A_244 : vector<16xi32>
      %broadcast_in_dim3A_246 = vector.shape_cast %xor3A_245 : vector<16xi32> to vector<16x1xi32>
      %gather3A_247 = vector.shape_cast %broadcast_in_dim3A_246 : vector<16x1xi32> to vector<16xi32>
      %gather3A_248 = tpu.dynamic_gather %max3A_242[%gather3A_247] in [0] : vector<16xf32>, vector<16xi32> -> vector<16xf32>
      %max3A_249 = arith.maximumf %max3A_242, %gather3A_248 : vector<16xf32>
      %broadcast_in_dim3A_250 = arith.constant 0.000000e+00 : f32
      %broadcast_in_dim3A_251 = vector.broadcast %broadcast_in_dim3A_250 : f32 to vector<16xf32>
      %scan3A_252 = arith.constant 0 : i32
      %scan3A_253 = arith.constant 13 : i32
      %scan3A_254 = arith.addi %scan3A_252, %scan3A_253 : i32
      %scan3A_255 = arith.constant 1 : i32
      %scan3A_256 = scf.for %scan3A_567 = %scan3A_252 to %scan3A_254 step %scan3A_255 iter_args(%scan3A_568 = %broadcast_in_dim3A_251) -> (vector<16xf32>)  : i32 {
        %mul3A_569 = arith.constant 16 : i32
        %mul3A_570 = arith.muli %scan3A_567, %mul3A_569 : i32
        %get3A = arith.index_cast %mul3A_570 : i32 to index
        %get3A_571 = tpu.vector_load %arg8[%get3A] {strides = array<i32>} : memref<224xf32, #tpu.memory_space<vmem>>, vector<16xf32>,
        %sub3A = arith.subf %get3A_571, %max3A_249 : vector<16xf32>
        %exp3A = math.exp %sub3A : vector<16xf32>
        %mul3A_572 = arith.constant 16 : i32
        %mul3A_573 = arith.muli %scan3A_567, %mul3A_572 : i32
        %swap3A_574 = arith.index_cast %mul3A_573 : i32 to index
        %swap3A_575 = tpu.vector_load %arg15[%swap3A_574] {strides = array<i32>} : memref<224xf32, #tpu.memory_space<vmem>>, vector<16xf32>,
        tpu.vector_store %arg15[%swap3A_574], %exp3A {strides = array<i32>} : memref<224xf32, #tpu.memory_space<vmem>>, vector<16xf32>,
        %add3A_576 = arith.addf %scan3A_568, %exp3A : vector<16xf32>
        scf.yield %add3A_576 : vector<16xf32>
      }
      %scan3A_257 = arith.constant 13 : i32
      %iota3A_258 = tpu.iota {dimensions = array<i32: 0>} : vector<16xi32>
      %xor3A_259 = arith.constant 1 : i32
      %xor3A_260 = vector.broadcast %xor3A_259 : i32 to vector<16xi32>
      %xor3A_261 = arith.xori %iota3A_258, %xor3A_260 : vector<16xi32>
      %broadcast_in_dim3A_262 = vector.shape_cast %xor3A_261 : vector<16xi32> to vector<16x1xi32>
      %gather3A_263 = vector.shape_cast %broadcast_in_dim3A_262 : vector<16x1xi32> to vector<16xi32>
      %gather3A_264 = tpu.dynamic_gather %scan3A_256[%gather3A_263] in [0] : vector<16xf32>, vector<16xi32> -> vector<16xf32>
      %add3A_265 = arith.addf %scan3A_256, %gather3A_264 : vector<16xf32>
      %xor3A_266 = arith.constant 2 : i32
      %xor3A_267 = vector.broadcast %xor3A_266 : i32 to vector<16xi32>
      %xor3A_268 = arith.xori %iota3A_258, %xor3A_267 : vector<16xi32>
      %broadcast_in_dim3A_269 = vector.shape_cast %xor3A_268 : vector<16xi32> to vector<16x1xi32>
      %gather3A_270 = vector.shape_cast %broadcast_in_dim3A_269 : vector<16x1xi32> to vector<16xi32>
      %gather3A_271 = tpu.dynamic_gather %add3A_265[%gather3A_270] in [0] : vector<16xf32>, vector<16xi32> -> vector<16xf32>
      %add3A_272 = arith.addf %add3A_265, %gather3A_271 : vector<16xf32>
      %xor3A_273 = arith.constant 4 : i32
      %xor3A_274 = vector.broadcast %xor3A_273 : i32 to vector<16xi32>
      %xor3A_275 = arith.xori %iota3A_258, %xor3A_274 : vector<16xi32>
      %broadcast_in_dim3A_276 = vector.shape_cast %xor3A_275 : vector<16xi32> to vector<16x1xi32>
      %gather3A_277 = vector.shape_cast %broadcast_in_dim3A_276 : vector<16x1xi32> to vector<16xi32>
      %gather3A_278 = tpu.dynamic_gather %add3A_272[%gather3A_277] in [0] : vector<16xf32>, vector<16xi32> -> vector<16xf32>
      %add3A_279 = arith.addf %add3A_272, %gather3A_278 : vector<16xf32>
      %xor3A_280 = arith.constant 8 : i32
      %xor3A_281 = vector.broadcast %xor3A_280 : i32 to vector<16xi32>
      %xor3A_282 = arith.xori %iota3A_258, %xor3A_281 : vector<16xi32>
      %broadcast_in_dim3A_283 = vector.shape_cast %xor3A_282 : vector<16xi32> to vector<16x1xi32>
      %gather3A_284 = vector.shape_cast %broadcast_in_dim3A_283 : vector<16x1xi32> to vector<16xi32>
      %gather3A_285 = tpu.dynamic_gather %add3A_279[%gather3A_284] in [0] : vector<16xf32>, vector<16xi32> -> vector<16xf32>
      %add3A_286 = arith.addf %add3A_279, %gather3A_285 : vector<16xf32>
      %div3A_287 = arith.constant 1.000000e+00 : f32
      %div3A_288 = vector.broadcast %div3A_287 : f32 to vector<16xf32>
      %div3A_289 = arith.divf %div3A_288, %add3A_286 : vector<16xf32>
      %broadcast_in_dim3A_290 = arith.constant 0.000000e+00 : f32
      %broadcast_in_dim3A_291 = vector.broadcast %broadcast_in_dim3A_290 : f32 to vector<16xf32>
      %scan3A_292 = arith.constant 0 : i32
      %scan3A_293 = arith.constant 25 : i32
      %scan3A_294 = arith.addi %scan3A_292, %scan3A_293 : i32
      %scan3A_295 = arith.constant 1 : i32
      %scan3A_296:4 = scf.for %scan3A_567 = %scan3A_292 to %scan3A_294 step %scan3A_295 iter_args(%scan3A_568 = %broadcast_in_dim3A_291, %scan3A_569 = %broadcast_in_dim3A_291, %scan3A_570 = %broadcast_in_dim3A_291, %scan3A_571 = %broadcast_in_dim3A_291) -> (vector<16xf32>, vector<16xf32>, vector<16xf32>, vector<16xf32>)  : i32 {
        %mul3A_572 = arith.constant 8 : i32
        %mul3A_573 = arith.muli %scan3A_567, %mul3A_572 : i32
        %add3A_574 = arith.constant 0 : i32
        %add3A_575 = arith.addi %mul3A_573, %add3A_574 : i32
        %broadcast_in_dim3A_576 = vector.broadcast %add3A_575 : i32 to vector<16xi32>
        %gather3A_577 = tpu.vector_load_idx %arg15[%broadcast_in_dim3A_576] : memref<224xf32, #tpu.memory_space<vmem>>[vector<16xi32>], vector<16xf32>,
        %get3A = arith.index_cast %add3A_575 : i32 to index
        %get3A_578 = arith.constant 0 : index
        %get3A_579 = tpu.vector_load %arg12[%get3A, %get3A_578] {strides = array<i32>} : memref<200x64xf32, #tpu.memory_space<vmem>>, vector<16xf32>,
        %mul3A_580 = arith.mulf %gather3A_577, %get3A_579 : vector<16xf32>
        %add3A_581 = arith.addf %scan3A_568, %mul3A_580 : vector<16xf32>
        %get3A_582 = arith.index_cast %add3A_575 : i32 to index
        %get3A_583 = arith.constant 16 : index
        %get3A_584 = tpu.vector_load %arg12[%get3A_582, %get3A_583] {strides = array<i32>} : memref<200x64xf32, #tpu.memory_space<vmem>>, vector<16xf32>,
        %mul3A_585 = arith.mulf %gather3A_577, %get3A_584 : vector<16xf32>
        %add3A_586 = arith.addf %scan3A_569, %mul3A_585 : vector<16xf32>
        %get3A_587 = arith.index_cast %add3A_575 : i32 to index
        %get3A_588 = arith.constant 32 : index
        %get3A_589 = tpu.vector_load %arg12[%get3A_587, %get3A_588] {strides = array<i32>} : memref<200x64xf32, #tpu.memory_space<vmem>>, vector<16xf32>,
        %mul3A_590 = arith.mulf %gather3A_577, %get3A_589 : vector<16xf32>
        %add3A_591 = arith.addf %scan3A_570, %mul3A_590 : vector<16xf32>
        %get3A_592 = arith.index_cast %add3A_575 : i32 to index
        %get3A_593 = arith.constant 48 : index
        %get3A_594 = tpu.vector_load %arg12[%get3A_592, %get3A_593] {strides = array<i32>} : memref<200x64xf32, #tpu.memory_space<vmem>>, vector<16xf32>,
        %mul3A_595 = arith.mulf %gather3A_577, %get3A_594 : vector<16xf32>
        %add3A_596 = arith.addf %scan3A_571, %mul3A_595 : vector<16xf32>
        %add3A_597 = arith.constant 1 : i32
        %add3A_598 = arith.addi %mul3A_573, %add3A_597 : i32
        %broadcast_in_dim3A_599 = vector.broadcast %add3A_598 : i32 to vector<16xi32>
        %gather3A_600 = tpu.vector_load_idx %arg15[%broadcast_in_dim3A_599] : memref<224xf32, #tpu.memory_space<vmem>>[vector<16xi32>], vector<16xf32>,
        %get3A_601 = arith.index_cast %add3A_598 : i32 to index
        %get3A_602 = arith.constant 0 : index
        %get3A_603 = tpu.vector_load %arg12[%get3A_601, %get3A_602] {strides = array<i32>} : memref<200x64xf32, #tpu.memory_space<vmem>>, vector<16xf32>,
        %mul3A_604 = arith.mulf %gather3A_600, %get3A_603 : vector<16xf32>
        %add3A_605 = arith.addf %add3A_581, %mul3A_604 : vector<16xf32>
        %get3A_606 = arith.index_cast %add3A_598 : i32 to index
        %get3A_607 = arith.constant 16 : index
        %get3A_608 = tpu.vector_load %arg12[%get3A_606, %get3A_607] {strides = array<i32>} : memref<200x64xf32, #tpu.memory_space<vmem>>, vector<16xf32>,
        %mul3A_609 = arith.mulf %gather3A_600, %get3A_608 : vector<16xf32>
        %add3A_610 = arith.addf %add3A_586, %mul3A_609 : vector<16xf32>
        %get3A_611 = arith.index_cast %add3A_598 : i32 to index
        %get3A_612 = arith.constant 32 : index
        %get3A_613 = tpu.vector_load %arg12[%get3A_611, %get3A_612] {strides = array<i32>} : memref<200x64xf32, #tpu.memory_space<vmem>>, vector<16xf32>,
        %mul3A_614 = arith.mulf %gather3A_600, %get3A_613 : vector<16xf32>
        %add3A_615 = arith.addf %add3A_591, %mul3A_614 : vector<16xf32>
        %get3A_616 = arith.index_cast %add3A_598 : i32 to index
        %get3A_617 = arith.constant 48 : index
        %get3A_618 = tpu.vector_load %arg12[%get3A_616, %get3A_617] {strides = array<i32>} : memref<200x64xf32, #tpu.memory_space<vmem>>, vector<16xf32>,
        %mul3A_619 = arith.mulf %gather3A_600, %get3A_618 : vector<16xf32>
        %add3A_620 = arith.addf %add3A_596, %mul3A_619 : vector<16xf32>
        %add3A_621 = arith.constant 2 : i32
        %add3A_622 = arith.addi %mul3A_573, %add3A_621 : i32
        %broadcast_in_dim3A_623 = vector.broadcast %add3A_622 : i32 to vector<16xi32>
        %gather3A_624 = tpu.vector_load_idx %arg15[%broadcast_in_dim3A_623] : memref<224xf32, #tpu.memory_space<vmem>>[vector<16xi32>], vector<16xf32>,
        %get3A_625 = arith.index_cast %add3A_622 : i32 to index
        %get3A_626 = arith.constant 0 : index
        %get3A_627 = tpu.vector_load %arg12[%get3A_625, %get3A_626] {strides = array<i32>} : memref<200x64xf32, #tpu.memory_space<vmem>>, vector<16xf32>,
        %mul3A_628 = arith.mulf %gather3A_624, %get3A_627 : vector<16xf32>
        %add3A_629 = arith.addf %add3A_605, %mul3A_628 : vector<16xf32>
        %get3A_630 = arith.index_cast %add3A_622 : i32 to index
        %get3A_631 = arith.constant 16 : index
        %get3A_632 = tpu.vector_load %arg12[%get3A_630, %get3A_631] {strides = array<i32>} : memref<200x64xf32, #tpu.memory_space<vmem>>, vector<16xf32>,
        %mul3A_633 = arith.mulf %gather3A_624, %get3A_632 : vector<16xf32>
        %add3A_634 = arith.addf %add3A_610, %mul3A_633 : vector<16xf32>
        %get3A_635 = arith.index_cast %add3A_622 : i32 to index
        %get3A_636 = arith.constant 32 : index
        %get3A_637 = tpu.vector_load %arg12[%get3A_635, %get3A_636] {strides = array<i32>} : memref<200x64xf32, #tpu.memory_space<vmem>>, vector<16xf32>,
        %mul3A_638 = arith.mulf %gather3A_624, %get3A_637 : vector<16xf32>
        %add3A_639 = arith.addf %add3A_615, %mul3A_638 : vector<16xf32>
        %get3A_640 = arith.index_cast %add3A_622 : i32 to index
        %get3A_641 = arith.constant 48 : index
        %get3A_642 = tpu.vector_load %arg12[%get3A_640, %get3A_641] {strides = array<i32>} : memref<200x64xf32, #tpu.memory_space<vmem>>, vector<16xf32>,
        %mul3A_643 = arith.mulf %gather3A_624, %get3A_642 : vector<16xf32>
        %add3A_644 = arith.addf %add3A_620, %mul3A_643 : vector<16xf32>
        %add3A_645 = arith.constant 3 : i32
        %add3A_646 = arith.addi %mul3A_573, %add3A_645 : i32
        %broadcast_in_dim3A_647 = vector.broadcast %add3A_646 : i32 to vector<16xi32>
        %gather3A_648 = tpu.vector_load_idx %arg15[%broadcast_in_dim3A_647] : memref<224xf32, #tpu.memory_space<vmem>>[vector<16xi32>], vector<16xf32>,
        %get3A_649 = arith.index_cast %add3A_646 : i32 to index
        %get3A_650 = arith.constant 0 : index
        %get3A_651 = tpu.vector_load %arg12[%get3A_649, %get3A_650] {strides = array<i32>} : memref<200x64xf32, #tpu.memory_space<vmem>>, vector<16xf32>,
        %mul3A_652 = arith.mulf %gather3A_648, %get3A_651 : vector<16xf32>
        %add3A_653 = arith.addf %add3A_629, %mul3A_652 : vector<16xf32>
        %get3A_654 = arith.index_cast %add3A_646 : i32 to index
        %get3A_655 = arith.constant 16 : index
        %get3A_656 = tpu.vector_load %arg12[%get3A_654, %get3A_655] {strides = array<i32>} : memref<200x64xf32, #tpu.memory_space<vmem>>, vector<16xf32>,
        %mul3A_657 = arith.mulf %gather3A_648, %get3A_656 : vector<16xf32>
        %add3A_658 = arith.addf %add3A_634, %mul3A_657 : vector<16xf32>
        %get3A_659 = arith.index_cast %add3A_646 : i32 to index
        %get3A_660 = arith.constant 32 : index
        %get3A_661 = tpu.vector_load %arg12[%get3A_659, %get3A_660] {strides = array<i32>} : memref<200x64xf32, #tpu.memory_space<vmem>>, vector<16xf32>,
        %mul3A_662 = arith.mulf %gather3A_648, %get3A_661 : vector<16xf32>
        %add3A_663 = arith.addf %add3A_639, %mul3A_662 : vector<16xf32>
        %get3A_664 = arith.index_cast %add3A_646 : i32 to index
        %get3A_665 = arith.constant 48 : index
        %get3A_666 = tpu.vector_load %arg12[%get3A_664, %get3A_665] {strides = array<i32>} : memref<200x64xf32, #tpu.memory_space<vmem>>, vector<16xf32>,
        %mul3A_667 = arith.mulf %gather3A_648, %get3A_666 : vector<16xf32>
        %add3A_668 = arith.addf %add3A_644, %mul3A_667 : vector<16xf32>
        %add3A_669 = arith.constant 4 : i32
        %add3A_670 = arith.addi %mul3A_573, %add3A_669 : i32
        %broadcast_in_dim3A_671 = vector.broadcast %add3A_670 : i32 to vector<16xi32>
        %gather3A_672 = tpu.vector_load_idx %arg15[%broadcast_in_dim3A_671] : memref<224xf32, #tpu.memory_space<vmem>>[vector<16xi32>], vector<16xf32>,
        %get3A_673 = arith.index_cast %add3A_670 : i32 to index
        %get3A_674 = arith.constant 0 : index
        %get3A_675 = tpu.vector_load %arg12[%get3A_673, %get3A_674] {strides = array<i32>} : memref<200x64xf32, #tpu.memory_space<vmem>>, vector<16xf32>,
        %mul3A_676 = arith.mulf %gather3A_672, %get3A_675 : vector<16xf32>
        %add3A_677 = arith.addf %add3A_653, %mul3A_676 : vector<16xf32>
        %get3A_678 = arith.index_cast %add3A_670 : i32 to index
        %get3A_679 = arith.constant 16 : index
        %get3A_680 = tpu.vector_load %arg12[%get3A_678, %get3A_679] {strides = array<i32>} : memref<200x64xf32, #tpu.memory_space<vmem>>, vector<16xf32>,
        %mul3A_681 = arith.mulf %gather3A_672, %get3A_680 : vector<16xf32>
        %add3A_682 = arith.addf %add3A_658, %mul3A_681 : vector<16xf32>
        %get3A_683 = arith.index_cast %add3A_670 : i32 to index
        %get3A_684 = arith.constant 32 : index
        %get3A_685 = tpu.vector_load %arg12[%get3A_683, %get3A_684] {strides = array<i32>} : memref<200x64xf32, #tpu.memory_space<vmem>>, vector<16xf32>,
        %mul3A_686 = arith.mulf %gather3A_672, %get3A_685 : vector<16xf32>
        %add3A_687 = arith.addf %add3A_663, %mul3A_686 : vector<16xf32>
        %get3A_688 = arith.index_cast %add3A_670 : i32 to index
        %get3A_689 = arith.constant 48 : index
        %get3A_690 = tpu.vector_load %arg12[%get3A_688, %get3A_689] {strides = array<i32>} : memref<200x64xf32, #tpu.memory_space<vmem>>, vector<16xf32>,
        %mul3A_691 = arith.mulf %gather3A_672, %get3A_690 : vector<16xf32>
        %add3A_692 = arith.addf %add3A_668, %mul3A_691 : vector<16xf32>
        %add3A_693 = arith.constant 5 : i32
        %add3A_694 = arith.addi %mul3A_573, %add3A_693 : i32
        %broadcast_in_dim3A_695 = vector.broadcast %add3A_694 : i32 to vector<16xi32>
        %gather3A_696 = tpu.vector_load_idx %arg15[%broadcast_in_dim3A_695] : memref<224xf32, #tpu.memory_space<vmem>>[vector<16xi32>], vector<16xf32>,
        %get3A_697 = arith.index_cast %add3A_694 : i32 to index
        %get3A_698 = arith.constant 0 : index
        %get3A_699 = tpu.vector_load %arg12[%get3A_697, %get3A_698] {strides = array<i32>} : memref<200x64xf32, #tpu.memory_space<vmem>>, vector<16xf32>,
        %mul3A_700 = arith.mulf %gather3A_696, %get3A_699 : vector<16xf32>
        %add3A_701 = arith.addf %add3A_677, %mul3A_700 : vector<16xf32>
        %get3A_702 = arith.index_cast %add3A_694 : i32 to index
        %get3A_703 = arith.constant 16 : index
        %get3A_704 = tpu.vector_load %arg12[%get3A_702, %get3A_703] {strides = array<i32>} : memref<200x64xf32, #tpu.memory_space<vmem>>, vector<16xf32>,
        %mul3A_705 = arith.mulf %gather3A_696, %get3A_704 : vector<16xf32>
        %add3A_706 = arith.addf %add3A_682, %mul3A_705 : vector<16xf32>
        %get3A_707 = arith.index_cast %add3A_694 : i32 to index
        %get3A_708 = arith.constant 32 : index
        %get3A_709 = tpu.vector_load %arg12[%get3A_707, %get3A_708] {strides = array<i32>} : memref<200x64xf32, #tpu.memory_space<vmem>>, vector<16xf32>,
        %mul3A_710 = arith.mulf %gather3A_696, %get3A_709 : vector<16xf32>
        %add3A_711 = arith.addf %add3A_687, %mul3A_710 : vector<16xf32>
        %get3A_712 = arith.index_cast %add3A_694 : i32 to index
        %get3A_713 = arith.constant 48 : index
        %get3A_714 = tpu.vector_load %arg12[%get3A_712, %get3A_713] {strides = array<i32>} : memref<200x64xf32, #tpu.memory_space<vmem>>, vector<16xf32>,
        %mul3A_715 = arith.mulf %gather3A_696, %get3A_714 : vector<16xf32>
        %add3A_716 = arith.addf %add3A_692, %mul3A_715 : vector<16xf32>
        %add3A_717 = arith.constant 6 : i32
        %add3A_718 = arith.addi %mul3A_573, %add3A_717 : i32
        %broadcast_in_dim3A_719 = vector.broadcast %add3A_718 : i32 to vector<16xi32>
        %gather3A_720 = tpu.vector_load_idx %arg15[%broadcast_in_dim3A_719] : memref<224xf32, #tpu.memory_space<vmem>>[vector<16xi32>], vector<16xf32>,
        %get3A_721 = arith.index_cast %add3A_718 : i32 to index
        %get3A_722 = arith.constant 0 : index
        %get3A_723 = tpu.vector_load %arg12[%get3A_721, %get3A_722] {strides = array<i32>} : memref<200x64xf32, #tpu.memory_space<vmem>>, vector<16xf32>,
        %mul3A_724 = arith.mulf %gather3A_720, %get3A_723 : vector<16xf32>
        %add3A_725 = arith.addf %add3A_701, %mul3A_724 : vector<16xf32>
        %get3A_726 = arith.index_cast %add3A_718 : i32 to index
        %get3A_727 = arith.constant 16 : index
        %get3A_728 = tpu.vector_load %arg12[%get3A_726, %get3A_727] {strides = array<i32>} : memref<200x64xf32, #tpu.memory_space<vmem>>, vector<16xf32>,
        %mul3A_729 = arith.mulf %gather3A_720, %get3A_728 : vector<16xf32>
        %add3A_730 = arith.addf %add3A_706, %mul3A_729 : vector<16xf32>
        %get3A_731 = arith.index_cast %add3A_718 : i32 to index
        %get3A_732 = arith.constant 32 : index
        %get3A_733 = tpu.vector_load %arg12[%get3A_731, %get3A_732] {strides = array<i32>} : memref<200x64xf32, #tpu.memory_space<vmem>>, vector<16xf32>,
        %mul3A_734 = arith.mulf %gather3A_720, %get3A_733 : vector<16xf32>
        %add3A_735 = arith.addf %add3A_711, %mul3A_734 : vector<16xf32>
        %get3A_736 = arith.index_cast %add3A_718 : i32 to index
        %get3A_737 = arith.constant 48 : index
        %get3A_738 = tpu.vector_load %arg12[%get3A_736, %get3A_737] {strides = array<i32>} : memref<200x64xf32, #tpu.memory_space<vmem>>, vector<16xf32>,
        %mul3A_739 = arith.mulf %gather3A_720, %get3A_738 : vector<16xf32>
        %add3A_740 = arith.addf %add3A_716, %mul3A_739 : vector<16xf32>
        %add3A_741 = arith.constant 7 : i32
        %add3A_742 = arith.addi %mul3A_573, %add3A_741 : i32
        %broadcast_in_dim3A_743 = vector.broadcast %add3A_742 : i32 to vector<16xi32>
        %gather3A_744 = tpu.vector_load_idx %arg15[%broadcast_in_dim3A_743] : memref<224xf32, #tpu.memory_space<vmem>>[vector<16xi32>], vector<16xf32>,
        %get3A_745 = arith.index_cast %add3A_742 : i32 to index
        %get3A_746 = arith.constant 0 : index
        %get3A_747 = tpu.vector_load %arg12[%get3A_745, %get3A_746] {strides = array<i32>} : memref<200x64xf32, #tpu.memory_space<vmem>>, vector<16xf32>,
        %mul3A_748 = arith.mulf %gather3A_744, %get3A_747 : vector<16xf32>
        %add3A_749 = arith.addf %add3A_725, %mul3A_748 : vector<16xf32>
        %get3A_750 = arith.index_cast %add3A_742 : i32 to index
        %get3A_751 = arith.constant 16 : index
        %get3A_752 = tpu.vector_load %arg12[%get3A_750, %get3A_751] {strides = array<i32>} : memref<200x64xf32, #tpu.memory_space<vmem>>, vector<16xf32>,
        %mul3A_753 = arith.mulf %gather3A_744, %get3A_752 : vector<16xf32>
        %add3A_754 = arith.addf %add3A_730, %mul3A_753 : vector<16xf32>
        %get3A_755 = arith.index_cast %add3A_742 : i32 to index
        %get3A_756 = arith.constant 32 : index
        %get3A_757 = tpu.vector_load %arg12[%get3A_755, %get3A_756] {strides = array<i32>} : memref<200x64xf32, #tpu.memory_space<vmem>>, vector<16xf32>,
        %mul3A_758 = arith.mulf %gather3A_744, %get3A_757 : vector<16xf32>
        %add3A_759 = arith.addf %add3A_735, %mul3A_758 : vector<16xf32>
        %get3A_760 = arith.index_cast %add3A_742 : i32 to index
        %get3A_761 = arith.constant 48 : index
        %get3A_762 = tpu.vector_load %arg12[%get3A_760, %get3A_761] {strides = array<i32>} : memref<200x64xf32, #tpu.memory_space<vmem>>, vector<16xf32>,
        %mul3A_763 = arith.mulf %gather3A_744, %get3A_762 : vector<16xf32>
        %add3A_764 = arith.addf %add3A_740, %mul3A_763 : vector<16xf32>
        scf.yield %add3A_749, %add3A_754, %add3A_759, %add3A_764 : vector<16xf32>, vector<16xf32>, vector<16xf32>, vector<16xf32>
      }
      %scan3A_297 = arith.constant 25 : i32
      %mul3A_298 = arith.mulf %scan3A_296#0, %div3A_289 : vector<16xf32>
      %swap3A_299 = arith.index_cast %add3A_199 : i32 to index
      %swap3A_300 = arith.constant 0 : index
      %swap3A_301 = tpu.vector_load %arg16[%swap3A_299, %swap3A_300] {strides = array<i32>} : memref<128x64xf32, #tpu.memory_space<vmem>>, vector<16xf32>,
      tpu.vector_store %arg16[%swap3A_299, %swap3A_300], %mul3A_298 {strides = array<i32>} : memref<128x64xf32, #tpu.memory_space<vmem>>, vector<16xf32>,
      %mul3A_302 = arith.mulf %scan3A_296#1, %div3A_289 : vector<16xf32>
      %swap3A_303 = arith.index_cast %add3A_199 : i32 to index
      %swap3A_304 = arith.constant 16 : index
      %swap3A_305 = tpu.vector_load %arg16[%swap3A_303, %swap3A_304] {strides = array<i32>} : memref<128x64xf32, #tpu.memory_space<vmem>>, vector<16xf32>,
      tpu.vector_store %arg16[%swap3A_303, %swap3A_304], %mul3A_302 {strides = array<i32>} : memref<128x64xf32, #tpu.memory_space<vmem>>, vector<16xf32>,
      %mul3A_306 = arith.mulf %scan3A_296#2, %div3A_289 : vector<16xf32>
      %swap3A_307 = arith.index_cast %add3A_199 : i32 to index
      %swap3A_308 = arith.constant 32 : index
      %swap3A_309 = tpu.vector_load %arg16[%swap3A_307, %swap3A_308] {strides = array<i32>} : memref<128x64xf32, #tpu.memory_space<vmem>>, vector<16xf32>,
      tpu.vector_store %arg16[%swap3A_307, %swap3A_308], %mul3A_306 {strides = array<i32>} : memref<128x64xf32, #tpu.memory_space<vmem>>, vector<16xf32>,
      %mul3A_310 = arith.mulf %scan3A_296#3, %div3A_289 : vector<16xf32>
      %swap3A_311 = arith.index_cast %add3A_199 : i32 to index
      %swap3A_312 = arith.constant 48 : index
      %swap3A_313 = tpu.vector_load %arg16[%swap3A_311, %swap3A_312] {strides = array<i32>} : memref<128x64xf32, #tpu.memory_space<vmem>>, vector<16xf32>,
      tpu.vector_store %arg16[%swap3A_311, %swap3A_312], %mul3A_310 {strides = array<i32>} : memref<128x64xf32, #tpu.memory_space<vmem>>, vector<16xf32>,
      %add3A_314 = arith.constant 4 : i32
      %add3A_315 = arith.addi %add3A_199, %add3A_314 : i32
      %lt3A_316 = arith.constant 128 : i32
      %lt3A_317 = arith.cmpi slt, %add3A_315, %lt3A_316 : i32
      %convert_element_type3A_318 = arith.extui %lt3A_317 : i1 to i32
      %cond3A_319 = arith.constant 0 : i32
      %cond3A_320 = arith.cmpi ne, %convert_element_type3A_318, %cond3A_319 : i32
      scf.if %cond3A_320 {
        %dma_start3A_567 = arith.constant 0 : i32
        %dma_start3A_568 = tpu.memref_slice %arg6[%add3A_315, %dma_start3A_567] : memref<128x200xi32, #tpu.memory_space<vmem>> -> memref<1x200xi32, #tpu.memory_space<vmem>>
        %dma_start3A_569 = tpu.memref_squeeze %dma_start3A_568 : memref<1x200xi32, #tpu.memory_space<vmem>> -> memref<200xi32, #tpu.memory_space<vmem>>
        %dma_start3A_570 = arith.constant 0 : i32
        %dma_start3A_571 = arith.constant 0 : i32
        %dma_start3A_572 = tpu.memref_slice %arg3[%dma_start3A_570, %dma_start3A_571] : memref<1000000x64xf32, #tpu.memory_space<hbm>> -> memref<1000000x64xf32, #tpu.memory_space<hbm>>
        tpu.enqueue_indirect_dma source(%dma_start3A_572 : memref<1000000x64xf32, #tpu.memory_space<hbm>>) target(%arg12 : memref<200x64xf32, #tpu.memory_space<vmem>>) offsets(%dma_start3A_569 : memref<200xi32, #tpu.memory_space<vmem>>) semaphore(%arg18 : memref<!tpu.dma_semaphore, #tpu.memory_space<semaphore_mem>>)
        %dma_start3A_573 = arith.constant 0 : i32
        %dma_start3A_574 = tpu.memref_slice %arg8[%dma_start3A_573] : memref<224xf32, #tpu.memory_space<vmem>> -> memref<200xf32, #tpu.memory_space<vmem>>
        %dma_start3A_575 = arith.constant 0 : i32
        %dma_start3A_576 = tpu.memref_slice %arg6[%add3A_315, %dma_start3A_575] : memref<128x200xi32, #tpu.memory_space<vmem>> -> memref<1x200xi32, #tpu.memory_space<vmem>>
        %dma_start3A_577 = tpu.memref_squeeze %dma_start3A_576 : memref<1x200xi32, #tpu.memory_space<vmem>> -> memref<200xi32, #tpu.memory_space<vmem>>
        %dma_start3A_578 = arith.constant 0 : i32
        %dma_start3A_579 = tpu.memref_slice %arg4[%dma_start3A_578] : memref<1000000xf32, #tpu.memory_space<hbm>> -> memref<1000000xf32, #tpu.memory_space<hbm>>
        tpu.enqueue_indirect_dma source(%dma_start3A_579 : memref<1000000xf32, #tpu.memory_space<hbm>>) target(%dma_start3A_574 : memref<200xf32, #tpu.memory_space<vmem>>) offsets(%dma_start3A_577 : memref<200xi32, #tpu.memory_space<vmem>>) semaphore(%arg18 : memref<!tpu.dma_semaphore, #tpu.memory_space<semaphore_mem>>)
      } else {
      }
      %add3A_321 = arith.constant 2 : i32
      %add3A_322 = arith.addi %mul3A_83, %add3A_321 : i32
      %dma_wait3A_323 = arith.constant 0 : i32
      %dma_wait3A_324 = tpu.memref_slice %arg6[%add3A_322, %dma_wait3A_323] : memref<128x200xi32, #tpu.memory_space<vmem>> -> memref<1x200xi32, #tpu.memory_space<vmem>>
      %dma_wait3A_325 = tpu.memref_squeeze %dma_wait3A_324 : memref<1x200xi32, #tpu.memory_space<vmem>> -> memref<200xi32, #tpu.memory_space<vmem>>
      %dma_wait3A_326 = arith.constant 0 : i32
      %dma_wait3A_327 = arith.constant 0 : i32
      %dma_wait3A_328 = tpu.memref_slice %arg3[%dma_wait3A_326, %dma_wait3A_327] : memref<1000000x64xf32, #tpu.memory_space<hbm>> -> memref<1000000x64xf32, #tpu.memory_space<hbm>>
      tpu.wait_indirect_dma semaphore(%arg19 : memref<!tpu.dma_semaphore, #tpu.memory_space<semaphore_mem>>) src(%dma_wait3A_328 : memref<1000000x64xf32, #tpu.memory_space<hbm>>) dst(%arg13 : memref<200x64xf32, #tpu.memory_space<vmem>>)
      %dma_wait3A_329 = arith.constant 0 : i32
      %dma_wait3A_330 = tpu.memref_slice %arg9[%dma_wait3A_329] : memref<224xf32, #tpu.memory_space<vmem>> -> memref<200xf32, #tpu.memory_space<vmem>>
      %dma_wait3A_331 = arith.constant 0 : i32
      %dma_wait3A_332 = tpu.memref_slice %arg6[%add3A_322, %dma_wait3A_331] : memref<128x200xi32, #tpu.memory_space<vmem>> -> memref<1x200xi32, #tpu.memory_space<vmem>>
      %dma_wait3A_333 = tpu.memref_squeeze %dma_wait3A_332 : memref<1x200xi32, #tpu.memory_space<vmem>> -> memref<200xi32, #tpu.memory_space<vmem>>
      %dma_wait3A_334 = arith.constant 0 : i32
      %dma_wait3A_335 = tpu.memref_slice %arg4[%dma_wait3A_334] : memref<1000000xf32, #tpu.memory_space<hbm>> -> memref<1000000xf32, #tpu.memory_space<hbm>>
      tpu.wait_indirect_dma semaphore(%arg19 : memref<!tpu.dma_semaphore, #tpu.memory_space<semaphore_mem>>) src(%dma_wait3A_335 : memref<1000000xf32, #tpu.memory_space<hbm>>) dst(%dma_wait3A_330 : memref<200xf32, #tpu.memory_space<vmem>>)
      %broadcast_in_dim3A_336 = arith.constant -1.000000e+30 : f32
      %broadcast_in_dim3A_337 = vector.broadcast %broadcast_in_dim3A_336 : f32 to vector<16xf32>
      %scan3A_338 = arith.constant 0 : i32
      %scan3A_339 = arith.constant 13 : i32
      %scan3A_340 = arith.addi %scan3A_338, %scan3A_339 : i32
      %scan3A_341 = arith.constant 1 : i32
      %scan3A_342 = scf.for %scan3A_567 = %scan3A_338 to %scan3A_340 step %scan3A_341 iter_args(%scan3A_568 = %broadcast_in_dim3A_337) -> (vector<16xf32>)  : i32 {
        %mul3A_569 = arith.constant 16 : i32
        %mul3A_570 = arith.muli %scan3A_567, %mul3A_569 : i32
        %get3A = arith.index_cast %mul3A_570 : i32 to index
        %get3A_571 = tpu.vector_load %arg9[%get3A] {strides = array<i32>} : memref<224xf32, #tpu.memory_space<vmem>>, vector<16xf32>,
        %max3A_572 = arith.maximumf %scan3A_568, %get3A_571 : vector<16xf32>
        scf.yield %max3A_572 : vector<16xf32>
      }
      %scan3A_343 = arith.constant 13 : i32
      %iota3A_344 = tpu.iota {dimensions = array<i32: 0>} : vector<16xi32>
      %xor3A_345 = arith.constant 1 : i32
      %xor3A_346 = vector.broadcast %xor3A_345 : i32 to vector<16xi32>
      %xor3A_347 = arith.xori %iota3A_344, %xor3A_346 : vector<16xi32>
      %broadcast_in_dim3A_348 = vector.shape_cast %xor3A_347 : vector<16xi32> to vector<16x1xi32>
      %gather3A_349 = vector.shape_cast %broadcast_in_dim3A_348 : vector<16x1xi32> to vector<16xi32>
      %gather3A_350 = tpu.dynamic_gather %scan3A_342[%gather3A_349] in [0] : vector<16xf32>, vector<16xi32> -> vector<16xf32>
      %max3A_351 = arith.maximumf %scan3A_342, %gather3A_350 : vector<16xf32>
      %xor3A_352 = arith.constant 2 : i32
      %xor3A_353 = vector.broadcast %xor3A_352 : i32 to vector<16xi32>
      %xor3A_354 = arith.xori %iota3A_344, %xor3A_353 : vector<16xi32>
      %broadcast_in_dim3A_355 = vector.shape_cast %xor3A_354 : vector<16xi32> to vector<16x1xi32>
      %gather3A_356 = vector.shape_cast %broadcast_in_dim3A_355 : vector<16x1xi32> to vector<16xi32>
      %gather3A_357 = tpu.dynamic_gather %max3A_351[%gather3A_356] in [0] : vector<16xf32>, vector<16xi32> -> vector<16xf32>
      %max3A_358 = arith.maximumf %max3A_351, %gather3A_357 : vector<16xf32>
      %xor3A_359 = arith.constant 4 : i32
      %xor3A_360 = vector.broadcast %xor3A_359 : i32 to vector<16xi32>
      %xor3A_361 = arith.xori %iota3A_344, %xor3A_360 : vector<16xi32>
      %broadcast_in_dim3A_362 = vector.shape_cast %xor3A_361 : vector<16xi32> to vector<16x1xi32>
      %gather3A_363 = vector.shape_cast %broadcast_in_dim3A_362 : vector<16x1xi32> to vector<16xi32>
      %gather3A_364 = tpu.dynamic_gather %max3A_358[%gather3A_363] in [0] : vector<16xf32>, vector<16xi32> -> vector<16xf32>
      %max3A_365 = arith.maximumf %max3A_358, %gather3A_364 : vector<16xf32>
      %xor3A_366 = arith.constant 8 : i32
      %xor3A_367 = vector.broadcast %xor3A_366 : i32 to vector<16xi32>
      %xor3A_368 = arith.xori %iota3A_344, %xor3A_367 : vector<16xi32>
      %broadcast_in_dim3A_369 = vector.shape_cast %xor3A_368 : vector<16xi32> to vector<16x1xi32>
      %gather3A_370 = vector.shape_cast %broadcast_in_dim3A_369 : vector<16x1xi32> to vector<16xi32>
      %gather3A_371 = tpu.dynamic_gather %max3A_365[%gather3A_370] in [0] : vector<16xf32>, vector<16xi32> -> vector<16xf32>
      %max3A_372 = arith.maximumf %max3A_365, %gather3A_371 : vector<16xf32>
      %broadcast_in_dim3A_373 = arith.constant 0.000000e+00 : f32
      %broadcast_in_dim3A_374 = vector.broadcast %broadcast_in_dim3A_373 : f32 to vector<16xf32>
      %scan3A_375 = arith.constant 0 : i32
      %scan3A_376 = arith.constant 13 : i32
      %scan3A_377 = arith.addi %scan3A_375, %scan3A_376 : i32
      %scan3A_378 = arith.constant 1 : i32
      %scan3A_379 = scf.for %scan3A_567 = %scan3A_375 to %scan3A_377 step %scan3A_378 iter_args(%scan3A_568 = %broadcast_in_dim3A_374) -> (vector<16xf32>)  : i32 {
        %mul3A_569 = arith.constant 16 : i32
        %mul3A_570 = arith.muli %scan3A_567, %mul3A_569 : i32
        %get3A = arith.index_cast %mul3A_570 : i32 to index
        %get3A_571 = tpu.vector_load %arg9[%get3A] {strides = array<i32>} : memref<224xf32, #tpu.memory_space<vmem>>, vector<16xf32>,
        %sub3A = arith.subf %get3A_571, %max3A_372 : vector<16xf32>
        %exp3A = math.exp %sub3A : vector<16xf32>
        %mul3A_572 = arith.constant 16 : i32
        %mul3A_573 = arith.muli %scan3A_567, %mul3A_572 : i32
        %swap3A_574 = arith.index_cast %mul3A_573 : i32 to index
        %swap3A_575 = tpu.vector_load %arg15[%swap3A_574] {strides = array<i32>} : memref<224xf32, #tpu.memory_space<vmem>>, vector<16xf32>,
        tpu.vector_store %arg15[%swap3A_574], %exp3A {strides = array<i32>} : memref<224xf32, #tpu.memory_space<vmem>>, vector<16xf32>,
        %add3A_576 = arith.addf %scan3A_568, %exp3A : vector<16xf32>
        scf.yield %add3A_576 : vector<16xf32>
      }
      %scan3A_380 = arith.constant 13 : i32
      %iota3A_381 = tpu.iota {dimensions = array<i32: 0>} : vector<16xi32>
      %xor3A_382 = arith.constant 1 : i32
      %xor3A_383 = vector.broadcast %xor3A_382 : i32 to vector<16xi32>
      %xor3A_384 = arith.xori %iota3A_381, %xor3A_383 : vector<16xi32>
      %broadcast_in_dim3A_385 = vector.shape_cast %xor3A_384 : vector<16xi32> to vector<16x1xi32>
      %gather3A_386 = vector.shape_cast %broadcast_in_dim3A_385 : vector<16x1xi32> to vector<16xi32>
      %gather3A_387 = tpu.dynamic_gather %scan3A_379[%gather3A_386] in [0] : vector<16xf32>, vector<16xi32> -> vector<16xf32>
      %add3A_388 = arith.addf %scan3A_379, %gather3A_387 : vector<16xf32>
      %xor3A_389 = arith.constant 2 : i32
      %xor3A_390 = vector.broadcast %xor3A_389 : i32 to vector<16xi32>
      %xor3A_391 = arith.xori %iota3A_381, %xor3A_390 : vector<16xi32>
      %broadcast_in_dim3A_392 = vector.shape_cast %xor3A_391 : vector<16xi32> to vector<16x1xi32>
      %gather3A_393 = vector.shape_cast %broadcast_in_dim3A_392 : vector<16x1xi32> to vector<16xi32>
      %gather3A_394 = tpu.dynamic_gather %add3A_388[%gather3A_393] in [0] : vector<16xf32>, vector<16xi32> -> vector<16xf32>
      %add3A_395 = arith.addf %add3A_388, %gather3A_394 : vector<16xf32>
      %xor3A_396 = arith.constant 4 : i32
      %xor3A_397 = vector.broadcast %xor3A_396 : i32 to vector<16xi32>
      %xor3A_398 = arith.xori %iota3A_381, %xor3A_397 : vector<16xi32>
      %broadcast_in_dim3A_399 = vector.shape_cast %xor3A_398 : vector<16xi32> to vector<16x1xi32>
      %gather3A_400 = vector.shape_cast %broadcast_in_dim3A_399 : vector<16x1xi32> to vector<16xi32>
      %gather3A_401 = tpu.dynamic_gather %add3A_395[%gather3A_400] in [0] : vector<16xf32>, vector<16xi32> -> vector<16xf32>
      %add3A_402 = arith.addf %add3A_395, %gather3A_401 : vector<16xf32>
      %xor3A_403 = arith.constant 8 : i32
      %xor3A_404 = vector.broadcast %xor3A_403 : i32 to vector<16xi32>
      %xor3A_405 = arith.xori %iota3A_381, %xor3A_404 : vector<16xi32>
      %broadcast_in_dim3A_406 = vector.shape_cast %xor3A_405 : vector<16xi32> to vector<16x1xi32>
      %gather3A_407 = vector.shape_cast %broadcast_in_dim3A_406 : vector<16x1xi32> to vector<16xi32>
      %gather3A_408 = tpu.dynamic_gather %add3A_402[%gather3A_407] in [0] : vector<16xf32>, vector<16xi32> -> vector<16xf32>
      %add3A_409 = arith.addf %add3A_402, %gather3A_408 : vector<16xf32>
      %div3A_410 = arith.constant 1.000000e+00 : f32
      %div3A_411 = vector.broadcast %div3A_410 : f32 to vector<16xf32>
      %div3A_412 = arith.divf %div3A_411, %add3A_409 : vector<16xf32>
      %broadcast_in_dim3A_413 = arith.constant 0.000000e+00 : f32
      %broadcast_in_dim3A_414 = vector.broadcast %broadcast_in_dim3A_413 : f32 to vector<16xf32>
      %scan3A_415 = arith.constant 0 : i32
      %scan3A_416 = arith.constant 25 : i32
      %scan3A_417 = arith.addi %scan3A_415, %scan3A_416 : i32
      %scan3A_418 = arith.constant 1 : i32
      %scan3A_419:4 = scf.for %scan3A_567 = %scan3A_415 to %scan3A_417 step %scan3A_418 iter_args(%scan3A_568 = %broadcast_in_dim3A_414, %scan3A_569 = %broadcast_in_dim3A_414, %scan3A_570 = %broadcast_in_dim3A_414, %scan3A_571 = %broadcast_in_dim3A_414) -> (vector<16xf32>, vector<16xf32>, vector<16xf32>, vector<16xf32>)  : i32 {
        %mul3A_572 = arith.constant 8 : i32
        %mul3A_573 = arith.muli %scan3A_567, %mul3A_572 : i32
        %add3A_574 = arith.constant 0 : i32
        %add3A_575 = arith.addi %mul3A_573, %add3A_574 : i32
        %broadcast_in_dim3A_576 = vector.broadcast %add3A_575 : i32 to vector<16xi32>
        %gather3A_577 = tpu.vector_load_idx %arg15[%broadcast_in_dim3A_576] : memref<224xf32, #tpu.memory_space<vmem>>[vector<16xi32>], vector<16xf32>,
        %get3A = arith.index_cast %add3A_575 : i32 to index
        %get3A_578 = arith.constant 0 : index
        %get3A_579 = tpu.vector_load %arg13[%get3A, %get3A_578] {strides = array<i32>} : memref<200x64xf32, #tpu.memory_space<vmem>>, vector<16xf32>,
        %mul3A_580 = arith.mulf %gather3A_577, %get3A_579 : vector<16xf32>
        %add3A_581 = arith.addf %scan3A_568, %mul3A_580 : vector<16xf32>
        %get3A_582 = arith.index_cast %add3A_575 : i32 to index
        %get3A_583 = arith.constant 16 : index
        %get3A_584 = tpu.vector_load %arg13[%get3A_582, %get3A_583] {strides = array<i32>} : memref<200x64xf32, #tpu.memory_space<vmem>>, vector<16xf32>,
        %mul3A_585 = arith.mulf %gather3A_577, %get3A_584 : vector<16xf32>
        %add3A_586 = arith.addf %scan3A_569, %mul3A_585 : vector<16xf32>
        %get3A_587 = arith.index_cast %add3A_575 : i32 to index
        %get3A_588 = arith.constant 32 : index
        %get3A_589 = tpu.vector_load %arg13[%get3A_587, %get3A_588] {strides = array<i32>} : memref<200x64xf32, #tpu.memory_space<vmem>>, vector<16xf32>,
        %mul3A_590 = arith.mulf %gather3A_577, %get3A_589 : vector<16xf32>
        %add3A_591 = arith.addf %scan3A_570, %mul3A_590 : vector<16xf32>
        %get3A_592 = arith.index_cast %add3A_575 : i32 to index
        %get3A_593 = arith.constant 48 : index
        %get3A_594 = tpu.vector_load %arg13[%get3A_592, %get3A_593] {strides = array<i32>} : memref<200x64xf32, #tpu.memory_space<vmem>>, vector<16xf32>,
        %mul3A_595 = arith.mulf %gather3A_577, %get3A_594 : vector<16xf32>
        %add3A_596 = arith.addf %scan3A_571, %mul3A_595 : vector<16xf32>
        %add3A_597 = arith.constant 1 : i32
        %add3A_598 = arith.addi %mul3A_573, %add3A_597 : i32
        %broadcast_in_dim3A_599 = vector.broadcast %add3A_598 : i32 to vector<16xi32>
        %gather3A_600 = tpu.vector_load_idx %arg15[%broadcast_in_dim3A_599] : memref<224xf32, #tpu.memory_space<vmem>>[vector<16xi32>], vector<16xf32>,
        %get3A_601 = arith.index_cast %add3A_598 : i32 to index
        %get3A_602 = arith.constant 0 : index
        %get3A_603 = tpu.vector_load %arg13[%get3A_601, %get3A_602] {strides = array<i32>} : memref<200x64xf32, #tpu.memory_space<vmem>>, vector<16xf32>,
        %mul3A_604 = arith.mulf %gather3A_600, %get3A_603 : vector<16xf32>
        %add3A_605 = arith.addf %add3A_581, %mul3A_604 : vector<16xf32>
        %get3A_606 = arith.index_cast %add3A_598 : i32 to index
        %get3A_607 = arith.constant 16 : index
        %get3A_608 = tpu.vector_load %arg13[%get3A_606, %get3A_607] {strides = array<i32>} : memref<200x64xf32, #tpu.memory_space<vmem>>, vector<16xf32>,
        %mul3A_609 = arith.mulf %gather3A_600, %get3A_608 : vector<16xf32>
        %add3A_610 = arith.addf %add3A_586, %mul3A_609 : vector<16xf32>
        %get3A_611 = arith.index_cast %add3A_598 : i32 to index
        %get3A_612 = arith.constant 32 : index
        %get3A_613 = tpu.vector_load %arg13[%get3A_611, %get3A_612] {strides = array<i32>} : memref<200x64xf32, #tpu.memory_space<vmem>>, vector<16xf32>,
        %mul3A_614 = arith.mulf %gather3A_600, %get3A_613 : vector<16xf32>
        %add3A_615 = arith.addf %add3A_591, %mul3A_614 : vector<16xf32>
        %get3A_616 = arith.index_cast %add3A_598 : i32 to index
        %get3A_617 = arith.constant 48 : index
        %get3A_618 = tpu.vector_load %arg13[%get3A_616, %get3A_617] {strides = array<i32>} : memref<200x64xf32, #tpu.memory_space<vmem>>, vector<16xf32>,
        %mul3A_619 = arith.mulf %gather3A_600, %get3A_618 : vector<16xf32>
        %add3A_620 = arith.addf %add3A_596, %mul3A_619 : vector<16xf32>
        %add3A_621 = arith.constant 2 : i32
        %add3A_622 = arith.addi %mul3A_573, %add3A_621 : i32
        %broadcast_in_dim3A_623 = vector.broadcast %add3A_622 : i32 to vector<16xi32>
        %gather3A_624 = tpu.vector_load_idx %arg15[%broadcast_in_dim3A_623] : memref<224xf32, #tpu.memory_space<vmem>>[vector<16xi32>], vector<16xf32>,
        %get3A_625 = arith.index_cast %add3A_622 : i32 to index
        %get3A_626 = arith.constant 0 : index
        %get3A_627 = tpu.vector_load %arg13[%get3A_625, %get3A_626] {strides = array<i32>} : memref<200x64xf32, #tpu.memory_space<vmem>>, vector<16xf32>,
        %mul3A_628 = arith.mulf %gather3A_624, %get3A_627 : vector<16xf32>
        %add3A_629 = arith.addf %add3A_605, %mul3A_628 : vector<16xf32>
        %get3A_630 = arith.index_cast %add3A_622 : i32 to index
        %get3A_631 = arith.constant 16 : index
        %get3A_632 = tpu.vector_load %arg13[%get3A_630, %get3A_631] {strides = array<i32>} : memref<200x64xf32, #tpu.memory_space<vmem>>, vector<16xf32>,
        %mul3A_633 = arith.mulf %gather3A_624, %get3A_632 : vector<16xf32>
        %add3A_634 = arith.addf %add3A_610, %mul3A_633 : vector<16xf32>
        %get3A_635 = arith.index_cast %add3A_622 : i32 to index
        %get3A_636 = arith.constant 32 : index
        %get3A_637 = tpu.vector_load %arg13[%get3A_635, %get3A_636] {strides = array<i32>} : memref<200x64xf32, #tpu.memory_space<vmem>>, vector<16xf32>,
        %mul3A_638 = arith.mulf %gather3A_624, %get3A_637 : vector<16xf32>
        %add3A_639 = arith.addf %add3A_615, %mul3A_638 : vector<16xf32>
        %get3A_640 = arith.index_cast %add3A_622 : i32 to index
        %get3A_641 = arith.constant 48 : index
        %get3A_642 = tpu.vector_load %arg13[%get3A_640, %get3A_641] {strides = array<i32>} : memref<200x64xf32, #tpu.memory_space<vmem>>, vector<16xf32>,
        %mul3A_643 = arith.mulf %gather3A_624, %get3A_642 : vector<16xf32>
        %add3A_644 = arith.addf %add3A_620, %mul3A_643 : vector<16xf32>
        %add3A_645 = arith.constant 3 : i32
        %add3A_646 = arith.addi %mul3A_573, %add3A_645 : i32
        %broadcast_in_dim3A_647 = vector.broadcast %add3A_646 : i32 to vector<16xi32>
        %gather3A_648 = tpu.vector_load_idx %arg15[%broadcast_in_dim3A_647] : memref<224xf32, #tpu.memory_space<vmem>>[vector<16xi32>], vector<16xf32>,
        %get3A_649 = arith.index_cast %add3A_646 : i32 to index
        %get3A_650 = arith.constant 0 : index
        %get3A_651 = tpu.vector_load %arg13[%get3A_649, %get3A_650] {strides = array<i32>} : memref<200x64xf32, #tpu.memory_space<vmem>>, vector<16xf32>,
        %mul3A_652 = arith.mulf %gather3A_648, %get3A_651 : vector<16xf32>
        %add3A_653 = arith.addf %add3A_629, %mul3A_652 : vector<16xf32>
        %get3A_654 = arith.index_cast %add3A_646 : i32 to index
        %get3A_655 = arith.constant 16 : index
        %get3A_656 = tpu.vector_load %arg13[%get3A_654, %get3A_655] {strides = array<i32>} : memref<200x64xf32, #tpu.memory_space<vmem>>, vector<16xf32>,
        %mul3A_657 = arith.mulf %gather3A_648, %get3A_656 : vector<16xf32>
        %add3A_658 = arith.addf %add3A_634, %mul3A_657 : vector<16xf32>
        %get3A_659 = arith.index_cast %add3A_646 : i32 to index
        %get3A_660 = arith.constant 32 : index
        %get3A_661 = tpu.vector_load %arg13[%get3A_659, %get3A_660] {strides = array<i32>} : memref<200x64xf32, #tpu.memory_space<vmem>>, vector<16xf32>,
        %mul3A_662 = arith.mulf %gather3A_648, %get3A_661 : vector<16xf32>
        %add3A_663 = arith.addf %add3A_639, %mul3A_662 : vector<16xf32>
        %get3A_664 = arith.index_cast %add3A_646 : i32 to index
        %get3A_665 = arith.constant 48 : index
        %get3A_666 = tpu.vector_load %arg13[%get3A_664, %get3A_665] {strides = array<i32>} : memref<200x64xf32, #tpu.memory_space<vmem>>, vector<16xf32>,
        %mul3A_667 = arith.mulf %gather3A_648, %get3A_666 : vector<16xf32>
        %add3A_668 = arith.addf %add3A_644, %mul3A_667 : vector<16xf32>
        %add3A_669 = arith.constant 4 : i32
        %add3A_670 = arith.addi %mul3A_573, %add3A_669 : i32
        %broadcast_in_dim3A_671 = vector.broadcast %add3A_670 : i32 to vector<16xi32>
        %gather3A_672 = tpu.vector_load_idx %arg15[%broadcast_in_dim3A_671] : memref<224xf32, #tpu.memory_space<vmem>>[vector<16xi32>], vector<16xf32>,
        %get3A_673 = arith.index_cast %add3A_670 : i32 to index
        %get3A_674 = arith.constant 0 : index
        %get3A_675 = tpu.vector_load %arg13[%get3A_673, %get3A_674] {strides = array<i32>} : memref<200x64xf32, #tpu.memory_space<vmem>>, vector<16xf32>,
        %mul3A_676 = arith.mulf %gather3A_672, %get3A_675 : vector<16xf32>
        %add3A_677 = arith.addf %add3A_653, %mul3A_676 : vector<16xf32>
        %get3A_678 = arith.index_cast %add3A_670 : i32 to index
        %get3A_679 = arith.constant 16 : index
        %get3A_680 = tpu.vector_load %arg13[%get3A_678, %get3A_679] {strides = array<i32>} : memref<200x64xf32, #tpu.memory_space<vmem>>, vector<16xf32>,
        %mul3A_681 = arith.mulf %gather3A_672, %get3A_680 : vector<16xf32>
        %add3A_682 = arith.addf %add3A_658, %mul3A_681 : vector<16xf32>
        %get3A_683 = arith.index_cast %add3A_670 : i32 to index
        %get3A_684 = arith.constant 32 : index
        %get3A_685 = tpu.vector_load %arg13[%get3A_683, %get3A_684] {strides = array<i32>} : memref<200x64xf32, #tpu.memory_space<vmem>>, vector<16xf32>,
        %mul3A_686 = arith.mulf %gather3A_672, %get3A_685 : vector<16xf32>
        %add3A_687 = arith.addf %add3A_663, %mul3A_686 : vector<16xf32>
        %get3A_688 = arith.index_cast %add3A_670 : i32 to index
        %get3A_689 = arith.constant 48 : index
        %get3A_690 = tpu.vector_load %arg13[%get3A_688, %get3A_689] {strides = array<i32>} : memref<200x64xf32, #tpu.memory_space<vmem>>, vector<16xf32>,
        %mul3A_691 = arith.mulf %gather3A_672, %get3A_690 : vector<16xf32>
        %add3A_692 = arith.addf %add3A_668, %mul3A_691 : vector<16xf32>
        %add3A_693 = arith.constant 5 : i32
        %add3A_694 = arith.addi %mul3A_573, %add3A_693 : i32
        %broadcast_in_dim3A_695 = vector.broadcast %add3A_694 : i32 to vector<16xi32>
        %gather3A_696 = tpu.vector_load_idx %arg15[%broadcast_in_dim3A_695] : memref<224xf32, #tpu.memory_space<vmem>>[vector<16xi32>], vector<16xf32>,
        %get3A_697 = arith.index_cast %add3A_694 : i32 to index
        %get3A_698 = arith.constant 0 : index
        %get3A_699 = tpu.vector_load %arg13[%get3A_697, %get3A_698] {strides = array<i32>} : memref<200x64xf32, #tpu.memory_space<vmem>>, vector<16xf32>,
        %mul3A_700 = arith.mulf %gather3A_696, %get3A_699 : vector<16xf32>
        %add3A_701 = arith.addf %add3A_677, %mul3A_700 : vector<16xf32>
        %get3A_702 = arith.index_cast %add3A_694 : i32 to index
        %get3A_703 = arith.constant 16 : index
        %get3A_704 = tpu.vector_load %arg13[%get3A_702, %get3A_703] {strides = array<i32>} : memref<200x64xf32, #tpu.memory_space<vmem>>, vector<16xf32>,
        %mul3A_705 = arith.mulf %gather3A_696, %get3A_704 : vector<16xf32>
        %add3A_706 = arith.addf %add3A_682, %mul3A_705 : vector<16xf32>
        %get3A_707 = arith.index_cast %add3A_694 : i32 to index
        %get3A_708 = arith.constant 32 : index
        %get3A_709 = tpu.vector_load %arg13[%get3A_707, %get3A_708] {strides = array<i32>} : memref<200x64xf32, #tpu.memory_space<vmem>>, vector<16xf32>,
        %mul3A_710 = arith.mulf %gather3A_696, %get3A_709 : vector<16xf32>
        %add3A_711 = arith.addf %add3A_687, %mul3A_710 : vector<16xf32>
        %get3A_712 = arith.index_cast %add3A_694 : i32 to index
        %get3A_713 = arith.constant 48 : index
        %get3A_714 = tpu.vector_load %arg13[%get3A_712, %get3A_713] {strides = array<i32>} : memref<200x64xf32, #tpu.memory_space<vmem>>, vector<16xf32>,
        %mul3A_715 = arith.mulf %gather3A_696, %get3A_714 : vector<16xf32>
        %add3A_716 = arith.addf %add3A_692, %mul3A_715 : vector<16xf32>
        %add3A_717 = arith.constant 6 : i32
        %add3A_718 = arith.addi %mul3A_573, %add3A_717 : i32
        %broadcast_in_dim3A_719 = vector.broadcast %add3A_718 : i32 to vector<16xi32>
        %gather3A_720 = tpu.vector_load_idx %arg15[%broadcast_in_dim3A_719] : memref<224xf32, #tpu.memory_space<vmem>>[vector<16xi32>], vector<16xf32>,
        %get3A_721 = arith.index_cast %add3A_718 : i32 to index
        %get3A_722 = arith.constant 0 : index
        %get3A_723 = tpu.vector_load %arg13[%get3A_721, %get3A_722] {strides = array<i32>} : memref<200x64xf32, #tpu.memory_space<vmem>>, vector<16xf32>,
        %mul3A_724 = arith.mulf %gather3A_720, %get3A_723 : vector<16xf32>
        %add3A_725 = arith.addf %add3A_701, %mul3A_724 : vector<16xf32>
        %get3A_726 = arith.index_cast %add3A_718 : i32 to index
        %get3A_727 = arith.constant 16 : index
        %get3A_728 = tpu.vector_load %arg13[%get3A_726, %get3A_727] {strides = array<i32>} : memref<200x64xf32, #tpu.memory_space<vmem>>, vector<16xf32>,
        %mul3A_729 = arith.mulf %gather3A_720, %get3A_728 : vector<16xf32>
        %add3A_730 = arith.addf %add3A_706, %mul3A_729 : vector<16xf32>
        %get3A_731 = arith.index_cast %add3A_718 : i32 to index
        %get3A_732 = arith.constant 32 : index
        %get3A_733 = tpu.vector_load %arg13[%get3A_731, %get3A_732] {strides = array<i32>} : memref<200x64xf32, #tpu.memory_space<vmem>>, vector<16xf32>,
        %mul3A_734 = arith.mulf %gather3A_720, %get3A_733 : vector<16xf32>
        %add3A_735 = arith.addf %add3A_711, %mul3A_734 : vector<16xf32>
        %get3A_736 = arith.index_cast %add3A_718 : i32 to index
        %get3A_737 = arith.constant 48 : index
        %get3A_738 = tpu.vector_load %arg13[%get3A_736, %get3A_737] {strides = array<i32>} : memref<200x64xf32, #tpu.memory_space<vmem>>, vector<16xf32>,
        %mul3A_739 = arith.mulf %gather3A_720, %get3A_738 : vector<16xf32>
        %add3A_740 = arith.addf %add3A_716, %mul3A_739 : vector<16xf32>
        %add3A_741 = arith.constant 7 : i32
        %add3A_742 = arith.addi %mul3A_573, %add3A_741 : i32
        %broadcast_in_dim3A_743 = vector.broadcast %add3A_742 : i32 to vector<16xi32>
        %gather3A_744 = tpu.vector_load_idx %arg15[%broadcast_in_dim3A_743] : memref<224xf32, #tpu.memory_space<vmem>>[vector<16xi32>], vector<16xf32>,
        %get3A_745 = arith.index_cast %add3A_742 : i32 to index
        %get3A_746 = arith.constant 0 : index
        %get3A_747 = tpu.vector_load %arg13[%get3A_745, %get3A_746] {strides = array<i32>} : memref<200x64xf32, #tpu.memory_space<vmem>>, vector<16xf32>,
        %mul3A_748 = arith.mulf %gather3A_744, %get3A_747 : vector<16xf32>
        %add3A_749 = arith.addf %add3A_725, %mul3A_748 : vector<16xf32>
        %get3A_750 = arith.index_cast %add3A_742 : i32 to index
        %get3A_751 = arith.constant 16 : index
        %get3A_752 = tpu.vector_load %arg13[%get3A_750, %get3A_751] {strides = array<i32>} : memref<200x64xf32, #tpu.memory_space<vmem>>, vector<16xf32>,
        %mul3A_753 = arith.mulf %gather3A_744, %get3A_752 : vector<16xf32>
        %add3A_754 = arith.addf %add3A_730, %mul3A_753 : vector<16xf32>
        %get3A_755 = arith.index_cast %add3A_742 : i32 to index
        %get3A_756 = arith.constant 32 : index
        %get3A_757 = tpu.vector_load %arg13[%get3A_755, %get3A_756] {strides = array<i32>} : memref<200x64xf32, #tpu.memory_space<vmem>>, vector<16xf32>,
        %mul3A_758 = arith.mulf %gather3A_744, %get3A_757 : vector<16xf32>
        %add3A_759 = arith.addf %add3A_735, %mul3A_758 : vector<16xf32>
        %get3A_760 = arith.index_cast %add3A_742 : i32 to index
        %get3A_761 = arith.constant 48 : index
        %get3A_762 = tpu.vector_load %arg13[%get3A_760, %get3A_761] {strides = array<i32>} : memref<200x64xf32, #tpu.memory_space<vmem>>, vector<16xf32>,
        %mul3A_763 = arith.mulf %gather3A_744, %get3A_762 : vector<16xf32>
        %add3A_764 = arith.addf %add3A_740, %mul3A_763 : vector<16xf32>
        scf.yield %add3A_749, %add3A_754, %add3A_759, %add3A_764 : vector<16xf32>, vector<16xf32>, vector<16xf32>, vector<16xf32>
      }
      %scan3A_420 = arith.constant 25 : i32
      %mul3A_421 = arith.mulf %scan3A_419#0, %div3A_412 : vector<16xf32>
      %swap3A_422 = arith.index_cast %add3A_322 : i32 to index
      %swap3A_423 = arith.constant 0 : index
      %swap3A_424 = tpu.vector_load %arg16[%swap3A_422, %swap3A_423] {strides = array<i32>} : memref<128x64xf32, #tpu.memory_space<vmem>>, vector<16xf32>,
      tpu.vector_store %arg16[%swap3A_422, %swap3A_423], %mul3A_421 {strides = array<i32>} : memref<128x64xf32, #tpu.memory_space<vmem>>, vector<16xf32>,
      %mul3A_425 = arith.mulf %scan3A_419#1, %div3A_412 : vector<16xf32>
      %swap3A_426 = arith.index_cast %add3A_322 : i32 to index
      %swap3A_427 = arith.constant 16 : index
      %swap3A_428 = tpu.vector_load %arg16[%swap3A_426, %swap3A_427] {strides = array<i32>} : memref<128x64xf32, #tpu.memory_space<vmem>>, vector<16xf32>,
      tpu.vector_store %arg16[%swap3A_426, %swap3A_427], %mul3A_425 {strides = array<i32>} : memref<128x64xf32, #tpu.memory_space<vmem>>, vector<16xf32>,
      %mul3A_429 = arith.mulf %scan3A_419#2, %div3A_412 : vector<16xf32>
      %swap3A_430 = arith.index_cast %add3A_322 : i32 to index
      %swap3A_431 = arith.constant 32 : index
      %swap3A_432 = tpu.vector_load %arg16[%swap3A_430, %swap3A_431] {strides = array<i32>} : memref<128x64xf32, #tpu.memory_space<vmem>>, vector<16xf32>,
      tpu.vector_store %arg16[%swap3A_430, %swap3A_431], %mul3A_429 {strides = array<i32>} : memref<128x64xf32, #tpu.memory_space<vmem>>, vector<16xf32>,
      %mul3A_433 = arith.mulf %scan3A_419#3, %div3A_412 : vector<16xf32>
      %swap3A_434 = arith.index_cast %add3A_322 : i32 to index
      %swap3A_435 = arith.constant 48 : index
      %swap3A_436 = tpu.vector_load %arg16[%swap3A_434, %swap3A_435] {strides = array<i32>} : memref<128x64xf32, #tpu.memory_space<vmem>>, vector<16xf32>,
      tpu.vector_store %arg16[%swap3A_434, %swap3A_435], %mul3A_433 {strides = array<i32>} : memref<128x64xf32, #tpu.memory_space<vmem>>, vector<16xf32>,
      %add3A_437 = arith.constant 4 : i32
      %add3A_438 = arith.addi %add3A_322, %add3A_437 : i32
      %lt3A_439 = arith.constant 128 : i32
      %lt3A_440 = arith.cmpi slt, %add3A_438, %lt3A_439 : i32
      %convert_element_type3A_441 = arith.extui %lt3A_440 : i1 to i32
      %cond3A_442 = arith.constant 0 : i32
      %cond3A_443 = arith.cmpi ne, %convert_element_type3A_441, %cond3A_442 : i32
      scf.if %cond3A_443 {
        %dma_start3A_567 = arith.constant 0 : i32
        %dma_start3A_568 = tpu.memref_slice %arg6[%add3A_438, %dma_start3A_567] : memref<128x200xi32, #tpu.memory_space<vmem>> -> memref<1x200xi32, #tpu.memory_space<vmem>>
        %dma_start3A_569 = tpu.memref_squeeze %dma_start3A_568 : memref<1x200xi32, #tpu.memory_space<vmem>> -> memref<200xi32, #tpu.memory_space<vmem>>
        %dma_start3A_570 = arith.constant 0 : i32
        %dma_start3A_571 = arith.constant 0 : i32
        %dma_start3A_572 = tpu.memref_slice %arg3[%dma_start3A_570, %dma_start3A_571] : memref<1000000x64xf32, #tpu.memory_space<hbm>> -> memref<1000000x64xf32, #tpu.memory_space<hbm>>
        tpu.enqueue_indirect_dma source(%dma_start3A_572 : memref<1000000x64xf32, #tpu.memory_space<hbm>>) target(%arg13 : memref<200x64xf32, #tpu.memory_space<vmem>>) offsets(%dma_start3A_569 : memref<200xi32, #tpu.memory_space<vmem>>) semaphore(%arg19 : memref<!tpu.dma_semaphore, #tpu.memory_space<semaphore_mem>>)
        %dma_start3A_573 = arith.constant 0 : i32
        %dma_start3A_574 = tpu.memref_slice %arg9[%dma_start3A_573] : memref<224xf32, #tpu.memory_space<vmem>> -> memref<200xf32, #tpu.memory_space<vmem>>
        %dma_start3A_575 = arith.constant 0 : i32
        %dma_start3A_576 = tpu.memref_slice %arg6[%add3A_438, %dma_start3A_575] : memref<128x200xi32, #tpu.memory_space<vmem>> -> memref<1x200xi32, #tpu.memory_space<vmem>>
        %dma_start3A_577 = tpu.memref_squeeze %dma_start3A_576 : memref<1x200xi32, #tpu.memory_space<vmem>> -> memref<200xi32, #tpu.memory_space<vmem>>
        %dma_start3A_578 = arith.constant 0 : i32
        %dma_start3A_579 = tpu.memref_slice %arg4[%dma_start3A_578] : memref<1000000xf32, #tpu.memory_space<hbm>> -> memref<1000000xf32, #tpu.memory_space<hbm>>
        tpu.enqueue_indirect_dma source(%dma_start3A_579 : memref<1000000xf32, #tpu.memory_space<hbm>>) target(%dma_start3A_574 : memref<200xf32, #tpu.memory_space<vmem>>) offsets(%dma_start3A_577 : memref<200xi32, #tpu.memory_space<vmem>>) semaphore(%arg19 : memref<!tpu.dma_semaphore, #tpu.memory_space<semaphore_mem>>)
      } else {
      }
      %add3A_444 = arith.constant 3 : i32
      %add3A_445 = arith.addi %mul3A_83, %add3A_444 : i32
      %dma_wait3A_446 = arith.constant 0 : i32
      %dma_wait3A_447 = tpu.memref_slice %arg6[%add3A_445, %dma_wait3A_446] : memref<128x200xi32, #tpu.memory_space<vmem>> -> memref<1x200xi32, #tpu.memory_space<vmem>>
      %dma_wait3A_448 = tpu.memref_squeeze %dma_wait3A_447 : memref<1x200xi32, #tpu.memory_space<vmem>> -> memref<200xi32, #tpu.memory_space<vmem>>
      %dma_wait3A_449 = arith.constant 0 : i32
      %dma_wait3A_450 = arith.constant 0 : i32
      %dma_wait3A_451 = tpu.memref_slice %arg3[%dma_wait3A_449, %dma_wait3A_450] : memref<1000000x64xf32, #tpu.memory_space<hbm>> -> memref<1000000x64xf32, #tpu.memory_space<hbm>>
      tpu.wait_indirect_dma semaphore(%arg20 : memref<!tpu.dma_semaphore, #tpu.memory_space<semaphore_mem>>) src(%dma_wait3A_451 : memref<1000000x64xf32, #tpu.memory_space<hbm>>) dst(%arg14 : memref<200x64xf32, #tpu.memory_space<vmem>>)
      %dma_wait3A_452 = arith.constant 0 : i32
      %dma_wait3A_453 = tpu.memref_slice %arg10[%dma_wait3A_452] : memref<224xf32, #tpu.memory_space<vmem>> -> memref<200xf32, #tpu.memory_space<vmem>>
      %dma_wait3A_454 = arith.constant 0 : i32
      %dma_wait3A_455 = tpu.memref_slice %arg6[%add3A_445, %dma_wait3A_454] : memref<128x200xi32, #tpu.memory_space<vmem>> -> memref<1x200xi32, #tpu.memory_space<vmem>>
      %dma_wait3A_456 = tpu.memref_squeeze %dma_wait3A_455 : memref<1x200xi32, #tpu.memory_space<vmem>> -> memref<200xi32, #tpu.memory_space<vmem>>
      %dma_wait3A_457 = arith.constant 0 : i32
      %dma_wait3A_458 = tpu.memref_slice %arg4[%dma_wait3A_457] : memref<1000000xf32, #tpu.memory_space<hbm>> -> memref<1000000xf32, #tpu.memory_space<hbm>>
      tpu.wait_indirect_dma semaphore(%arg20 : memref<!tpu.dma_semaphore, #tpu.memory_space<semaphore_mem>>) src(%dma_wait3A_458 : memref<1000000xf32, #tpu.memory_space<hbm>>) dst(%dma_wait3A_453 : memref<200xf32, #tpu.memory_space<vmem>>)
      %broadcast_in_dim3A_459 = arith.constant -1.000000e+30 : f32
      %broadcast_in_dim3A_460 = vector.broadcast %broadcast_in_dim3A_459 : f32 to vector<16xf32>
      %scan3A_461 = arith.constant 0 : i32
      %scan3A_462 = arith.constant 13 : i32
      %scan3A_463 = arith.addi %scan3A_461, %scan3A_462 : i32
      %scan3A_464 = arith.constant 1 : i32
      %scan3A_465 = scf.for %scan3A_567 = %scan3A_461 to %scan3A_463 step %scan3A_464 iter_args(%scan3A_568 = %broadcast_in_dim3A_460) -> (vector<16xf32>)  : i32 {
        %mul3A_569 = arith.constant 16 : i32
        %mul3A_570 = arith.muli %scan3A_567, %mul3A_569 : i32
        %get3A = arith.index_cast %mul3A_570 : i32 to index
        %get3A_571 = tpu.vector_load %arg10[%get3A] {strides = array<i32>} : memref<224xf32, #tpu.memory_space<vmem>>, vector<16xf32>,
        %max3A_572 = arith.maximumf %scan3A_568, %get3A_571 : vector<16xf32>
        scf.yield %max3A_572 : vector<16xf32>
      }
      %scan3A_466 = arith.constant 13 : i32
      %iota3A_467 = tpu.iota {dimensions = array<i32: 0>} : vector<16xi32>
      %xor3A_468 = arith.constant 1 : i32
      %xor3A_469 = vector.broadcast %xor3A_468 : i32 to vector<16xi32>
      %xor3A_470 = arith.xori %iota3A_467, %xor3A_469 : vector<16xi32>
      %broadcast_in_dim3A_471 = vector.shape_cast %xor3A_470 : vector<16xi32> to vector<16x1xi32>
      %gather3A_472 = vector.shape_cast %broadcast_in_dim3A_471 : vector<16x1xi32> to vector<16xi32>
      %gather3A_473 = tpu.dynamic_gather %scan3A_465[%gather3A_472] in [0] : vector<16xf32>, vector<16xi32> -> vector<16xf32>
      %max3A_474 = arith.maximumf %scan3A_465, %gather3A_473 : vector<16xf32>
      %xor3A_475 = arith.constant 2 : i32
      %xor3A_476 = vector.broadcast %xor3A_475 : i32 to vector<16xi32>
      %xor3A_477 = arith.xori %iota3A_467, %xor3A_476 : vector<16xi32>
      %broadcast_in_dim3A_478 = vector.shape_cast %xor3A_477 : vector<16xi32> to vector<16x1xi32>
      %gather3A_479 = vector.shape_cast %broadcast_in_dim3A_478 : vector<16x1xi32> to vector<16xi32>
      %gather3A_480 = tpu.dynamic_gather %max3A_474[%gather3A_479] in [0] : vector<16xf32>, vector<16xi32> -> vector<16xf32>
      %max3A_481 = arith.maximumf %max3A_474, %gather3A_480 : vector<16xf32>
      %xor3A_482 = arith.constant 4 : i32
      %xor3A_483 = vector.broadcast %xor3A_482 : i32 to vector<16xi32>
      %xor3A_484 = arith.xori %iota3A_467, %xor3A_483 : vector<16xi32>
      %broadcast_in_dim3A_485 = vector.shape_cast %xor3A_484 : vector<16xi32> to vector<16x1xi32>
      %gather3A_486 = vector.shape_cast %broadcast_in_dim3A_485 : vector<16x1xi32> to vector<16xi32>
      %gather3A_487 = tpu.dynamic_gather %max3A_481[%gather3A_486] in [0] : vector<16xf32>, vector<16xi32> -> vector<16xf32>
      %max3A_488 = arith.maximumf %max3A_481, %gather3A_487 : vector<16xf32>
      %xor3A_489 = arith.constant 8 : i32
      %xor3A_490 = vector.broadcast %xor3A_489 : i32 to vector<16xi32>
      %xor3A_491 = arith.xori %iota3A_467, %xor3A_490 : vector<16xi32>
      %broadcast_in_dim3A_492 = vector.shape_cast %xor3A_491 : vector<16xi32> to vector<16x1xi32>
      %gather3A_493 = vector.shape_cast %broadcast_in_dim3A_492 : vector<16x1xi32> to vector<16xi32>
      %gather3A_494 = tpu.dynamic_gather %max3A_488[%gather3A_493] in [0] : vector<16xf32>, vector<16xi32> -> vector<16xf32>
      %max3A_495 = arith.maximumf %max3A_488, %gather3A_494 : vector<16xf32>
      %broadcast_in_dim3A_496 = arith.constant 0.000000e+00 : f32
      %broadcast_in_dim3A_497 = vector.broadcast %broadcast_in_dim3A_496 : f32 to vector<16xf32>
      %scan3A_498 = arith.constant 0 : i32
      %scan3A_499 = arith.constant 13 : i32
      %scan3A_500 = arith.addi %scan3A_498, %scan3A_499 : i32
      %scan3A_501 = arith.constant 1 : i32
      %scan3A_502 = scf.for %scan3A_567 = %scan3A_498 to %scan3A_500 step %scan3A_501 iter_args(%scan3A_568 = %broadcast_in_dim3A_497) -> (vector<16xf32>)  : i32 {
        %mul3A_569 = arith.constant 16 : i32
        %mul3A_570 = arith.muli %scan3A_567, %mul3A_569 : i32
        %get3A = arith.index_cast %mul3A_570 : i32 to index
        %get3A_571 = tpu.vector_load %arg10[%get3A] {strides = array<i32>} : memref<224xf32, #tpu.memory_space<vmem>>, vector<16xf32>,
        %sub3A = arith.subf %get3A_571, %max3A_495 : vector<16xf32>
        %exp3A = math.exp %sub3A : vector<16xf32>
        %mul3A_572 = arith.constant 16 : i32
        %mul3A_573 = arith.muli %scan3A_567, %mul3A_572 : i32
        %swap3A_574 = arith.index_cast %mul3A_573 : i32 to index
        %swap3A_575 = tpu.vector_load %arg15[%swap3A_574] {strides = array<i32>} : memref<224xf32, #tpu.memory_space<vmem>>, vector<16xf32>,
        tpu.vector_store %arg15[%swap3A_574], %exp3A {strides = array<i32>} : memref<224xf32, #tpu.memory_space<vmem>>, vector<16xf32>,
        %add3A_576 = arith.addf %scan3A_568, %exp3A : vector<16xf32>
        scf.yield %add3A_576 : vector<16xf32>
      }
      %scan3A_503 = arith.constant 13 : i32
      %iota3A_504 = tpu.iota {dimensions = array<i32: 0>} : vector<16xi32>
      %xor3A_505 = arith.constant 1 : i32
      %xor3A_506 = vector.broadcast %xor3A_505 : i32 to vector<16xi32>
      %xor3A_507 = arith.xori %iota3A_504, %xor3A_506 : vector<16xi32>
      %broadcast_in_dim3A_508 = vector.shape_cast %xor3A_507 : vector<16xi32> to vector<16x1xi32>
      %gather3A_509 = vector.shape_cast %broadcast_in_dim3A_508 : vector<16x1xi32> to vector<16xi32>
      %gather3A_510 = tpu.dynamic_gather %scan3A_502[%gather3A_509] in [0] : vector<16xf32>, vector<16xi32> -> vector<16xf32>
      %add3A_511 = arith.addf %scan3A_502, %gather3A_510 : vector<16xf32>
      %xor3A_512 = arith.constant 2 : i32
      %xor3A_513 = vector.broadcast %xor3A_512 : i32 to vector<16xi32>
      %xor3A_514 = arith.xori %iota3A_504, %xor3A_513 : vector<16xi32>
      %broadcast_in_dim3A_515 = vector.shape_cast %xor3A_514 : vector<16xi32> to vector<16x1xi32>
      %gather3A_516 = vector.shape_cast %broadcast_in_dim3A_515 : vector<16x1xi32> to vector<16xi32>
      %gather3A_517 = tpu.dynamic_gather %add3A_511[%gather3A_516] in [0] : vector<16xf32>, vector<16xi32> -> vector<16xf32>
      %add3A_518 = arith.addf %add3A_511, %gather3A_517 : vector<16xf32>
      %xor3A_519 = arith.constant 4 : i32
      %xor3A_520 = vector.broadcast %xor3A_519 : i32 to vector<16xi32>
      %xor3A_521 = arith.xori %iota3A_504, %xor3A_520 : vector<16xi32>
      %broadcast_in_dim3A_522 = vector.shape_cast %xor3A_521 : vector<16xi32> to vector<16x1xi32>
      %gather3A_523 = vector.shape_cast %broadcast_in_dim3A_522 : vector<16x1xi32> to vector<16xi32>
      %gather3A_524 = tpu.dynamic_gather %add3A_518[%gather3A_523] in [0] : vector<16xf32>, vector<16xi32> -> vector<16xf32>
      %add3A_525 = arith.addf %add3A_518, %gather3A_524 : vector<16xf32>
      %xor3A_526 = arith.constant 8 : i32
      %xor3A_527 = vector.broadcast %xor3A_526 : i32 to vector<16xi32>
      %xor3A_528 = arith.xori %iota3A_504, %xor3A_527 : vector<16xi32>
      %broadcast_in_dim3A_529 = vector.shape_cast %xor3A_528 : vector<16xi32> to vector<16x1xi32>
      %gather3A_530 = vector.shape_cast %broadcast_in_dim3A_529 : vector<16x1xi32> to vector<16xi32>
      %gather3A_531 = tpu.dynamic_gather %add3A_525[%gather3A_530] in [0] : vector<16xf32>, vector<16xi32> -> vector<16xf32>
      %add3A_532 = arith.addf %add3A_525, %gather3A_531 : vector<16xf32>
      %div3A_533 = arith.constant 1.000000e+00 : f32
      %div3A_534 = vector.broadcast %div3A_533 : f32 to vector<16xf32>
      %div3A_535 = arith.divf %div3A_534, %add3A_532 : vector<16xf32>
      %broadcast_in_dim3A_536 = arith.constant 0.000000e+00 : f32
      %broadcast_in_dim3A_537 = vector.broadcast %broadcast_in_dim3A_536 : f32 to vector<16xf32>
      %scan3A_538 = arith.constant 0 : i32
      %scan3A_539 = arith.constant 25 : i32
      %scan3A_540 = arith.addi %scan3A_538, %scan3A_539 : i32
      %scan3A_541 = arith.constant 1 : i32
      %scan3A_542:4 = scf.for %scan3A_567 = %scan3A_538 to %scan3A_540 step %scan3A_541 iter_args(%scan3A_568 = %broadcast_in_dim3A_537, %scan3A_569 = %broadcast_in_dim3A_537, %scan3A_570 = %broadcast_in_dim3A_537, %scan3A_571 = %broadcast_in_dim3A_537) -> (vector<16xf32>, vector<16xf32>, vector<16xf32>, vector<16xf32>)  : i32 {
        %mul3A_572 = arith.constant 8 : i32
        %mul3A_573 = arith.muli %scan3A_567, %mul3A_572 : i32
        %add3A_574 = arith.constant 0 : i32
        %add3A_575 = arith.addi %mul3A_573, %add3A_574 : i32
        %broadcast_in_dim3A_576 = vector.broadcast %add3A_575 : i32 to vector<16xi32>
        %gather3A_577 = tpu.vector_load_idx %arg15[%broadcast_in_dim3A_576] : memref<224xf32, #tpu.memory_space<vmem>>[vector<16xi32>], vector<16xf32>,
        %get3A = arith.index_cast %add3A_575 : i32 to index
        %get3A_578 = arith.constant 0 : index
        %get3A_579 = tpu.vector_load %arg14[%get3A, %get3A_578] {strides = array<i32>} : memref<200x64xf32, #tpu.memory_space<vmem>>, vector<16xf32>,
        %mul3A_580 = arith.mulf %gather3A_577, %get3A_579 : vector<16xf32>
        %add3A_581 = arith.addf %scan3A_568, %mul3A_580 : vector<16xf32>
        %get3A_582 = arith.index_cast %add3A_575 : i32 to index
        %get3A_583 = arith.constant 16 : index
        %get3A_584 = tpu.vector_load %arg14[%get3A_582, %get3A_583] {strides = array<i32>} : memref<200x64xf32, #tpu.memory_space<vmem>>, vector<16xf32>,
        %mul3A_585 = arith.mulf %gather3A_577, %get3A_584 : vector<16xf32>
        %add3A_586 = arith.addf %scan3A_569, %mul3A_585 : vector<16xf32>
        %get3A_587 = arith.index_cast %add3A_575 : i32 to index
        %get3A_588 = arith.constant 32 : index
        %get3A_589 = tpu.vector_load %arg14[%get3A_587, %get3A_588] {strides = array<i32>} : memref<200x64xf32, #tpu.memory_space<vmem>>, vector<16xf32>,
        %mul3A_590 = arith.mulf %gather3A_577, %get3A_589 : vector<16xf32>
        %add3A_591 = arith.addf %scan3A_570, %mul3A_590 : vector<16xf32>
        %get3A_592 = arith.index_cast %add3A_575 : i32 to index
        %get3A_593 = arith.constant 48 : index
        %get3A_594 = tpu.vector_load %arg14[%get3A_592, %get3A_593] {strides = array<i32>} : memref<200x64xf32, #tpu.memory_space<vmem>>, vector<16xf32>,
        %mul3A_595 = arith.mulf %gather3A_577, %get3A_594 : vector<16xf32>
        %add3A_596 = arith.addf %scan3A_571, %mul3A_595 : vector<16xf32>
        %add3A_597 = arith.constant 1 : i32
        %add3A_598 = arith.addi %mul3A_573, %add3A_597 : i32
        %broadcast_in_dim3A_599 = vector.broadcast %add3A_598 : i32 to vector<16xi32>
        %gather3A_600 = tpu.vector_load_idx %arg15[%broadcast_in_dim3A_599] : memref<224xf32, #tpu.memory_space<vmem>>[vector<16xi32>], vector<16xf32>,
        %get3A_601 = arith.index_cast %add3A_598 : i32 to index
        %get3A_602 = arith.constant 0 : index
        %get3A_603 = tpu.vector_load %arg14[%get3A_601, %get3A_602] {strides = array<i32>} : memref<200x64xf32, #tpu.memory_space<vmem>>, vector<16xf32>,
        %mul3A_604 = arith.mulf %gather3A_600, %get3A_603 : vector<16xf32>
        %add3A_605 = arith.addf %add3A_581, %mul3A_604 : vector<16xf32>
        %get3A_606 = arith.index_cast %add3A_598 : i32 to index
        %get3A_607 = arith.constant 16 : index
        %get3A_608 = tpu.vector_load %arg14[%get3A_606, %get3A_607] {strides = array<i32>} : memref<200x64xf32, #tpu.memory_space<vmem>>, vector<16xf32>,
        %mul3A_609 = arith.mulf %gather3A_600, %get3A_608 : vector<16xf32>
        %add3A_610 = arith.addf %add3A_586, %mul3A_609 : vector<16xf32>
        %get3A_611 = arith.index_cast %add3A_598 : i32 to index
        %get3A_612 = arith.constant 32 : index
        %get3A_613 = tpu.vector_load %arg14[%get3A_611, %get3A_612] {strides = array<i32>} : memref<200x64xf32, #tpu.memory_space<vmem>>, vector<16xf32>,
        %mul3A_614 = arith.mulf %gather3A_600, %get3A_613 : vector<16xf32>
        %add3A_615 = arith.addf %add3A_591, %mul3A_614 : vector<16xf32>
        %get3A_616 = arith.index_cast %add3A_598 : i32 to index
        %get3A_617 = arith.constant 48 : index
        %get3A_618 = tpu.vector_load %arg14[%get3A_616, %get3A_617] {strides = array<i32>} : memref<200x64xf32, #tpu.memory_space<vmem>>, vector<16xf32>,
        %mul3A_619 = arith.mulf %gather3A_600, %get3A_618 : vector<16xf32>
        %add3A_620 = arith.addf %add3A_596, %mul3A_619 : vector<16xf32>
        %add3A_621 = arith.constant 2 : i32
        %add3A_622 = arith.addi %mul3A_573, %add3A_621 : i32
        %broadcast_in_dim3A_623 = vector.broadcast %add3A_622 : i32 to vector<16xi32>
        %gather3A_624 = tpu.vector_load_idx %arg15[%broadcast_in_dim3A_623] : memref<224xf32, #tpu.memory_space<vmem>>[vector<16xi32>], vector<16xf32>,
        %get3A_625 = arith.index_cast %add3A_622 : i32 to index
        %get3A_626 = arith.constant 0 : index
        %get3A_627 = tpu.vector_load %arg14[%get3A_625, %get3A_626] {strides = array<i32>} : memref<200x64xf32, #tpu.memory_space<vmem>>, vector<16xf32>,
        %mul3A_628 = arith.mulf %gather3A_624, %get3A_627 : vector<16xf32>
        %add3A_629 = arith.addf %add3A_605, %mul3A_628 : vector<16xf32>
        %get3A_630 = arith.index_cast %add3A_622 : i32 to index
        %get3A_631 = arith.constant 16 : index
        %get3A_632 = tpu.vector_load %arg14[%get3A_630, %get3A_631] {strides = array<i32>} : memref<200x64xf32, #tpu.memory_space<vmem>>, vector<16xf32>,
        %mul3A_633 = arith.mulf %gather3A_624, %get3A_632 : vector<16xf32>
        %add3A_634 = arith.addf %add3A_610, %mul3A_633 : vector<16xf32>
        %get3A_635 = arith.index_cast %add3A_622 : i32 to index
        %get3A_636 = arith.constant 32 : index
        %get3A_637 = tpu.vector_load %arg14[%get3A_635, %get3A_636] {strides = array<i32>} : memref<200x64xf32, #tpu.memory_space<vmem>>, vector<16xf32>,
        %mul3A_638 = arith.mulf %gather3A_624, %get3A_637 : vector<16xf32>
        %add3A_639 = arith.addf %add3A_615, %mul3A_638 : vector<16xf32>
        %get3A_640 = arith.index_cast %add3A_622 : i32 to index
        %get3A_641 = arith.constant 48 : index
        %get3A_642 = tpu.vector_load %arg14[%get3A_640, %get3A_641] {strides = array<i32>} : memref<200x64xf32, #tpu.memory_space<vmem>>, vector<16xf32>,
        %mul3A_643 = arith.mulf %gather3A_624, %get3A_642 : vector<16xf32>
        %add3A_644 = arith.addf %add3A_620, %mul3A_643 : vector<16xf32>
        %add3A_645 = arith.constant 3 : i32
        %add3A_646 = arith.addi %mul3A_573, %add3A_645 : i32
        %broadcast_in_dim3A_647 = vector.broadcast %add3A_646 : i32 to vector<16xi32>
        %gather3A_648 = tpu.vector_load_idx %arg15[%broadcast_in_dim3A_647] : memref<224xf32, #tpu.memory_space<vmem>>[vector<16xi32>], vector<16xf32>,
        %get3A_649 = arith.index_cast %add3A_646 : i32 to index
        %get3A_650 = arith.constant 0 : index
        %get3A_651 = tpu.vector_load %arg14[%get3A_649, %get3A_650] {strides = array<i32>} : memref<200x64xf32, #tpu.memory_space<vmem>>, vector<16xf32>,
        %mul3A_652 = arith.mulf %gather3A_648, %get3A_651 : vector<16xf32>
        %add3A_653 = arith.addf %add3A_629, %mul3A_652 : vector<16xf32>
        %get3A_654 = arith.index_cast %add3A_646 : i32 to index
        %get3A_655 = arith.constant 16 : index
        %get3A_656 = tpu.vector_load %arg14[%get3A_654, %get3A_655] {strides = array<i32>} : memref<200x64xf32, #tpu.memory_space<vmem>>, vector<16xf32>,
        %mul3A_657 = arith.mulf %gather3A_648, %get3A_656 : vector<16xf32>
        %add3A_658 = arith.addf %add3A_634, %mul3A_657 : vector<16xf32>
        %get3A_659 = arith.index_cast %add3A_646 : i32 to index
        %get3A_660 = arith.constant 32 : index
        %get3A_661 = tpu.vector_load %arg14[%get3A_659, %get3A_660] {strides = array<i32>} : memref<200x64xf32, #tpu.memory_space<vmem>>, vector<16xf32>,
        %mul3A_662 = arith.mulf %gather3A_648, %get3A_661 : vector<16xf32>
        %add3A_663 = arith.addf %add3A_639, %mul3A_662 : vector<16xf32>
        %get3A_664 = arith.index_cast %add3A_646 : i32 to index
        %get3A_665 = arith.constant 48 : index
        %get3A_666 = tpu.vector_load %arg14[%get3A_664, %get3A_665] {strides = array<i32>} : memref<200x64xf32, #tpu.memory_space<vmem>>, vector<16xf32>,
        %mul3A_667 = arith.mulf %gather3A_648, %get3A_666 : vector<16xf32>
        %add3A_668 = arith.addf %add3A_644, %mul3A_667 : vector<16xf32>
        %add3A_669 = arith.constant 4 : i32
        %add3A_670 = arith.addi %mul3A_573, %add3A_669 : i32
        %broadcast_in_dim3A_671 = vector.broadcast %add3A_670 : i32 to vector<16xi32>
        %gather3A_672 = tpu.vector_load_idx %arg15[%broadcast_in_dim3A_671] : memref<224xf32, #tpu.memory_space<vmem>>[vector<16xi32>], vector<16xf32>,
        %get3A_673 = arith.index_cast %add3A_670 : i32 to index
        %get3A_674 = arith.constant 0 : index
        %get3A_675 = tpu.vector_load %arg14[%get3A_673, %get3A_674] {strides = array<i32>} : memref<200x64xf32, #tpu.memory_space<vmem>>, vector<16xf32>,
        %mul3A_676 = arith.mulf %gather3A_672, %get3A_675 : vector<16xf32>
        %add3A_677 = arith.addf %add3A_653, %mul3A_676 : vector<16xf32>
        %get3A_678 = arith.index_cast %add3A_670 : i32 to index
        %get3A_679 = arith.constant 16 : index
        %get3A_680 = tpu.vector_load %arg14[%get3A_678, %get3A_679] {strides = array<i32>} : memref<200x64xf32, #tpu.memory_space<vmem>>, vector<16xf32>,
        %mul3A_681 = arith.mulf %gather3A_672, %get3A_680 : vector<16xf32>
        %add3A_682 = arith.addf %add3A_658, %mul3A_681 : vector<16xf32>
        %get3A_683 = arith.index_cast %add3A_670 : i32 to index
        %get3A_684 = arith.constant 32 : index
        %get3A_685 = tpu.vector_load %arg14[%get3A_683, %get3A_684] {strides = array<i32>} : memref<200x64xf32, #tpu.memory_space<vmem>>, vector<16xf32>,
        %mul3A_686 = arith.mulf %gather3A_672, %get3A_685 : vector<16xf32>
        %add3A_687 = arith.addf %add3A_663, %mul3A_686 : vector<16xf32>
        %get3A_688 = arith.index_cast %add3A_670 : i32 to index
        %get3A_689 = arith.constant 48 : index
        %get3A_690 = tpu.vector_load %arg14[%get3A_688, %get3A_689] {strides = array<i32>} : memref<200x64xf32, #tpu.memory_space<vmem>>, vector<16xf32>,
        %mul3A_691 = arith.mulf %gather3A_672, %get3A_690 : vector<16xf32>
        %add3A_692 = arith.addf %add3A_668, %mul3A_691 : vector<16xf32>
        %add3A_693 = arith.constant 5 : i32
        %add3A_694 = arith.addi %mul3A_573, %add3A_693 : i32
        %broadcast_in_dim3A_695 = vector.broadcast %add3A_694 : i32 to vector<16xi32>
        %gather3A_696 = tpu.vector_load_idx %arg15[%broadcast_in_dim3A_695] : memref<224xf32, #tpu.memory_space<vmem>>[vector<16xi32>], vector<16xf32>,
        %get3A_697 = arith.index_cast %add3A_694 : i32 to index
        %get3A_698 = arith.constant 0 : index
        %get3A_699 = tpu.vector_load %arg14[%get3A_697, %get3A_698] {strides = array<i32>} : memref<200x64xf32, #tpu.memory_space<vmem>>, vector<16xf32>,
        %mul3A_700 = arith.mulf %gather3A_696, %get3A_699 : vector<16xf32>
        %add3A_701 = arith.addf %add3A_677, %mul3A_700 : vector<16xf32>
        %get3A_702 = arith.index_cast %add3A_694 : i32 to index
        %get3A_703 = arith.constant 16 : index
        %get3A_704 = tpu.vector_load %arg14[%get3A_702, %get3A_703] {strides = array<i32>} : memref<200x64xf32, #tpu.memory_space<vmem>>, vector<16xf32>,
        %mul3A_705 = arith.mulf %gather3A_696, %get3A_704 : vector<16xf32>
        %add3A_706 = arith.addf %add3A_682, %mul3A_705 : vector<16xf32>
        %get3A_707 = arith.index_cast %add3A_694 : i32 to index
        %get3A_708 = arith.constant 32 : index
        %get3A_709 = tpu.vector_load %arg14[%get3A_707, %get3A_708] {strides = array<i32>} : memref<200x64xf32, #tpu.memory_space<vmem>>, vector<16xf32>,
        %mul3A_710 = arith.mulf %gather3A_696, %get3A_709 : vector<16xf32>
        %add3A_711 = arith.addf %add3A_687, %mul3A_710 : vector<16xf32>
        %get3A_712 = arith.index_cast %add3A_694 : i32 to index
        %get3A_713 = arith.constant 48 : index
        %get3A_714 = tpu.vector_load %arg14[%get3A_712, %get3A_713] {strides = array<i32>} : memref<200x64xf32, #tpu.memory_space<vmem>>, vector<16xf32>,
        %mul3A_715 = arith.mulf %gather3A_696, %get3A_714 : vector<16xf32>
        %add3A_716 = arith.addf %add3A_692, %mul3A_715 : vector<16xf32>
        %add3A_717 = arith.constant 6 : i32
        %add3A_718 = arith.addi %mul3A_573, %add3A_717 : i32
        %broadcast_in_dim3A_719 = vector.broadcast %add3A_718 : i32 to vector<16xi32>
        %gather3A_720 = tpu.vector_load_idx %arg15[%broadcast_in_dim3A_719] : memref<224xf32, #tpu.memory_space<vmem>>[vector<16xi32>], vector<16xf32>,
        %get3A_721 = arith.index_cast %add3A_718 : i32 to index
        %get3A_722 = arith.constant 0 : index
        %get3A_723 = tpu.vector_load %arg14[%get3A_721, %get3A_722] {strides = array<i32>} : memref<200x64xf32, #tpu.memory_space<vmem>>, vector<16xf32>,
        %mul3A_724 = arith.mulf %gather3A_720, %get3A_723 : vector<16xf32>
        %add3A_725 = arith.addf %add3A_701, %mul3A_724 : vector<16xf32>
        %get3A_726 = arith.index_cast %add3A_718 : i32 to index
        %get3A_727 = arith.constant 16 : index
        %get3A_728 = tpu.vector_load %arg14[%get3A_726, %get3A_727] {strides = array<i32>} : memref<200x64xf32, #tpu.memory_space<vmem>>, vector<16xf32>,
        %mul3A_729 = arith.mulf %gather3A_720, %get3A_728 : vector<16xf32>
        %add3A_730 = arith.addf %add3A_706, %mul3A_729 : vector<16xf32>
        %get3A_731 = arith.index_cast %add3A_718 : i32 to index
        %get3A_732 = arith.constant 32 : index
        %get3A_733 = tpu.vector_load %arg14[%get3A_731, %get3A_732] {strides = array<i32>} : memref<200x64xf32, #tpu.memory_space<vmem>>, vector<16xf32>,
        %mul3A_734 = arith.mulf %gather3A_720, %get3A_733 : vector<16xf32>
        %add3A_735 = arith.addf %add3A_711, %mul3A_734 : vector<16xf32>
        %get3A_736 = arith.index_cast %add3A_718 : i32 to index
        %get3A_737 = arith.constant 48 : index
        %get3A_738 = tpu.vector_load %arg14[%get3A_736, %get3A_737] {strides = array<i32>} : memref<200x64xf32, #tpu.memory_space<vmem>>, vector<16xf32>,
        %mul3A_739 = arith.mulf %gather3A_720, %get3A_738 : vector<16xf32>
        %add3A_740 = arith.addf %add3A_716, %mul3A_739 : vector<16xf32>
        %add3A_741 = arith.constant 7 : i32
        %add3A_742 = arith.addi %mul3A_573, %add3A_741 : i32
        %broadcast_in_dim3A_743 = vector.broadcast %add3A_742 : i32 to vector<16xi32>
        %gather3A_744 = tpu.vector_load_idx %arg15[%broadcast_in_dim3A_743] : memref<224xf32, #tpu.memory_space<vmem>>[vector<16xi32>], vector<16xf32>,
        %get3A_745 = arith.index_cast %add3A_742 : i32 to index
        %get3A_746 = arith.constant 0 : index
        %get3A_747 = tpu.vector_load %arg14[%get3A_745, %get3A_746] {strides = array<i32>} : memref<200x64xf32, #tpu.memory_space<vmem>>, vector<16xf32>,
        %mul3A_748 = arith.mulf %gather3A_744, %get3A_747 : vector<16xf32>
        %add3A_749 = arith.addf %add3A_725, %mul3A_748 : vector<16xf32>
        %get3A_750 = arith.index_cast %add3A_742 : i32 to index
        %get3A_751 = arith.constant 16 : index
        %get3A_752 = tpu.vector_load %arg14[%get3A_750, %get3A_751] {strides = array<i32>} : memref<200x64xf32, #tpu.memory_space<vmem>>, vector<16xf32>,
        %mul3A_753 = arith.mulf %gather3A_744, %get3A_752 : vector<16xf32>
        %add3A_754 = arith.addf %add3A_730, %mul3A_753 : vector<16xf32>
        %get3A_755 = arith.index_cast %add3A_742 : i32 to index
        %get3A_756 = arith.constant 32 : index
        %get3A_757 = tpu.vector_load %arg14[%get3A_755, %get3A_756] {strides = array<i32>} : memref<200x64xf32, #tpu.memory_space<vmem>>, vector<16xf32>,
        %mul3A_758 = arith.mulf %gather3A_744, %get3A_757 : vector<16xf32>
        %add3A_759 = arith.addf %add3A_735, %mul3A_758 : vector<16xf32>
        %get3A_760 = arith.index_cast %add3A_742 : i32 to index
        %get3A_761 = arith.constant 48 : index
        %get3A_762 = tpu.vector_load %arg14[%get3A_760, %get3A_761] {strides = array<i32>} : memref<200x64xf32, #tpu.memory_space<vmem>>, vector<16xf32>,
        %mul3A_763 = arith.mulf %gather3A_744, %get3A_762 : vector<16xf32>
        %add3A_764 = arith.addf %add3A_740, %mul3A_763 : vector<16xf32>
        scf.yield %add3A_749, %add3A_754, %add3A_759, %add3A_764 : vector<16xf32>, vector<16xf32>, vector<16xf32>, vector<16xf32>
      }
      %scan3A_543 = arith.constant 25 : i32
      %mul3A_544 = arith.mulf %scan3A_542#0, %div3A_535 : vector<16xf32>
      %swap3A_545 = arith.index_cast %add3A_445 : i32 to index
      %swap3A_546 = arith.constant 0 : index
      %swap3A_547 = tpu.vector_load %arg16[%swap3A_545, %swap3A_546] {strides = array<i32>} : memref<128x64xf32, #tpu.memory_space<vmem>>, vector<16xf32>,
      tpu.vector_store %arg16[%swap3A_545, %swap3A_546], %mul3A_544 {strides = array<i32>} : memref<128x64xf32, #tpu.memory_space<vmem>>, vector<16xf32>,
      %mul3A_548 = arith.mulf %scan3A_542#1, %div3A_535 : vector<16xf32>
      %swap3A_549 = arith.index_cast %add3A_445 : i32 to index
      %swap3A_550 = arith.constant 16 : index
      %swap3A_551 = tpu.vector_load %arg16[%swap3A_549, %swap3A_550] {strides = array<i32>} : memref<128x64xf32, #tpu.memory_space<vmem>>, vector<16xf32>,
      tpu.vector_store %arg16[%swap3A_549, %swap3A_550], %mul3A_548 {strides = array<i32>} : memref<128x64xf32, #tpu.memory_space<vmem>>, vector<16xf32>,
      %mul3A_552 = arith.mulf %scan3A_542#2, %div3A_535 : vector<16xf32>
      %swap3A_553 = arith.index_cast %add3A_445 : i32 to index
      %swap3A_554 = arith.constant 32 : index
      %swap3A_555 = tpu.vector_load %arg16[%swap3A_553, %swap3A_554] {strides = array<i32>} : memref<128x64xf32, #tpu.memory_space<vmem>>, vector<16xf32>,
      tpu.vector_store %arg16[%swap3A_553, %swap3A_554], %mul3A_552 {strides = array<i32>} : memref<128x64xf32, #tpu.memory_space<vmem>>, vector<16xf32>,
      %mul3A_556 = arith.mulf %scan3A_542#3, %div3A_535 : vector<16xf32>
      %swap3A_557 = arith.index_cast %add3A_445 : i32 to index
      %swap3A_558 = arith.constant 48 : index
      %swap3A_559 = tpu.vector_load %arg16[%swap3A_557, %swap3A_558] {strides = array<i32>} : memref<128x64xf32, #tpu.memory_space<vmem>>, vector<16xf32>,
      tpu.vector_store %arg16[%swap3A_557, %swap3A_558], %mul3A_556 {strides = array<i32>} : memref<128x64xf32, #tpu.memory_space<vmem>>, vector<16xf32>,
      %add3A_560 = arith.constant 4 : i32
      %add3A_561 = arith.addi %add3A_445, %add3A_560 : i32
      %lt3A_562 = arith.constant 128 : i32
      %lt3A_563 = arith.cmpi slt, %add3A_561, %lt3A_562 : i32
      %convert_element_type3A_564 = arith.extui %lt3A_563 : i1 to i32
      %cond3A_565 = arith.constant 0 : i32
      %cond3A_566 = arith.cmpi ne, %convert_element_type3A_564, %cond3A_565 : i32
      scf.if %cond3A_566 {
        %dma_start3A_567 = arith.constant 0 : i32
        %dma_start3A_568 = tpu.memref_slice %arg6[%add3A_561, %dma_start3A_567] : memref<128x200xi32, #tpu.memory_space<vmem>> -> memref<1x200xi32, #tpu.memory_space<vmem>>
        %dma_start3A_569 = tpu.memref_squeeze %dma_start3A_568 : memref<1x200xi32, #tpu.memory_space<vmem>> -> memref<200xi32, #tpu.memory_space<vmem>>
        %dma_start3A_570 = arith.constant 0 : i32
        %dma_start3A_571 = arith.constant 0 : i32
        %dma_start3A_572 = tpu.memref_slice %arg3[%dma_start3A_570, %dma_start3A_571] : memref<1000000x64xf32, #tpu.memory_space<hbm>> -> memref<1000000x64xf32, #tpu.memory_space<hbm>>
        tpu.enqueue_indirect_dma source(%dma_start3A_572 : memref<1000000x64xf32, #tpu.memory_space<hbm>>) target(%arg14 : memref<200x64xf32, #tpu.memory_space<vmem>>) offsets(%dma_start3A_569 : memref<200xi32, #tpu.memory_space<vmem>>) semaphore(%arg20 : memref<!tpu.dma_semaphore, #tpu.memory_space<semaphore_mem>>)
        %dma_start3A_573 = arith.constant 0 : i32
        %dma_start3A_574 = tpu.memref_slice %arg10[%dma_start3A_573] : memref<224xf32, #tpu.memory_space<vmem>> -> memref<200xf32, #tpu.memory_space<vmem>>
        %dma_start3A_575 = arith.constant 0 : i32
        %dma_start3A_576 = tpu.memref_slice %arg6[%add3A_561, %dma_start3A_575] : memref<128x200xi32, #tpu.memory_space<vmem>> -> memref<1x200xi32, #tpu.memory_space<vmem>>
        %dma_start3A_577 = tpu.memref_squeeze %dma_start3A_576 : memref<1x200xi32, #tpu.memory_space<vmem>> -> memref<200xi32, #tpu.memory_space<vmem>>
        %dma_start3A_578 = arith.constant 0 : i32
        %dma_start3A_579 = tpu.memref_slice %arg4[%dma_start3A_578] : memref<1000000xf32, #tpu.memory_space<hbm>> -> memref<1000000xf32, #tpu.memory_space<hbm>>
        tpu.enqueue_indirect_dma source(%dma_start3A_579 : memref<1000000xf32, #tpu.memory_space<hbm>>) target(%dma_start3A_574 : memref<200xf32, #tpu.memory_space<vmem>>) offsets(%dma_start3A_577 : memref<200xi32, #tpu.memory_space<vmem>>) semaphore(%arg20 : memref<!tpu.dma_semaphore, #tpu.memory_space<semaphore_mem>>)
      } else {
      }
    }
    %scan3A_80 = arith.constant 32 : i32
    "tpu.region"() ({
      %run_scoped3A = tpu.sem_alloc : memref<!tpu.dma_semaphore, #tpu.memory_space<semaphore_mem>>
      %dma_start3A_81 = arith.constant 0 : i32
      %dma_start3A_82 = tpu.memref_slice %arg5[%mul3A_2, %dma_start3A_81] : memref<4096x64xf32, #tpu.memory_space<hbm>> -> memref<128x64xf32, #tpu.memory_space<hbm>>
      %dma_start3A_83 = arith.constant 0 : i32
      %dma_start3A_84 = tpu.memref_slice %arg5[%mul3A_2, %dma_start3A_83] : memref<4096x64xf32, #tpu.memory_space<hbm>> -> memref<128x64xf32, #tpu.memory_space<hbm>>
      tpu.enqueue_dma source(%arg16 : memref<128x64xf32, #tpu.memory_space<vmem>>) target(%dma_start3A_84 : memref<128x64xf32, #tpu.memory_space<hbm>>) target_semaphore(%run_scoped3A : memref<!tpu.dma_semaphore, #tpu.memory_space<semaphore_mem>>)
      %dma_wait3A = arith.constant 0 : i32
      %dma_wait3A_85 = tpu.memref_slice %arg5[%mul3A_2, %dma_wait3A] : memref<4096x64xf32, #tpu.memory_space<hbm>> -> memref<128x64xf32, #tpu.memory_space<hbm>>
      %dma_wait3A_86 = arith.constant 0 : i32
      %dma_wait3A_87 = tpu.memref_slice %arg5[%mul3A_2, %dma_wait3A_86] : memref<4096x64xf32, #tpu.memory_space<hbm>> -> memref<128x64xf32, #tpu.memory_space<hbm>>
      tpu.wait_dma2 semaphore(%run_scoped3A : memref<!tpu.dma_semaphore, #tpu.memory_space<semaphore_mem>>) src(%arg16 : memref<128x64xf32, #tpu.memory_space<vmem>>) dst(%dma_wait3A_87 : memref<128x64xf32, #tpu.memory_space<hbm>>)
      tpu.yield
    }) : () -> ()
    return
  }
}

</mosaic_0001>

<sc_bundles>
// kernel: kernel.3.cloned.1.call-start
scs
__scs_entry_jumppad:
0x0: {  	(pc) =	sbr.rel $0x88, $3  }
0x1: {  	(tag) =	ssettag $0x0;
	lr =	simm.s32 $0x1  }
0x2: {  	[smem:$0x3F9E] =	sst lr;
	_ =	strace $0xD0000000  }
0x3: {  	_ = 	snop  }
0x4: {  	_ = 	snop  }
0x5: {  	_ = 	snop  }
0x6: {  	_ = 	snop  }
0x7: {  	_ = 	snop  }
__scs_overlays_trampoline_lowered:
0x8: {  	[smem:$0x3FAD] =	sst s0  }
0x9: {  	[smem:$0x3FAE] =	sst s1  }
0xa: {  	[smem:$0x3FAF] =	sst s2  }
0xb: {  	[smem:$0x3FB0] =	sst s3  }
0xc: {  	[smem:$0x3FB1] =	sst s4  }
0xd: {  	[smem:$0x3FB2] =	sst s5  }
0xe: {  	[smem:$0x3FB3] =	sst s6  }
0xf: {  	[smem:$0x3FB4] =	sst s7  }
0x10: {  	[smem:$0x3FB5] =	sst s8  }
0x11: {  	[smem:$0x3FB6] =	sst s9;
	s0 =	simm.s32 @!p0 $0x0  }
0x12: {  	s1 =	sld [smem:$0x3F9C];
	s0 =	simm.s32 @p0 $0x1  }
0x13: {  	[smem:$0x3FB7] =	sst s0;
	s0 =	simm.s32 @!p1 $0x0  }
0x14: {  	s2 =	sld [smem:$0x3F9B];
	s0 =	simm.s32 @p1 $0x1  }
0x15: {  	[smem:$0x3FB8] =	sst s0;
	s0 =	simm.s32 @!p2 $0x0  }
0x16: {  	s3 =	sld [smem:$0x3FDB];
	s0 =	simm.s32 @p2 $0x1  }
0x17: {  	s4 =	simm.s32 $0x1BF5;
	[smem:$0x3FBA] =	sst s0  }
0x18: {  	s0 =	sld [smem:$0x3F9D];
	_ =	swait.ge [sflag:s4], $0x0  }
0x19: {  	s7 =	sld [smem:$0x3F9E]  }
0x1a: {  	s8 =	sadd.s32 $0xFFFFE003, lr  }
0x1b: {  	s9 =	sadd.s32 $0xFFFFFEF7, lr;
	s5 =	simm.s32 $0xFFFFFFFF;
	p2 =	slt.u32 s8, $0xFFFFF086  }
0x1c: {  	p1 =	slt.u32 s9, $0xF7A;
	s5 =	simm.s32 @!p2 $0x0  }
0x1d: {  	s5 =	simm.s32 @p1 $0x1;
	p0 =	seq.s32 s7, s2  }
0x1e: {  	s7 =	smul.u32 @!p0 $0xF7A, s2;
	p2 =	seq.s32 @!p0 s5, $0x0  }
0x1f: {  	s9 =	smul.u32 $0xF7A, s1;
	s8 =	simm.s32 @!p0 $0x1BF5;
	p2 =	por !p2, p0  }
0x20: {  	[sflag:s8] =	ssyncset.s32 @!p0 $0xFFFFF086;
	s6 =	sadd.s32 @!p0 s3, s7;
	s7 =	simm.s32 @!p0 $0x108  }
0x21: {  	s3 =	sadd.s32 s3, s9;
	s6 =	sadd.s32 @!p0 $0x88, s6;
	s7 =	simm.s32 @p2 $0x1082  }
0x22: {  	[simem:s7], [sflag:s8] =	dma.local @!p0 [hbm:s6], $0xF7A  }
0x23: {  	s9 =	sor.u32 $0xD0000000, s2;
	s6 =	simm.s32 $0x108;
	_ =	swait.ge @!p0 [sflag:s8], $0x0  }
0x24: {  	s3 =	sadd.s32 $0x88, s3;
	s6 =	simm.s32 @!p1 $0x1082;
	[sflag:s4] =	ssyncset.s32 $0xFFFFF086  }
0x25: {  	[simem:s6], [sflag:s4] =	dma.local [hbm:s3], $0xF7A  }
0x26: {  	[smem:$0x3F9E] =	sst s1;
	(tag) =	ssettag s2;
	_ =	strace s9  }
0x27: {  	s1 =	sld [smem:$0x3FAE]  }
0x28: {  	s2 =	sld [smem:$0x3FAF]  }
0x29: {  	s4 =	sld [smem:$0x3FB1]  }
0x2a: {  	p0 =	seq.s32 s5, $0x0;
	s5 =	sld [smem:$0x3FB2]  }
0x2b: {  	s6 =	sld [smem:$0x3FB3]  }
0x2c: {  	s7 =	sld [smem:$0x3FB4]  }
0x2d: {  	s3 =	simm.s32 $0x108;
	s8 =	sld [smem:$0x3FB5]  }
0x2e: {  	s3 =	simm.s32 @!p0 $0x1082;
	s9 =	sld [smem:$0x3FB6]  }
0x2f: {  	lr =	sadd.s32 s0, s3;
	s0 =	sld [smem:$0x3FAD]  }
0x30: {  	s3 =	sld [smem:$0x3FB0]  }
0x31: {  	[smem:$0x3FB9] =	sst s10  }
0x32: {  	s10 =	sld [smem:$0x3FB7];
	_ =	sdelay $0x3  }
0x33: {  	p0 =	seq.s32 s10, $0x1;
	s10 =	sld [smem:$0x3FB9];
	_ =	sdelay $0x3  }
0x34: {  	[smem:$0x3FB9] =	sst s10  }
0x35: {  	s10 =	sld [smem:$0x3FB8];
	_ =	sdelay $0x3  }
0x36: {  	p1 =	seq.s32 s10, $0x1;
	s10 =	sld [smem:$0x3FB9];
	_ =	sdelay $0x3  }
0x37: {  	[smem:$0x3FB9] =	sst s10  }
0x38: {  	s10 =	sld [smem:$0x3FBA]  }
0x39: {  	_ = 	snop;
	(pc) =	sbr.ind lr, $3  }
0x3a: {  	_ = 	snop  }
0x3b: {  	_ = 	snop  }
0x3c: {  	p2 =	seq.s32 s10, $0x1;
	s10 =	sld [smem:$0x3FB9]  }
0x3d: {  	_ =	shalt  }
0x3e: {  	_ =	shalt  }
0x3f: {  	_ =	shalt  }
0x40: {  	_ =	shalt  }
0x41: {  	_ =	shalt  }
0x42: {  	_ =	shalt  }
0x43: {  	_ =	shalt  }
0x44: {  	_ =	shalt  }
0x45: {  	_ =	shalt  }
0x46: {  	_ =	shalt  }
0x47: {  	_ =	shalt  }
0x48: {  	_ =	shalt  }
0x49: {  	_ =	shalt  }
0x4a: {  	_ =	shalt  }
0x4b: {  	_ =	shalt  }
0x4c: {  	_ =	shalt  }
0x4d: {  	_ =	shalt  }
0x4e: {  	_ =	shalt  }
0x4f: {  	_ =	shalt  }
0x50: {  	_ =	shalt  }
0x51: {  	_ =	shalt  }
0x52: {  	_ =	shalt  }
0x53: {  	_ =	shalt  }
0x54: {  	_ =	shalt  }
0x55: {  	_ =	shalt  }
0x56: {  	_ =	shalt  }
0x57: {  	_ =	shalt  }
0x58: {  	_ =	shalt  }
0x59: {  	_ =	shalt  }
0x5a: {  	_ =	shalt  }
0x5b: {  	_ =	shalt  }
0x5c: {  	_ =	shalt  }
0x5d: {  	_ =	shalt  }
0x5e: {  	_ =	shalt  }
0x5f: {  	_ =	shalt  }
0x60: {  	_ =	shalt  }
0x61: {  	_ =	shalt  }
0x62: {  	_ =	shalt  }
0x63: {  	_ =	shalt  }
0x64: {  	_ =	shalt  }
0x65: {  	_ =	shalt  }
0x66: {  	_ =	shalt  }
0x67: {  	_ =	shalt  }
0x68: {  	_ =	shalt  }
0x69: {  	_ =	shalt  }
0x6a: {  	_ =	shalt  }
0x6b: {  	_ =	shalt  }
0x6c: {  	_ =	shalt  }
0x6d: {  	_ =	shalt  }
0x6e: {  	_ =	shalt  }
0x6f: {  	_ =	shalt  }
0x70: {  	_ =	shalt  }
0x71: {  	_ =	shalt  }
0x72: {  	_ =	shalt  }
0x73: {  	_ =	shalt  }
0x74: {  	_ =	shalt  }
0x75: {  	_ =	shalt  }
0x76: {  	_ =	shalt  }
0x77: {  	_ =	shalt  }
0x78: {  	_ =	shalt  }
0x79: {  	_ =	shalt  }
0x7a: {  	_ =	shalt  }
0x7b: {  	_ =	shalt  }
0x7c: {  	_ =	shalt  }
0x7d: {  	_ =	shalt  }
0x7e: {  	_ =	shalt  }
0x7f: {  	_ =	shalt  }
0x80: {  	_ =	shalt  }
0x81: {  	_ =	shalt  }
0x82: {  	_ =	shalt  }
0x83: {  	_ =	shalt  }
0x84: {  	_ =	shalt  }
0x85: {  	_ =	shalt  }
0x86: {  	_ =	shalt  }
0x87: {  	_ =	shalt  }
.Lfunc_end0:
.L_simem_size_0:
called_computation_lowered:
.L_overlay_start_0:
0x88: {  	s2 =	sld [smem:$0x3FD9]  }
0x89: {  	s3 =	sld [smem:$0x3FFE];
	_ =	sdelay $0x1  }
0x8a: {  	s1 =	srdreg.scid  }
0x8b: {  	s0 =	sand.u32 $0x1, s1  }
0x8c: {  	s17 =	sshll.u32 s0, $0xA;
	s2 =	sadd.s32 s3, s2  }
0x8d: {  	s2 =	sadd.s32 s2, s17  }
0x8e: {  	[smem:$0x3FC5] =	sst s2  }
0x8f: {  	_ = 	snop  }
0x90: {  	s2 =	sld [smem:$0x3FD0];
	(tm) =	ssettm $0x1  }
0x91: {  	s18 =	sld [smem:$0x3FFB];
	_ =	sdelay $0x3  }
0x92: {  	_ =	strace s18  }
0x93: {  	s3 =	sld [smem:$0x3FFC];
	_ =	sdelay $0x3  }
0x94: {  	_ =	strace s3  }
0x95: {  	s3 =	sld [smem:$0x3FFD];
	_ =	sdelay $0x3  }
0x96: {  	_ =	strace s3  }
0x97: {  	_ =	strace $0x8FFFFFFF  }
0x98: {  	s19 =	sld [smem:$0x3FDB];
	_ =	sdelay $0x1  }
0x99: {  	s4 =	simm.s32 $_scs_section_size  }
0x9a: {  	s5 =	simm.s32 $_size__tile_overlayer_lowered;
	s6 =	simm.s32 $_tile_overlayer_lowered  }
0x9b: {  	s22 =	simm.s32 $0x1BFF;
	s21 =	sshll.u32 s6, $0x1;
	s3 =	sadd.s32 s4, s19  }
0x9c: {  	s7 =	simm.s32 $0x0;
	s20 =	sshll.u32 s5, $0x1;
	s5 =	sadd.s32 s21, s3  }
0x9d: {  	[timem:s7], [sflag:s22] =	dma.local [hbm:s5], s20  }
0x9e: {  	_ =	swait.ge [sflag:s22], s20  }
0x9f: {  	s4 =	ssub.s32 $0x0, s20;
	[sflag:s22] =	ssyncset.done $0x0  }
0xa0: {  	[sflag:s22] =	ssyncadd.s32 s4;
	_ =	sdelay $0x1  }
0xa1: {  	s23 =	simm.s32 $0x1B8B  }
0xa2: {  	_ =	swait.ge [sflag:s23], $0x1  }
0xa3: {  	[sflag:s23] =	ssyncset.done $0x0  }
0xa4: {  	s25 =	simm.s32 $0x1B8E;
	s24 =	sld [smem:$0x3FFE];
	[sflag:s23] =	ssyncadd.s32 $0xFFFFFFFF  }
0xa5: {  	s26 =	simm.s32 $execute0_lowered;
	[smem:$0x3FD2] =	sst s25  }
0xa6: {  	s5 =	sshll.u32 s26, $0x1;
	_ =	strace $0x80000046;
	[dreg:$0x1] =	wrdreg $0xFFFFFFFF  }
0xa7: {  	s28 =	simm.s32 $_size_execute0_lowered;
	s3 =	sadd.s32 s3, s5;
	[dreg:$0x0] =	wrdreg $0x0  }
0xa8: {  	s5 =	sshll.u32 s28, $0x1;
	[dreg:$0x2] =	wrdreg s3  }
0xa9: {  	[dreg:$0x3] =	wrdreg s5  }
0xaa: {  	[dreg:$0x4] =	wrdreg $0xC0  }
0xab: {  	_ =	task [dreg:s7], $0x5FFFF  }
0xac: {  	[dreg:$0x1] =	wrdreg $0xFFFFFFFF  }
0xad: {  	[dreg:$0x0] =	wrdreg $0x60  }
0xae: {  	[dreg:$0x2] =	wrdreg s24  }
0xaf: {  	[dreg:$0x3] =	wrdreg s2  }
0xb0: {  	[dreg:$0x4] =	wrdreg $0x9  }
0xb1: {  	_ =	task.clear_ibuf [dreg:s7], $0x5FFFF;
	_ =	strace $0x90000046  }
0xb2: {  	s29 =	simm.s32 $0x9;
	_ =	strace $0x80000048  }
0xb3: {  	_ =	swait.ge [sflag:s29], $0x1  }
0xb4: {  	[sflag:s29] =	ssyncadd.s32 $0xFFFFFFFF  }
0xb5: {  	_ =	strace $0x90000048  }
0xb6: {  	_ =	sfence  }
0xb7: {  	s30 =	sld [smem:$0x0];
	_ =	sdelay $0x2  }
0xb8: {  	s31 =	sshll.u32 s1, $0xD;
	s1 =	sshrl.u32 s1, $0x2  }
0xb9: {  	s3 =	sand.u32 $0x4000, s31;
	s1 =	sadd.s32 s1, s30  }
0xba: {  	s0 =	sor.u32 s3, s0;
	s1 =	sshll.u32 s1, $0x11  }
0xbb: {  	s0 =	sor.u32 s1, s0  }
0xbc: {  	s0 =	sadd.s32 $0x8F2B, s0  }
0xbd: {  	[sflag:s0] =	ssyncadd.remote.s32 $0x1  }
0xbe: {  	_ =	sfence.sel $0xFFFF  }
0xbf: {  	[dreg:$0x0] =	wrdreg $0xFFFFFFFF;
	(pc) =	sbr.abs _section_cstart, $3  }
0xc0: {  	[dreg:$0x1] =	wrdreg $0xFFFFFFFF  }
0xc1: {  	_ =	task.clear_ibuf [dreg:s7], $0x2FFFF;
	_ =	strace $0x9FFFFFFF  }
0xc2: {  	(tm) =	ssettm $0x7FFFFFFF  }
0xc3: {  	_ =	shalt  }
tec
execute0_lowered:
.L_overlay_start_1:
0x0: {  	(tag) =	ssettag $0x1  }
0x1: {  	s1 =	srdreg.scid;
	v0 =	vimm.s32 $0xEFCDAB89;
	v1 =	vimm.s32 $0x67452301  }
0x2: {  	s4 =	rddreg [dreg:$0x0];
	s0 =	stileid.u32;
	v2 =	vimm.s32 $0xDCFE98BA;
	v3 =	vimm.s32 $0x54761032;
	v4 =	vimm.s32 $0xBA98FEDC  }
0x3: {  	s6 =	rddreg [dreg:$0x1];
	s2 =	simm.s32 $0x0;
	v5 =	vimm.s32 $0x32107654;
	v6 =	vimm.s32 $0xFEDCBA98;
	s9 =	simm.s32 $0xC8  }
0x4: {  	v7 =	vimm.s32 $0x76543210;
	s13 =	simm.s32 $0x64E0;
	s14 =	simm.s32 $0x190;
	s15 =	simm.s32 $0xCB80  }
0x5: {  	s16 =	simm.s32 $0x65C0;
	s17 =	simm.s32 $0x258;
	s18 =	simm.s32 $0xFD80;
	vm0 =	vcmask $0x300  }
0x6: {  	s19 =	simm.s32 $0x66A0;
	s20 =	simm.s32 $0x1;
	s21 =	simm.s32 $0x12F80;
	v0 =	vunpack.c.l.s4.s8 v0;
	v1 =	vunpack.c.l.s4.s8 v1;
	v2 =	vunpack.c.l.s4.s8 v2  }
0x7: {  	s22 =	simm.s32 $0x2;
	s23 =	simm.s32 $0x3;
	s24 =	simm.s32 $0x4;
	v3 =	vunpack.c.l.s4.s8 v3;
	v4 =	vunpack.c.l.s4.s8 v4;
	v5 =	vunpack.c.l.s4.s8 v5  }
0x8: {  	s25 =	simm.s32 $0x13060;
	s26 =	simm.s32 $0x0;
	s1 =	sand.u32 $0x1, s1;
	v6 =	vunpack.c.l.s4.s8 v6;
	v7 =	vunpack.c.l.s4.s8 v7;
	v0 =	vunpack.c.0.s8.s32 v0  }
0x9: {  	s3 =	sshll.u32 s0, $0x8;
	[smem:$0x7FF] =	sst s2;
	s5 =	sshll.u32 s1, $0x7;
	v1 =	vunpack.c.0.s8.s32 v1;
	v2 =	vunpack.c.0.s8.s32 v2;
	v3 =	vunpack.c.0.s8.s32 v3  }
.Ltmp0:
0xa: {  	s1 =	ssub.s32 $0x2, s1;
	s7 =	sor.u32 s5, s3;
	v4 =	vunpack.c.0.s8.s32 v4;
	v5 =	vunpack.c.0.s8.s32 v5;
	v6 =	vunpack.c.0.s8.s32 v6;
	(pc) =	sbr.rel .LBB2_1-.Ltmp0, $4  }
0xb: {  	_ =	strace $0x80000047;
	s8 =	sshrl.u32 s1, $0x1;
	s5 =	smul.u32 $0x19, s7;
	v1 =	vcombine.low v1, v0;
	v3 =	vcombine.low v3, v2;
	v2 =	vunpack.c.0.s8.s32 v7  }
0xc: {  	s3 =	sadd.s32 $0xF42800, s4;
	s1 =	ssub.s32 s1, s8;
	s7 =	sshll.u32 s7, $0x3;
	v4 =	vcombine.low v5, v4;
	v0 =	vimm.f32 $-1.000000020e+30;
	v5 =	vand.u32 $0xF, v6  }
0xd: {  	s8 =	simm.s32 $0x5;
	s6 =	sadd.s32 s6, s7;
	s5 =	sadd.s32 s5, s4;
	v1 =	vand.u32 $0xF, v1;
	v2 =	vcombine.low v5, v2;
	v5 =	vimm.s32 $0x0  }
0xe: {  	s7 =	smax.u32 s1, $0x1;
	s4 =	sadd.s32 $0x19400, s4;
	s5 =	sadd.s32 $0x400, s5;
	v3 =	vand.u32 $0xF, v3;
	v4 =	vand.u32 $0xF, v4;
	v5 =	vsel vm0, $0x3, v5  }
.LBB2_12:
0xf: {  	s26 =	sadd.s32 $0x1, s26  }
0x10: {  	p0 =	sne.s32 s26, s7  }
.Ltmp1:
0x11: {  	_ = 	snop;
	(pc) =	sbr.rel @!p0 .LBB2_13-.Ltmp1, $4  }
0x12: {  	[hbm4b:s6+s2] =	stream.linear.scatter [tilespmem:s25], [sflag:$0x5], $0x2000, $0x38;
	[tilespmem:$0x15060] =	vst v63  }
0x13: {  	_ =	swait.ge [sflag:s8], $0x2000  }
0x14: {  	[sflag:s8] =	ssyncset.done $0x0  }
0x15: {  	[sflag:s8] =	ssyncadd.s32 $0xFFFFE000  }
.LBB2_1:
0x16: {  	[tilespmem:s2], [sflag:$0x5] =	stream.linear.gather [hbm4b:s5+s2], $0x6400, $0x38;
	[tilespmem:$0x15060] =	vst v63  }
0x17: {  	_ =	swait.ge [sflag:s8], $0x6400  }
0x18: {  	[sflag:s8] =	ssyncset.done $0x0  }
0x19: {  	[sflag:s8] =	ssyncadd.s32 $0xFFFF9C00  }
0x1a: {  	[tilespmem:$0x64C8] =	vst v0  }
0x1b: {  	[tilespmem:$0x65A8] =	vst v0  }
0x1c: {  	[tilespmem:$0x6688] =	vst v0  }
0x1d: {  	s0 =	simm.s32 $0x6780;
	[tilespmem:$0x6768] =	vst v0  }
0x1e: {  	[tilespmem:s0], [sflag:$0x1] =	stream.indirect.gather [hbm4b:s3+s9], $0x40, s2, s9, $0xb8;
	[tilespmem:$0x15060] =	vst v63  }
0x1f: {  	s30 =	simm.s32 $0x6400  }
0x20: {  	[tilespmem:s30], [sflag:$0x1] =	stream.indirect.gather [hbm4b:s4+s9], $0x1, s2, s9, $0xb8;
	[tilespmem:$0x15060] =	vst v63  }
0x21: {  	s31 =	simm.s32 $0x9980  }
0x22: {  	[tilespmem:s31], [sflag:$0x2] =	stream.indirect.gather [hbm4b:s3+s9], $0x40, s9, s9, $0xb8;
	[tilespmem:$0x15060] =	vst v63  }
0x23: {  	_ = 	snop  }
0x24: {  	[tilespmem:s13], [sflag:$0x2] =	stream.indirect.gather [hbm4b:s4+s9], $0x1, s9, s9, $0xb8;
	[tilespmem:$0x15060] =	vst v63  }
0x25: {  	_ = 	snop  }
0x26: {  	[tilespmem:s15], [sflag:$0x3] =	stream.indirect.gather [hbm4b:s3+s9], $0x40, s14, s9, $0xb8;
	[tilespmem:$0x15060] =	vst v63  }
0x27: {  	_ = 	snop  }
0x28: {  	[tilespmem:s16], [sflag:$0x3] =	stream.indirect.gather [hbm4b:s4+s9], $0x1, s14, s9, $0xb8;
	[tilespmem:$0x15060] =	vst v63  }
0x29: {  	_ = 	snop  }
0x2a: {  	[tilespmem:s18], [sflag:$0x4] =	stream.indirect.gather [hbm4b:s3+s9], $0x40, s17, s9, $0xb8;
	[tilespmem:$0x15060] =	vst v63  }
0x2b: {  	s28 =	simm.s32 $0x0  }
0x2c: {  	[tilespmem:s19], [sflag:$0x4] =	stream.indirect.gather [hbm4b:s4+s9], $0x1, s17, s9, $0xb8;
	[tilespmem:$0x15060] =	vst v63  }
.LBB2_2:
0x2d: {  	_ =	swait.ge [sflag:s20], $0x3200  }
0x2e: {  	[sflag:s20] =	ssyncset.done $0x0  }
0x2f: {  	[sflag:s20] =	ssyncadd.s32 $0xFFFFCE00  }
0x30: {  	_ =	swait.ge [sflag:s20], $0xC8  }
0x31: {  	[sflag:s20] =	ssyncset.done $0x0  }
0x32: {  	[sflag:s20] =	ssyncadd.s32 $0xFFFFFF38  }
0x33: {  	v6 =	vld [tilespmem:$0x6400]  }
0x34: {  	v7 =	vld [tilespmem:$0x6410]  }
0x35: {  	v8 =	vld [tilespmem:$0x6420]  }
0x36: {  	v9 =	vld [tilespmem:$0x6430]  }
0x37: {  	v10 =	vld [tilespmem:$0x6440]  }
0x38: {  	v12 =	vld [tilespmem:$0x6450];
	v11 =	vmax.f32 v6, $-1.000000020e+30  }
0x39: {  	v7 =	vmax.f32 v11, v7;
	v11 =	vld [tilespmem:$0x6460]  }
0x3a: {  	v7 =	vmax.f32 v7, v8;
	v8 =	vld [tilespmem:$0x6470]  }
0x3b: {  	v7 =	vmax.f32 v7, v9;
	v9 =	vld [tilespmem:$0x6480]  }
0x3c: {  	v7 =	vmax.f32 v7, v10;
	v10 =	vld [tilespmem:$0x6490]  }
0x3d: {  	v7 =	vmax.f32 v7, v12;
	v12 =	vld [tilespmem:$0x64A0]  }
0x3e: {  	v7 =	vmax.f32 v7, v11;
	v11 =	vld [tilespmem:$0x64B0]  }
0x3f: {  	v7 =	vmax.f32 v7, v8;
	v8 =	vld [tilespmem:$0x64C0]  }
0x40: {  	v7 =	vmax.f32 v7, v9  }
0x41: {  	v7 =	vmax.f32 v7, v10  }
0x42: {  	v7 =	vmax.f32 v7, v12  }
0x43: {  	v7 =	vmax.f32 v7, v11  }
0x44: {  	v7 =	vmax.f32 v7, v8  }
0x45: {  	v8 =	vperm.xlane v7, v1;
	_ =	sdelay $0x1  }
0x46: {  	v7 =	vmax.f32 v7, v8  }
0x47: {  	v8 =	vperm.xlane v7, v3;
	_ =	sdelay $0x1  }
0x48: {  	v7 =	vmax.f32 v7, v8  }
0x49: {  	v8 =	vperm.xlane v7, v4;
	_ =	sdelay $0x1  }
0x4a: {  	v7 =	vmax.f32 v7, v8  }
0x4b: {  	v9 =	vld [tilespmem:$0x6410];
	v8 =	vperm.xlane v7, v2;
	_ =	sdelay $0x1  }
0x4c: {  	v7 =	vmax.f32 v7, v8;
	v8 =	vld [tilespmem:$0x6420]  }
0x4d: {  	v6 =	vsub.f32 v6, v7  }
0x4e: {  	v10 =	vld [tilespmem:$0x6430]  }
0x4f: {  	v9 =	vsub.f32 v9, v7;
	v6 =	vmul.f32 $1.442695020e+00, v6  }
0x50: {  	v11 =	vld [tilespmem:$0x6440]  }
0x51: {  	(erf) = vpow2.f32 v6;
	v6 =	vmul.f32 $1.442695020e+00, v9;
	v8 =	vsub.f32 v8, v7  }
0x52: {  	v9 =	vld [tilespmem:$0x6450]  }
0x53: {  	(erf) = vpow2.f32 v6;
	v6 =	vmul.f32 $1.442695020e+00, v8;
	v8 =	vsub.f32 v10, v7;
	_ =	sdelay $0x1  }
0x54: {  	(erf) = vpow2.f32 v6;
	v6 =	vmul.f32 $1.442695020e+00, v8;
	v8 =	vsub.f32 v11, v7  }
0x55: {  	v10 =	vld [tilespmem:$0x6460]  }
0x56: {  	(erf) = vpow2.f32 v6;
	v6 =	vmul.f32 $1.442695020e+00, v8;
	v8 =	vsub.f32 v9, v7  }
0x57: {  	v9 =	vld [tilespmem:$0x6470]  }
0x58: {  	(erf) = vpow2.f32 v6;
	v6 =	vmul.f32 $1.442695020e+00, v8;
	v8 =	vld [tilespmem:$0x6480]  }
0x59: {  	v11 =	vpop (erf)  }
0x5a: {  	v10 =	vsub.f32 v10, v7;
	v12 =	vadd.f32 $0.0e+00, v11;
	(erf) = vpow2.f32 v6;
	v6 =	vld [tilespmem:$0x6490]  }
0x5b: {  	v13 =	vpop (erf)  }
0x5c: {  	v14 =	vld [tilespmem:$0x64A0];
	v10 =	vmul.f32 $1.442695020e+00, v10;
	v9 =	vsub.f32 v9, v7;
	v12 =	vadd.f32 v13, v12  }
0x5d: {  	v15 =	vpop (erf);
	v8 =	vsub.f32 v8, v7  }
0x5e: {  	(erf) = vpow2.f32 v10;
	v9 =	vmul.f32 $1.442695020e+00, v9;
	v10 =	vadd.f32 v15, v12;
	v12 =	vld [tilespmem:$0x64B0]  }
0x5f: {  	v16 =	vpop (erf);
	v8 =	vmul.f32 $1.442695020e+00, v8;
	v6 =	vsub.f32 v6, v7  }
0x60: {  	(erf) = vpow2.f32 v9;
	v9 =	vadd.f32 v16, v10;
	v10 =	vld [tilespmem:$0x64C0]  }
0x61: {  	(erf) = vpow2.f32 v8;
	v6 =	vmul.f32 $1.442695020e+00, v6;
	v8 =	vsub.f32 v14, v7  }
0x62: {  	v17 =	vpop (erf)  }
0x63: {  	v14 =	vpop (erf);
	(erf) = vpow2.f32 v6;
	v6 =	vmul.f32 $1.442695020e+00, v8;
	v8 =	vsub.f32 v12, v7  }
0x64: {  	v9 =	vadd.f32 v17, v9  }
0x65: {  	(erf) = vpow2.f32 v6;
	v6 =	vmul.f32 $1.442695020e+00, v8;
	v7 =	vsub.f32 v10, v7  }
0x66: {  	v9 =	vadd.f32 v14, v9  }
0x67: {  	[tilespmem:$0x12F80] =	vst v11;
	v8 =	vpop (erf);
	(erf) = vpow2.f32 v6;
	v6 =	vmul.f32 $1.442695020e+00, v7  }
0x68: {  	[tilespmem:$0x12F90] =	vst v13;
	v9 =	vadd.f32 v8, v9  }
0x69: {  	[tilespmem:$0x12FA0] =	vst v15;
	v7 =	vpop (erf);
	(erf) = vpow2.f32 v6  }
0x6a: {  	[tilespmem:$0x12FB0] =	vst v16;
	v9 =	vadd.f32 v7, v9  }
0x6b: {  	[tilespmem:$0x12FC0] =	vst v17;
	v6 =	vpop (erf)  }
0x6c: {  	[tilespmem:$0x12FD0] =	vst v14;
	v9 =	vadd.f32 v6, v9  }
0x6d: {  	[tilespmem:$0x12FE0] =	vst v8;
	v10 =	vpop (erf)  }
0x6e: {  	[tilespmem:$0x12FF0] =	vst v7;
	v9 =	vadd.f32 v10, v9  }
0x6f: {  	[tilespmem:$0x13000] =	vst v6;
	v12 =	vpop (erf)  }
0x70: {  	[tilespmem:$0x13010] =	vst v10;
	v9 =	vadd.f32 v12, v9  }
0x71: {  	[tilespmem:$0x13020] =	vst v12;
	v18 =	vpop (erf)  }
0x72: {  	[tilespmem:$0x13030] =	vst v18;
	v9 =	vadd.f32 v18, v9;
	v11 =	vpop (erf)  }
0x73: {  	s29 =	simm.s32 $0x6880;
	[tilespmem:$0x13040] =	vst v11  }
0x74: {  	s11 =	simm.s32 $0x4;
	s31 =	simm.s32 $0x3;
	v9 =	vadd.f32 v11, v9;
	v10 =	vld [tilespmem:s29+$0xC0]  }
0x75: {  	s12 =	simm.s32 $0x0;
	s0 =	simm.s32 $0x2;
	v21 =	vmov s11;
	v22 =	vmov s31;
	v12 =	vld [tilespmem:s29+$0xD0]  }
0x76: {  	v23 =	vmov s12;
	v25 =	vmov s0;
	v11 =	vld [tilespmem:s29+$0x90];
	v13 =	vperm.xlane v9, v1  }
0x77: {  	v26 =	vshrl.u32 v23, $0x3;
	v30 =	vshrl.u32 v21, $0x3;
	v31 =	vshrl.u32 v22, $0x3;
	v14 =	vld [tilespmem:s29+$0x50]  }
0x78: {  	s10 =	simm.s32 $0x6;
	v29 =	vshrl.u32 v25, $0x3;
	v26 =	vshll.u32 v26, v5;
	v18 =	vld [tilespmem:s29+$0x0];
	v7 =	vadd.f32 v13, v9  }
0x79: {  	s1 =	simm.s32 $0x7;
	s30 =	simm.s32 $0x5;
	v33 =	vshll.u32 v31, v5;
	v28 =	vbroadcast v26, $0x0;
	v16 =	vmov s10;
	v20 =	vld [tilespmem:s29+$0x10]  }
0x7a: {  	v17 =	vmov s30;
	s30 =	simm.s32 $0x1;
	v19 =	vld [tilespmem:s29+$0xFFFFFFC0];
	v13 =	vmov s1;
	v6 =	vperm.xlane v7, v3  }
0x7b: {  	v16 =	vshrl.u32 v16, $0x3;
	v24 =	vmov s30;
	v23 =	vld [tilespmem:s29+$0xFFFFFFD0];
	v15 =	vshrl.u32 v13, $0x3  }
0x7c: {  	v17 =	vshrl.u32 v17, $0x3;
	v21 =	vld [tilespmem:s29+$0xFFFFFF80];
	v15 =	vshll.u32 v15, v5;
	v6 =	vadd.f32 v6, v7  }
0x7d: {  	v32 =	vshrl.u32 v24, $0x3;
	v8 =	vimm.f32 $0.0e+00;
	v22 =	vld [tilespmem:s29+$0xFFFFFF90];
	v15 =	vadd.s32 $0x7, v15  }
0x7e: {  	v24 =	vld [tilespmem:s29+$0xFFFFFF40];
	v27 =	vbroadcast v15, $0x0;
	v15 =	vshll.u32 v16, v5;
	v7 =	vperm.xlane v6, v4  }
0x7f: {  	v25 =	vld [tilespmem:s29+$0xFFFFFF00];
	v16 =	vshll.u32 v17, v5;
	v17 =	vshll.u32 v30, v5;
	v15 =	vadd.s32 $0x6, v15  }
0x80: {  	v26 =	vld [tilespmem:s29+$0xFFFFFF10];
	v16 =	vadd.s32 $0x5, v16;
	v34 =	vadd.s32 $0x4, v17;
	v6 =	vadd.f32 v7, v6  }
0x81: {  	v9 =	vld [tilespmem:s29+$0x80];
	v17 =	vimm.f32 $0.0e+00;
	v30 =	vbroadcast v15, $0x0;
	v31 =	vbroadcast v16, $0x0  }
0x82: {  	s30 =	simm.s32 $0xF;
	v13 =	vld [tilespmem:s29+$0x40];
	v15 =	vimm.f32 $0.0e+00;
	v16 =	vimm.f32 $0.0e+00;
	v7 =	vperm.xlane v6, v2  }
.LBB2_3:
0x83: {  	p0 =	sne.s32 s30, $0xC7;
	v35 =	vld [tilespmem:s29+$0xFFFFFF20];
	v29 =	vshll.u32 v29, v5;
	v33 =	vadd.s32 $0x3, v33;
	v34 =	vbroadcast v34, $0x0  }
0x84: {  	v32 =	vshll.u32 v32, v5;
	v29 =	vadd.s32 $0x2, v29;
	v33 =	vbroadcast v33, $0x0;
	v27 =	vld.idx.msk [tilespmem:v27+s21+$0x0], $0xffff  }
0x85: {  	v32 =	vadd.s32 $0x1, v32;
	v28 =	vld.idx.msk [tilespmem:v28+s21+$0x0], $0xffff;
	v29 =	vbroadcast v29, $0x0  }
0x86: {  	v32 =	vbroadcast v32, $0x0;
	v36 =	vld [tilespmem:s29+$0xFFFFFF30]  }
0x87: {  	v30 =	vld.idx.msk [tilespmem:v30+s21+$0x0], $0xffff  }
0x88: {  	v31 =	vld.idx.msk [tilespmem:v31+s21+$0x0], $0xffff  }
0x89: {  	v34 =	vld.idx.msk [tilespmem:v34+s21+$0x0], $0xffff  }
0x8a: {  	v37 =	vmul.f32 v10, v27;
	v38 =	vmul.f32 v12, v27;
	v33 =	vld.idx.msk [tilespmem:v33+s21+$0x0], $0xffff  }
0x8b: {  	v10 =	vmul.f32 v25, v28;
	v12 =	vmul.f32 v26, v28;
	v25 =	vld.idx.msk [tilespmem:v29+s21+$0x0], $0xffff  }
0x8c: {  	v26 =	vmul.f32 v35, v28;
	v28 =	vmul.f32 v36, v28;
	v29 =	vld.idx.msk [tilespmem:v32+s21+$0x0], $0xffff  }
0x8d: {  	v35 =	vmul.f32 v9, v30;
	v36 =	vmul.f32 v11, v30;
	v32 =	vld [tilespmem:s29+$0xFFFFFF50]  }
0x8e: {  	v11 =	vmul.f32 v13, v31;
	v13 =	vmul.f32 v14, v31;
	v9 =	vld [tilespmem:s29+$0xFFFFFF60]  }
0x8f: {  	v14 =	vmov s30;
	v18 =	vmul.f32 v18, v34;
	v20 =	vmul.f32 v20, v34;
	v39 =	vld [tilespmem:s29+$0xFFFFFF70]  }
0x90: {  	s0 =	sadd.s32 $0xFFFFFFFF, s30;
	v40 =	vshrl.u32 v14, $0x3;
	v19 =	vmul.f32 v19, v33;
	v23 =	vmul.f32 v23, v33;
	v14 =	vld [tilespmem:s29+$0xFFFFFFA0]  }
0x91: {  	s1 =	sadd.s32 $0xFFFFFFFE, s30;
	v41 =	vmov s0;
	v21 =	vmul.f32 v21, v25;
	v22 =	vmul.f32 v22, v25;
	v42 =	vld [tilespmem:s29+$0xFFFFFFB0]  }
0x92: {  	v43 =	vmov s1;
	v24 =	vmul.f32 v24, v29;
	v32 =	vmul.f32 v32, v29;
	v44 =	vld [tilespmem:s29+$0xFFFFFFE0]  }
0x93: {  	v8 =	vadd.f32 v10, v8;
	v10 =	vadd.f32 v12, v15;
	v9 =	vmul.f32 v9, v29;
	v12 =	vld [tilespmem:s29+$0xFFFFFFF0]  }
0x94: {  	v15 =	vadd.f32 v26, v16;
	v16 =	vadd.f32 v28, v17;
	v17 =	vmul.f32 v39, v29;
	v26 =	vld [tilespmem:s29+$0x20]  }
0x95: {  	v8 =	vadd.f32 v24, v8;
	v10 =	vadd.f32 v32, v10;
	v14 =	vmul.f32 v14, v25;
	v24 =	vld [tilespmem:s29+$0x30]  }
0x96: {  	v9 =	vadd.f32 v9, v15;
	v15 =	vadd.f32 v17, v16;
	v16 =	vmul.f32 v42, v25;
	v17 =	vld [tilespmem:s29+$0x60]  }
0x97: {  	v8 =	vadd.f32 v21, v8;
	v10 =	vadd.f32 v22, v10;
	v21 =	vmul.f32 v44, v33;
	v22 =	vld [tilespmem:s29+$0x70]  }
0x98: {  	v9 =	vadd.f32 v14, v9;
	v14 =	vadd.f32 v16, v15;
	v12 =	vmul.f32 v12, v33;
	v15 =	vld [tilespmem:s29+$0xA0]  }
0x99: {  	v8 =	vadd.f32 v19, v8;
	v10 =	vadd.f32 v23, v10;
	v16 =	vmul.f32 v26, v34;
	v19 =	vld [tilespmem:s29+$0xB0]  }
0x9a: {  	v9 =	vadd.f32 v21, v9;
	v12 =	vadd.f32 v12, v14;
	v14 =	vmul.f32 v24, v34;
	v21 =	vld [tilespmem:s29+$0xE0]  }
0x9b: {  	v8 =	vadd.f32 v18, v8;
	v18 =	vadd.f32 v20, v10;
	v17 =	vmul.f32 v17, v31;
	v20 =	vld [tilespmem:s29+$0xF0];
	s29 =	sadd.s32 $0x200, s29  }
0x9c: {  	v16 =	vadd.f32 v16, v9;
	v10 =	vld [tilespmem:s29+$0xC0];
	v14 =	vadd.f32 v14, v12;
	v22 =	vmul.f32 v22, v31  }
0x9d: {  	v8 =	vadd.f32 v11, v8;
	v13 =	vadd.f32 v13, v18;
	v12 =	vld [tilespmem:s29+$0xD0];
	v15 =	vmul.f32 v15, v30  }
0x9e: {  	v16 =	vadd.f32 v17, v16;
	v9 =	vld [tilespmem:s29+$0x80];
	v14 =	vadd.f32 v22, v14;
	v17 =	vmul.f32 v19, v30  }
0x9f: {  	v8 =	vadd.f32 v35, v8;
	v18 =	vadd.f32 v36, v13;
	v11 =	vld [tilespmem:s29+$0x90];
	v19 =	vmul.f32 v21, v27  }
0xa0: {  	s0 =	sadd.s32 $0xFFFFFFFD, s30;
	v16 =	vadd.f32 v15, v16;
	v13 =	vld [tilespmem:s29+$0x40];
	v17 =	vadd.f32 v17, v14;
	v20 =	vmul.f32 v20, v27  }
0xa1: {  	s1 =	sadd.s32 $0xFFFFFFFC, s30;
	v21 =	vmov s0;
	v8 =	vadd.f32 v37, v8;
	v15 =	vadd.f32 v38, v18;
	v14 =	vld [tilespmem:s29+$0x50]  }
0xa2: {  	s31 =	sadd.s32 $0xFFFFFFFA, s30;
	s10 =	sadd.s32 $0xFFFFFFFB, s30;
	v22 =	vmov s1;
	s0 =	sadd.s32 $0xFFFFFFF9, s30;
	v16 =	vadd.f32 v19, v16;
	v18 =	vld [tilespmem:s29+$0x0];
	v17 =	vadd.f32 v20, v17  }
0xa3: {  	v25 =	vmov s10;
	v24 =	vmov s31;
	v23 =	vmov s0;
	v20 =	vld [tilespmem:s29+$0x10]  }
0xa4: {  	v26 =	vshrl.u32 v43, $0x3;
	v30 =	vshrl.u32 v41, $0x3;
	v27 =	vshll.u32 v40, v5;
	v19 =	vld [tilespmem:s29+$0xFFFFFFC0]  }
0xa5: {  	v31 =	vshrl.u32 v21, $0x3;
	v28 =	vshrl.u32 v23, $0x3;
	v27 =	vadd.s32 $0x7, v27;
	v23 =	vld [tilespmem:s29+$0xFFFFFFD0]  }
.Ltmp2:
0xa6: {  	v33 =	vshrl.u32 v22, $0x3;
	v28 =	vshll.u32 v28, v5;
	v27 =	vbroadcast v27, $0x0;
	v21 =	vld [tilespmem:s29+$0xFFFFFF80];
	(pc) =	sbr.rel @p0 .LBB2_3-.Ltmp2, $4  }
0xa7: {  	v29 =	vshrl.u32 v25, $0x3;
	v25 =	vshll.u32 v30, v5;
	v28 =	vbroadcast v28, $0x0;
	v22 =	vld [tilespmem:s29+$0xFFFFFF90]  }
0xa8: {  	v26 =	vshll.u32 v26, v5;
	v32 =	vshrl.u32 v24, $0x3;
	v30 =	vadd.s32 $0x6, v25;
	v24 =	vld [tilespmem:s29+$0xFFFFFF40]  }
0xa9: {  	v35 =	vadd.s32 $0x5, v26;
	v31 =	vshll.u32 v31, v5;
	v30 =	vbroadcast v30, $0x0;
	v25 =	vld [tilespmem:s29+$0xFFFFFF00]  }
0xaa: {  	s30 =	sadd.s32 $0x8, s30;
	v33 =	vshll.u32 v33, v5;
	v34 =	vadd.s32 $0x4, v31;
	v31 =	vbroadcast v35, $0x0;
	v26 =	vld [tilespmem:s29+$0xFFFFFF10]  }
0xab: {  	_ =	sdelay $0x2  }
0xac: {  	v35 =	vld [tilespmem:s29+$0xFFFFFF20]  }
0xad: {  	v27 =	vld.idx.msk [tilespmem:v27+s21+$0x0], $0xffff  }
0xae: {  	v33 =	vadd.s32 $0x3, v33;
	v34 =	vbroadcast v34, $0x0;
	v32 =	vshll.u32 v32, v5;
	v28 =	vld.idx.msk [tilespmem:v28+s21+$0x0], $0xffff  }
0xaf: {  	v36 =	vld [tilespmem:s29+$0xFFFFFF30];
	v33 =	vbroadcast v33, $0x0;
	v32 =	vadd.s32 $0x1, v32  }
0xb0: {  	v29 =	vshll.u32 v29, v5;
	v30 =	vld.idx.msk [tilespmem:v30+s21+$0x0], $0xffff;
	v32 =	vbroadcast v32, $0x0  }
0xb1: {  	v63 =	vld [tilespmem:s29+$0xFFFFFF50];
	v29 =	vadd.s32 $0x2, v29  }
0xb2: {  	v37 =	vld [tilespmem:s29+$0xFFFFFF60];
	v6 =	vadd.f32 v7, v6;
	v29 =	vbroadcast v29, $0x0  }
0xb3: {  	v31 =	vld.idx.msk [tilespmem:v31+s21+$0x0], $0xffff  }
0xb4: {  	(erf) = vrcp.f32 v6;
	v34 =	vld.idx.msk [tilespmem:v34+s21+$0x0], $0xffff  }
0xb5: {  	v10 =	vmul.f32 v10, v27;
	v12 =	vmul.f32 v12, v27;
	v33 =	vld.idx.msk [tilespmem:v33+s21+$0x0], $0xffff  }
0xb6: {  	v25 =	vmul.f32 v25, v28;
	v26 =	vmul.f32 v26, v28;
	v32 =	vld.idx.msk [tilespmem:v32+s21+$0x0], $0xffff  }
0xb7: {  	v38 =	vld [tilespmem:s29+$0xFFFFFF70];
	v35 =	vmul.f32 v35, v28;
	v28 =	vmul.f32 v36, v28  }
0xb8: {  	v9 =	vmul.f32 v9, v30;
	v11 =	vmul.f32 v11, v30;
	v29 =	vld.idx.msk [tilespmem:v29+s21+$0x0], $0xffff  }
0xb9: {  	v13 =	vmul.f32 v13, v31;
	v14 =	vmul.f32 v14, v31;
	v8 =	vadd.f32 v25, v8  }
0xba: {  	v39 =	vld [tilespmem:s29+$0xFFFFFFA0];
	v15 =	vadd.f32 v26, v15;
	v18 =	vmul.f32 v18, v34;
	v20 =	vmul.f32 v20, v34  }
0xbb: {  	v40 =	vld [tilespmem:s29+$0xFFFFFFB0];
	v16 =	vadd.f32 v35, v16;
	v19 =	vmul.f32 v19, v33;
	v24 =	vmul.f32 v24, v32  }
0xbc: {  	v41 =	vld [tilespmem:s29+$0xFFFFFFE0];
	v17 =	vadd.f32 v28, v17;
	v36 =	vmul.f32 v63, v32;
	v25 =	vmul.f32 v37, v32  }
0xbd: {  	v28 =	vld [tilespmem:s29+$0xFFFFFFF0];
	v26 =	vmul.f32 v38, v32;
	v21 =	vmul.f32 v21, v29;
	v8 =	vadd.f32 v24, v8  }
0xbe: {  	v22 =	vmul.f32 v22, v29;
	v15 =	vadd.f32 v36, v15;
	v24 =	vld [tilespmem:s29+$0x20];
	v16 =	vadd.f32 v25, v16  }
0xbf: {  	v17 =	vadd.f32 v26, v17;
	v25 =	vmul.f32 v39, v29;
	v26 =	vld [tilespmem:s29+$0x30];
	v8 =	vadd.f32 v21, v8  }
0xc0: {  	v23 =	vmul.f32 v23, v33;
	v7 =	vmul.f32 v40, v29;
	v21 =	vld [tilespmem:s29+$0x60];
	v15 =	vadd.f32 v22, v15  }
0xc1: {  	v29 =	vld [tilespmem:s29+$0x70];
	v22 =	vmul.f32 v41, v33;
	v16 =	vadd.f32 v25, v16;
	v8 =	vadd.f32 v19, v8  }
0xc2: {  	v6 =	vadd.f32 v7, v17;
	v7 =	vmul.f32 v28, v33;
	v17 =	vld [tilespmem:s29+$0xA0];
	v15 =	vadd.f32 v23, v15  }
0xc3: {  	v23 =	vld [tilespmem:s29+$0xB0];
	v16 =	vadd.f32 v22, v16;
	v19 =	vmul.f32 v24, v34;
	v8 =	vadd.f32 v18, v8  }
0xc4: {  	v6 =	vadd.f32 v7, v6;
	v7 =	vmul.f32 v26, v34;
	v18 =	vld [tilespmem:s29+$0xE0];
	v15 =	vadd.f32 v20, v15  }
0xc5: {  	v20 =	vmul.f32 v21, v31;
	v21 =	vld [tilespmem:s29+$0xF0];
	v16 =	vadd.f32 v19, v16;
	v8 =	vadd.f32 v13, v8  }
0xc6: {  	v6 =	vadd.f32 v7, v6;
	v7 =	vmul.f32 v29, v31;
	v13 =	vadd.f32 v14, v15  }
0xc7: {  	v14 =	vmul.f32 v17, v30;
	v15 =	vadd.f32 v20, v16;
	v8 =	vadd.f32 v9, v8  }
0xc8: {  	v6 =	vadd.f32 v7, v6;
	v7 =	vmul.f32 v23, v30;
	v9 =	vadd.f32 v11, v13  }
0xc9: {  	v11 =	vmul.f32 v18, v27;
	v13 =	vadd.f32 v14, v15;
	v8 =	vadd.f32 v10, v8  }
0xca: {  	v6 =	vadd.f32 v7, v6;
	v7 =	vmul.f32 v21, v27;
	v9 =	vadd.f32 v12, v9;
	v10 =	vpop (erf)  }
0xcb: {  	s0 =	sshll.u32 s28, $0x8;
	v11 =	vadd.f32 v11, v13;
	v8 =	vmul.f32 v8, v10  }
0xcc: {  	p0 =	seq.s32 s28, $0x1F;
	s29 =	sand.u32 $0x3FFFFF00, s0;
	v6 =	vadd.f32 v7, v6;
	v7 =	vmul.f32 v9, v10  }
0xcd: {  	s0 =	smul.u32 @!p0 $0xC80, s28;
	[tilespmem:s29+$0x13060] =	vst v8;
	v8 =	vmul.f32 v11, v10  }
0xce: {  	[tilespmem:s29+$0x13070] =	vst v7;
	v6 =	vmul.f32 v6, v10  }
0xcf: {  	s30 =	sshra.s32 @!p0 s0, $0x2;
	[tilespmem:s29+$0x13080] =	vst v8  }
0xd0: {  	s1 =	simm.s32 @!p0 $0xC8;
	s10 =	simm.s32 @!p0 $0x6780;
	s0 =	sadd.s32 @!p0 $0x320, s30;
	[tilespmem:s29+$0x13090] =	vst v6  }
0xd1: {  	[tilespmem:s10], [sflag:$0x1] =	stream.indirect.gather @!p0 [hbm4b:s3+s1], $0x40, s0, s1, $0xb8;
	[tilespmem:$0x15060] =	vst v63  }
0xd2: {  	s10 =	simm.s32 @!p0 $0x6400  }
0xd3: {  	[tilespmem:s10], [sflag:$0x1] =	stream.indirect.gather @!p0 [hbm4b:s4+s1], $0x1, s0, s1, $0xb8;
	[tilespmem:$0x15060] =	vst v63  }
0xd4: {  	_ =	swait.ge [sflag:s22], $0x3200  }
0xd5: {  	[sflag:s22] =	ssyncset.done $0x0  }
0xd6: {  	[sflag:s22] =	ssyncadd.s32 $0xFFFFCE00  }
0xd7: {  	_ =	swait.ge [sflag:s22], $0xC8  }
0xd8: {  	[sflag:s22] =	ssyncset.done $0x0  }
0xd9: {  	[sflag:s22] =	ssyncadd.s32 $0xFFFFFF38  }
0xda: {  	v6 =	vld [tilespmem:$0x64E0]  }
0xdb: {  	v7 =	vld [tilespmem:$0x64F0]  }
0xdc: {  	v8 =	vld [tilespmem:$0x6500]  }
0xdd: {  	v9 =	vld [tilespmem:$0x6510]  }
0xde: {  	v10 =	vld [tilespmem:$0x6520]  }
0xdf: {  	v12 =	vld [tilespmem:$0x6530];
	v11 =	vmax.f32 v6, $-1.000000020e+30  }
0xe0: {  	v7 =	vmax.f32 v11, v7;
	v11 =	vld [tilespmem:$0x6540]  }
0xe1: {  	v7 =	vmax.f32 v7, v8;
	v8 =	vld [tilespmem:$0x6550]  }
0xe2: {  	v7 =	vmax.f32 v7, v9;
	v9 =	vld [tilespmem:$0x6560]  }
0xe3: {  	v7 =	vmax.f32 v7, v10;
	v10 =	vld [tilespmem:$0x6570]  }
0xe4: {  	v7 =	vmax.f32 v7, v12;
	v12 =	vld [tilespmem:$0x6580]  }
0xe5: {  	v7 =	vmax.f32 v7, v11;
	v11 =	vld [tilespmem:$0x6590]  }
0xe6: {  	v7 =	vmax.f32 v7, v8;
	v8 =	vld [tilespmem:$0x65A0]  }
0xe7: {  	v7 =	vmax.f32 v7, v9  }
0xe8: {  	v7 =	vmax.f32 v7, v10  }
0xe9: {  	v7 =	vmax.f32 v7, v12  }
0xea: {  	v7 =	vmax.f32 v7, v11  }
0xeb: {  	v7 =	vmax.f32 v7, v8  }
0xec: {  	v8 =	vperm.xlane v7, v1;
	_ =	sdelay $0x1  }
0xed: {  	v7 =	vmax.f32 v7, v8  }
0xee: {  	v8 =	vperm.xlane v7, v3;
	_ =	sdelay $0x1  }
0xef: {  	v7 =	vmax.f32 v7, v8  }
0xf0: {  	v8 =	vperm.xlane v7, v4;
	_ =	sdelay $0x1  }
0xf1: {  	v7 =	vmax.f32 v7, v8  }
0xf2: {  	v9 =	vld [tilespmem:$0x64F0];
	v8 =	vperm.xlane v7, v2;
	_ =	sdelay $0x1  }
0xf3: {  	v7 =	vmax.f32 v7, v8;
	v8 =	vld [tilespmem:$0x6500]  }
0xf4: {  	v6 =	vsub.f32 v6, v7  }
0xf5: {  	v10 =	vld [tilespmem:$0x6510]  }
0xf6: {  	v9 =	vsub.f32 v9, v7;
	v6 =	vmul.f32 $1.442695020e+00, v6  }
0xf7: {  	v11 =	vld [tilespmem:$0x6520]  }
0xf8: {  	(erf) = vpow2.f32 v6;
	v6 =	vmul.f32 $1.442695020e+00, v9;
	v8 =	vsub.f32 v8, v7  }
0xf9: {  	v9 =	vld [tilespmem:$0x6530]  }
0xfa: {  	(erf) = vpow2.f32 v6;
	v6 =	vmul.f32 $1.442695020e+00, v8;
	v8 =	vsub.f32 v10, v7;
	_ =	sdelay $0x1  }
0xfb: {  	(erf) = vpow2.f32 v6;
	v6 =	vmul.f32 $1.442695020e+00, v8;
	v8 =	vsub.f32 v11, v7  }
0xfc: {  	v10 =	vld [tilespmem:$0x6540]  }
0xfd: {  	(erf) = vpow2.f32 v6;
	v6 =	vmul.f32 $1.442695020e+00, v8;
	v8 =	vsub.f32 v9, v7  }
0xfe: {  	v9 =	vld [tilespmem:$0x6550]  }
0xff: {  	(erf) = vpow2.f32 v6;
	v6 =	vmul.f32 $1.442695020e+00, v8;
	v8 =	vld [tilespmem:$0x6560]  }
0x100: {  	v11 =	vpop (erf)  }
0x101: {  	v10 =	vsub.f32 v10, v7;
	v12 =	vadd.f32 $0.0e+00, v11;
	(erf) = vpow2.f32 v6;
	v6 =	vld [tilespmem:$0x6570]  }
0x102: {  	v13 =	vpop (erf)  }
0x103: {  	v14 =	vld [tilespmem:$0x6580];
	v10 =	vmul.f32 $1.442695020e+00, v10;
	v9 =	vsub.f32 v9, v7;
	v12 =	vadd.f32 v13, v12  }
0x104: {  	v15 =	vpop (erf);
	v8 =	vsub.f32 v8, v7  }
0x105: {  	(erf) = vpow2.f32 v10;
	v9 =	vmul.f32 $1.442695020e+00, v9;
	v10 =	vadd.f32 v15, v12;
	v12 =	vld [tilespmem:$0x6590]  }
0x106: {  	v16 =	vpop (erf);
	v8 =	vmul.f32 $1.442695020e+00, v8;
	v6 =	vsub.f32 v6, v7  }
0x107: {  	(erf) = vpow2.f32 v9;
	v9 =	vadd.f32 v16, v10;
	v10 =	vld [tilespmem:$0x65A0]  }
0x108: {  	(erf) = vpow2.f32 v8;
	v6 =	vmul.f32 $1.442695020e+00, v6;
	v8 =	vsub.f32 v14, v7  }
0x109: {  	v17 =	vpop (erf)  }
0x10a: {  	v14 =	vpop (erf);
	(erf) = vpow2.f32 v6;
	v6 =	vmul.f32 $1.442695020e+00, v8;
	v8 =	vsub.f32 v12, v7  }
0x10b: {  	v9 =	vadd.f32 v17, v9  }
0x10c: {  	(erf) = vpow2.f32 v6;
	v6 =	vmul.f32 $1.442695020e+00, v8;
	v7 =	vsub.f32 v10, v7  }
0x10d: {  	v9 =	vadd.f32 v14, v9  }
0x10e: {  	[tilespmem:$0x12F80] =	vst v11;
	v8 =	vpop (erf);
	(erf) = vpow2.f32 v6;
	v6 =	vmul.f32 $1.442695020e+00, v7  }
0x10f: {  	[tilespmem:$0x12F90] =	vst v13;
	v9 =	vadd.f32 v8, v9  }
0x110: {  	[tilespmem:$0x12FA0] =	vst v15;
	v7 =	vpop (erf);
	(erf) = vpow2.f32 v6  }
0x111: {  	[tilespmem:$0x12FB0] =	vst v16;
	v9 =	vadd.f32 v7, v9  }
0x112: {  	[tilespmem:$0x12FC0] =	vst v17;
	v6 =	vpop (erf)  }
0x113: {  	[tilespmem:$0x12FD0] =	vst v14;
	v9 =	vadd.f32 v6, v9  }
0x114: {  	[tilespmem:$0x12FE0] =	vst v8;
	v10 =	vpop (erf)  }
0x115: {  	[tilespmem:$0x12FF0] =	vst v7;
	v9 =	vadd.f32 v10, v9  }
0x116: {  	[tilespmem:$0x13000] =	vst v6;
	v12 =	vpop (erf)  }
0x117: {  	[tilespmem:$0x13010] =	vst v10;
	v9 =	vadd.f32 v12, v9  }
0x118: {  	[tilespmem:$0x13020] =	vst v12;
	v18 =	vpop (erf)  }
0x119: {  	[tilespmem:$0x13030] =	vst v18;
	v9 =	vadd.f32 v18, v9;
	v11 =	vpop (erf)  }
0x11a: {  	s31 =	simm.s32 $0x9A80;
	s12 =	simm.s32 $0x4;
	[tilespmem:$0x13040] =	vst v11  }
0x11b: {  	v21 =	vmov s12;
	s12 =	simm.s32 $0x1;
	v9 =	vadd.f32 v11, v9;
	v10 =	vld [tilespmem:s31+$0xC0]  }
0x11c: {  	v24 =	vmov s12;
	s10 =	simm.s32 $0x6;
	v12 =	vld [tilespmem:s31+$0xD0]  }
0x11d: {  	v30 =	vshrl.u32 v21, $0x3;
	v16 =	vmov s10;
	s10 =	simm.s32 $0x3;
	v11 =	vld [tilespmem:s31+$0x90];
	v13 =	vperm.xlane v9, v1  }
0x11e: {  	s11 =	simm.s32 $0x5;
	v32 =	vshrl.u32 v24, $0x3;
	v22 =	vmov s10;
	v16 =	vshrl.u32 v16, $0x3;
	v14 =	vld [tilespmem:s31+$0x50]  }
0x11f: {  	s1 =	simm.s32 $0x7;
	v17 =	vmov s11;
	s11 =	simm.s32 $0x2;
	v31 =	vshrl.u32 v22, $0x3;
	v18 =	vld [tilespmem:s31+$0x0];
	v7 =	vadd.f32 v13, v9  }
0x120: {  	v25 =	vmov s11;
	v17 =	vshrl.u32 v17, $0x3;
	v20 =	vld [tilespmem:s31+$0x10];
	v13 =	vmov s1  }
0x121: {  	v33 =	vshll.u32 v31, v5;
	v19 =	vld [tilespmem:s31+$0xFFFFFFC0];
	s1 =	simm.s32 $0x0;
	v15 =	vshrl.u32 v13, $0x3;
	v6 =	vperm.xlane v7, v3  }
0x122: {  	v29 =	vshrl.u32 v25, $0x3;
	v21 =	vld [tilespmem:s31+$0xFFFFFF80];
	v23 =	vmov s1;
	v15 =	vshll.u32 v15, v5  }
0x123: {  	v22 =	vld [tilespmem:s31+$0xFFFFFF90];
	v26 =	vshrl.u32 v23, $0x3;
	v15 =	vadd.s32 $0x7, v15;
	v6 =	vadd.f32 v6, v7  }
0x124: {  	v8 =	vimm.f32 $0.0e+00;
	v24 =	vld [tilespmem:s31+$0xFFFFFF40];
	v26 =	vshll.u32 v26, v5;
	v27 =	vbroadcast v15, $0x0  }
0x125: {  	v25 =	vld [tilespmem:s31+$0xFFFFFF00];
	v28 =	vbroadcast v26, $0x0;
	v15 =	vshll.u32 v16, v5;
	v7 =	vperm.xlane v6, v4  }
0x126: {  	v9 =	vld [tilespmem:s31+$0x80];
	v16 =	vshll.u32 v17, v5;
	v17 =	vshll.u32 v30, v5;
	v15 =	vadd.s32 $0x6, v15  }
0x127: {  	v13 =	vld [tilespmem:s31+$0x40];
	v16 =	vadd.s32 $0x5, v16;
	v34 =	vadd.s32 $0x4, v17;
	v6 =	vadd.f32 v7, v6  }
0x128: {  	v23 =	vld [tilespmem:s31+$0xFFFFFFD0];
	v17 =	vimm.f32 $0.0e+00;
	v30 =	vbroadcast v15, $0x0;
	v31 =	vbroadcast v16, $0x0  }
0x129: {  	s1 =	simm.s32 $0xF;
	v26 =	vld [tilespmem:s31+$0xFFFFFF10];
	v15 =	vimm.f32 $0.0e+00;
	v16 =	vimm.f32 $0.0e+00;
	v7 =	vperm.xlane v6, v2  }
.LBB2_5:
0x12a: {  	p1 =	sne.s32 s1, $0xC7;
	v35 =	vld [tilespmem:s31+$0xFFFFFF20];
	v29 =	vshll.u32 v29, v5;
	v33 =	vadd.s32 $0x3, v33;
	v34 =	vbroadcast v34, $0x0  }
0x12b: {  	v32 =	vshll.u32 v32, v5;
	v29 =	vadd.s32 $0x2, v29;
	v33 =	vbroadcast v33, $0x0;
	v27 =	vld.idx.msk [tilespmem:v27+s21+$0x0], $0xffff  }
0x12c: {  	v32 =	vadd.s32 $0x1, v32;
	v28 =	vld.idx.msk [tilespmem:v28+s21+$0x0], $0xffff;
	v29 =	vbroadcast v29, $0x0  }
0x12d: {  	v32 =	vbroadcast v32, $0x0;
	v36 =	vld [tilespmem:s31+$0xFFFFFF30]  }
0x12e: {  	v30 =	vld.idx.msk [tilespmem:v30+s21+$0x0], $0xffff  }
0x12f: {  	v31 =	vld.idx.msk [tilespmem:v31+s21+$0x0], $0xffff  }
0x130: {  	v34 =	vld.idx.msk [tilespmem:v34+s21+$0x0], $0xffff  }
0x131: {  	v37 =	vmul.f32 v10, v27;
	v38 =	vmul.f32 v12, v27;
	v33 =	vld.idx.msk [tilespmem:v33+s21+$0x0], $0xffff  }
0x132: {  	v10 =	vmul.f32 v25, v28;
	v12 =	vmul.f32 v26, v28;
	v25 =	vld.idx.msk [tilespmem:v29+s21+$0x0], $0xffff  }
0x133: {  	v26 =	vmul.f32 v35, v28;
	v28 =	vmul.f32 v36, v28;
	v29 =	vld.idx.msk [tilespmem:v32+s21+$0x0], $0xffff  }
0x134: {  	v35 =	vmul.f32 v9, v30;
	v36 =	vmul.f32 v11, v30;
	v32 =	vld [tilespmem:s31+$0xFFFFFF50]  }
0x135: {  	v11 =	vmul.f32 v13, v31;
	v13 =	vmul.f32 v14, v31;
	v9 =	vld [tilespmem:s31+$0xFFFFFF60]  }
0x136: {  	v14 =	vmov s1;
	v18 =	vmul.f32 v18, v34;
	v20 =	vmul.f32 v20, v34;
	v39 =	vld [tilespmem:s31+$0xFFFFFF70]  }
0x137: {  	s0 =	sadd.s32 $0xFFFFFFFF, s1;
	v40 =	vshrl.u32 v14, $0x3;
	v19 =	vmul.f32 v19, v33;
	v23 =	vmul.f32 v23, v33;
	v14 =	vld [tilespmem:s31+$0xFFFFFFA0]  }
0x138: {  	s10 =	sadd.s32 $0xFFFFFFFE, s1;
	v41 =	vmov s0;
	v21 =	vmul.f32 v21, v25;
	v22 =	vmul.f32 v22, v25;
	v42 =	vld [tilespmem:s31+$0xFFFFFFB0]  }
0x139: {  	v43 =	vmov s10;
	v24 =	vmul.f32 v24, v29;
	v32 =	vmul.f32 v32, v29;
	v44 =	vld [tilespmem:s31+$0xFFFFFFE0]  }
0x13a: {  	v8 =	vadd.f32 v10, v8;
	v10 =	vadd.f32 v12, v15;
	v9 =	vmul.f32 v9, v29;
	v12 =	vld [tilespmem:s31+$0xFFFFFFF0]  }
0x13b: {  	v15 =	vadd.f32 v26, v16;
	v16 =	vadd.f32 v28, v17;
	v17 =	vmul.f32 v39, v29;
	v26 =	vld [tilespmem:s31+$0x20]  }
0x13c: {  	v8 =	vadd.f32 v24, v8;
	v10 =	vadd.f32 v32, v10;
	v14 =	vmul.f32 v14, v25;
	v24 =	vld [tilespmem:s31+$0x30]  }
0x13d: {  	v9 =	vadd.f32 v9, v15;
	v15 =	vadd.f32 v17, v16;
	v16 =	vmul.f32 v42, v25;
	v17 =	vld [tilespmem:s31+$0x60]  }
0x13e: {  	v8 =	vadd.f32 v21, v8;
	v10 =	vadd.f32 v22, v10;
	v21 =	vmul.f32 v44, v33;
	v22 =	vld [tilespmem:s31+$0x70]  }
0x13f: {  	v9 =	vadd.f32 v14, v9;
	v14 =	vadd.f32 v16, v15;
	v12 =	vmul.f32 v12, v33;
	v15 =	vld [tilespmem:s31+$0xA0]  }
0x140: {  	v8 =	vadd.f32 v19, v8;
	v10 =	vadd.f32 v23, v10;
	v16 =	vmul.f32 v26, v34;
	v19 =	vld [tilespmem:s31+$0xB0]  }
0x141: {  	v9 =	vadd.f32 v21, v9;
	v12 =	vadd.f32 v12, v14;
	v14 =	vmul.f32 v24, v34;
	v21 =	vld [tilespmem:s31+$0xE0]  }
0x142: {  	v8 =	vadd.f32 v18, v8;
	v18 =	vadd.f32 v20, v10;
	v17 =	vmul.f32 v17, v31;
	v20 =	vld [tilespmem:s31+$0xF0];
	s31 =	sadd.s32 $0x200, s31  }
0x143: {  	v16 =	vadd.f32 v16, v9;
	v10 =	vld [tilespmem:s31+$0xC0];
	v14 =	vadd.f32 v14, v12;
	v22 =	vmul.f32 v22, v31  }
0x144: {  	v8 =	vadd.f32 v11, v8;
	v13 =	vadd.f32 v13, v18;
	v12 =	vld [tilespmem:s31+$0xD0];
	v15 =	vmul.f32 v15, v30  }
0x145: {  	v16 =	vadd.f32 v17, v16;
	v9 =	vld [tilespmem:s31+$0x80];
	v14 =	vadd.f32 v22, v14;
	v17 =	vmul.f32 v19, v30  }
0x146: {  	v8 =	vadd.f32 v35, v8;
	v18 =	vadd.f32 v36, v13;
	v11 =	vld [tilespmem:s31+$0x90];
	v19 =	vmul.f32 v21, v27  }
0x147: {  	s0 =	sadd.s32 $0xFFFFFFFD, s1;
	v16 =	vadd.f32 v15, v16;
	v13 =	vld [tilespmem:s31+$0x40];
	v17 =	vadd.f32 v17, v14;
	v20 =	vmul.f32 v20, v27  }
0x148: {  	s10 =	sadd.s32 $0xFFFFFFFC, s1;
	v21 =	vmov s0;
	v8 =	vadd.f32 v37, v8;
	v15 =	vadd.f32 v38, v18;
	v14 =	vld [tilespmem:s31+$0x50]  }
0x149: {  	s11 =	sadd.s32 $0xFFFFFFFA, s1;
	s12 =	sadd.s32 $0xFFFFFFFB, s1;
	v22 =	vmov s10;
	s0 =	sadd.s32 $0xFFFFFFF9, s1;
	v16 =	vadd.f32 v19, v16;
	v18 =	vld [tilespmem:s31+$0x0];
	v17 =	vadd.f32 v20, v17  }
0x14a: {  	v25 =	vmov s12;
	v24 =	vmov s11;
	v23 =	vmov s0;
	v20 =	vld [tilespmem:s31+$0x10]  }
0x14b: {  	v26 =	vshrl.u32 v43, $0x3;
	v30 =	vshrl.u32 v41, $0x3;
	v27 =	vshll.u32 v40, v5;
	v19 =	vld [tilespmem:s31+$0xFFFFFFC0]  }
0x14c: {  	v31 =	vshrl.u32 v21, $0x3;
	v28 =	vshrl.u32 v23, $0x3;
	v27 =	vadd.s32 $0x7, v27;
	v23 =	vld [tilespmem:s31+$0xFFFFFFD0]  }
.Ltmp3:
0x14d: {  	v33 =	vshrl.u32 v22, $0x3;
	v28 =	vshll.u32 v28, v5;
	v27 =	vbroadcast v27, $0x0;
	v21 =	vld [tilespmem:s31+$0xFFFFFF80];
	(pc) =	sbr.rel @p1 .LBB2_5-.Ltmp3, $4  }
0x14e: {  	v29 =	vshrl.u32 v25, $0x3;
	v25 =	vshll.u32 v30, v5;
	v28 =	vbroadcast v28, $0x0;
	v22 =	vld [tilespmem:s31+$0xFFFFFF90]  }
0x14f: {  	v26 =	vshll.u32 v26, v5;
	v32 =	vshrl.u32 v24, $0x3;
	v30 =	vadd.s32 $0x6, v25;
	v24 =	vld [tilespmem:s31+$0xFFFFFF40]  }
0x150: {  	v35 =	vadd.s32 $0x5, v26;
	v31 =	vshll.u32 v31, v5;
	v30 =	vbroadcast v30, $0x0;
	v25 =	vld [tilespmem:s31+$0xFFFFFF00]  }
0x151: {  	s1 =	sadd.s32 $0x8, s1;
	v33 =	vshll.u32 v33, v5;
	v34 =	vadd.s32 $0x4, v31;
	v31 =	vbroadcast v35, $0x0;
	v26 =	vld [tilespmem:s31+$0xFFFFFF10]  }
0x152: {  	_ =	sdelay $0x2  }
0x153: {  	v35 =	vld [tilespmem:s31+$0xFFFFFF20]  }
0x154: {  	v27 =	vld.idx.msk [tilespmem:v27+s21+$0x0], $0xffff  }
0x155: {  	v33 =	vadd.s32 $0x3, v33;
	v34 =	vbroadcast v34, $0x0;
	v32 =	vshll.u32 v32, v5;
	v28 =	vld.idx.msk [tilespmem:v28+s21+$0x0], $0xffff  }
0x156: {  	v36 =	vld [tilespmem:s31+$0xFFFFFF30];
	v33 =	vbroadcast v33, $0x0;
	v32 =	vadd.s32 $0x1, v32  }
0x157: {  	v29 =	vshll.u32 v29, v5;
	v30 =	vld.idx.msk [tilespmem:v30+s21+$0x0], $0xffff;
	v32 =	vbroadcast v32, $0x0  }
0x158: {  	v63 =	vld [tilespmem:s31+$0xFFFFFF50];
	v29 =	vadd.s32 $0x2, v29  }
0x159: {  	v37 =	vld [tilespmem:s31+$0xFFFFFF60];
	v6 =	vadd.f32 v7, v6;
	v29 =	vbroadcast v29, $0x0  }
0x15a: {  	v31 =	vld.idx.msk [tilespmem:v31+s21+$0x0], $0xffff  }
0x15b: {  	(erf) = vrcp.f32 v6;
	v34 =	vld.idx.msk [tilespmem:v34+s21+$0x0], $0xffff  }
0x15c: {  	v10 =	vmul.f32 v10, v27;
	v12 =	vmul.f32 v12, v27;
	v33 =	vld.idx.msk [tilespmem:v33+s21+$0x0], $0xffff  }
0x15d: {  	v25 =	vmul.f32 v25, v28;
	v26 =	vmul.f32 v26, v28;
	v32 =	vld.idx.msk [tilespmem:v32+s21+$0x0], $0xffff  }
0x15e: {  	v38 =	vld [tilespmem:s31+$0xFFFFFF70];
	v35 =	vmul.f32 v35, v28;
	v28 =	vmul.f32 v36, v28  }
0x15f: {  	v9 =	vmul.f32 v9, v30;
	v11 =	vmul.f32 v11, v30;
	v29 =	vld.idx.msk [tilespmem:v29+s21+$0x0], $0xffff  }
0x160: {  	v13 =	vmul.f32 v13, v31;
	v14 =	vmul.f32 v14, v31;
	v8 =	vadd.f32 v25, v8  }
0x161: {  	v39 =	vld [tilespmem:s31+$0xFFFFFFA0];
	v15 =	vadd.f32 v26, v15;
	v18 =	vmul.f32 v18, v34;
	v20 =	vmul.f32 v20, v34  }
0x162: {  	v40 =	vld [tilespmem:s31+$0xFFFFFFB0];
	v16 =	vadd.f32 v35, v16;
	v19 =	vmul.f32 v19, v33;
	v24 =	vmul.f32 v24, v32  }
0x163: {  	v41 =	vld [tilespmem:s31+$0xFFFFFFE0];
	v17 =	vadd.f32 v28, v17;
	v36 =	vmul.f32 v63, v32;
	v25 =	vmul.f32 v37, v32  }
0x164: {  	v28 =	vld [tilespmem:s31+$0xFFFFFFF0];
	v26 =	vmul.f32 v38, v32;
	v21 =	vmul.f32 v21, v29;
	v8 =	vadd.f32 v24, v8  }
0x165: {  	v22 =	vmul.f32 v22, v29;
	v15 =	vadd.f32 v36, v15;
	v24 =	vld [tilespmem:s31+$0x20];
	v16 =	vadd.f32 v25, v16  }
0x166: {  	v17 =	vadd.f32 v26, v17;
	v25 =	vmul.f32 v39, v29;
	v26 =	vld [tilespmem:s31+$0x30];
	v8 =	vadd.f32 v21, v8  }
0x167: {  	v23 =	vmul.f32 v23, v33;
	v7 =	vmul.f32 v40, v29;
	v21 =	vld [tilespmem:s31+$0x60];
	v15 =	vadd.f32 v22, v15  }
0x168: {  	v29 =	vld [tilespmem:s31+$0x70];
	v22 =	vmul.f32 v41, v33;
	v16 =	vadd.f32 v25, v16;
	v8 =	vadd.f32 v19, v8  }
0x169: {  	v6 =	vadd.f32 v7, v17;
	v7 =	vmul.f32 v28, v33;
	v17 =	vld [tilespmem:s31+$0xA0];
	v15 =	vadd.f32 v23, v15  }
0x16a: {  	v23 =	vld [tilespmem:s31+$0xB0];
	v16 =	vadd.f32 v22, v16;
	v19 =	vmul.f32 v24, v34;
	v8 =	vadd.f32 v18, v8  }
0x16b: {  	v6 =	vadd.f32 v7, v6;
	v7 =	vmul.f32 v26, v34;
	v18 =	vld [tilespmem:s31+$0xE0];
	v15 =	vadd.f32 v20, v15  }
0x16c: {  	v20 =	vmul.f32 v21, v31;
	v21 =	vld [tilespmem:s31+$0xF0];
	v16 =	vadd.f32 v19, v16;
	v8 =	vadd.f32 v13, v8  }
0x16d: {  	v6 =	vadd.f32 v7, v6;
	v7 =	vmul.f32 v29, v31;
	v13 =	vadd.f32 v14, v15  }
0x16e: {  	v14 =	vmul.f32 v17, v30;
	v15 =	vadd.f32 v20, v16;
	v8 =	vadd.f32 v9, v8  }
0x16f: {  	v6 =	vadd.f32 v7, v6;
	v7 =	vmul.f32 v23, v30;
	v9 =	vadd.f32 v11, v13  }
0x170: {  	v11 =	vmul.f32 v18, v27;
	v13 =	vadd.f32 v14, v15;
	v8 =	vadd.f32 v10, v8  }
0x171: {  	v6 =	vadd.f32 v7, v6;
	v7 =	vmul.f32 v21, v27;
	v9 =	vadd.f32 v12, v9;
	v10 =	vpop (erf)  }
0x172: {  	v11 =	vadd.f32 v11, v13;
	v8 =	vmul.f32 v8, v10  }
0x173: {  	v6 =	vadd.f32 v7, v6;
	v7 =	vmul.f32 v9, v10  }
0x174: {  	[tilespmem:s29+$0x130A0] =	vst v8;
	v8 =	vmul.f32 v11, v10  }
0x175: {  	[tilespmem:s29+$0x130B0] =	vst v7;
	v6 =	vmul.f32 v6, v10  }
0x176: {  	[tilespmem:s29+$0x130C0] =	vst v8  }
0x177: {  	s0 =	sadd.s32 @!p0 $0x3E8, s30;
	s1 =	simm.s32 @!p0 $0xC8;
	s10 =	simm.s32 @!p0 $0x9980;
	[tilespmem:s29+$0x130D0] =	vst v6  }
0x178: {  	[tilespmem:s10], [sflag:$0x2] =	stream.indirect.gather @!p0 [hbm4b:s3+s1], $0x40, s0, s1, $0xb8;
	[tilespmem:$0x15060] =	vst v63  }
0x179: {  	s10 =	simm.s32 @!p0 $0x64E0  }
0x17a: {  	[tilespmem:s10], [sflag:$0x2] =	stream.indirect.gather @!p0 [hbm4b:s4+s1], $0x1, s0, s1, $0xb8;
	[tilespmem:$0x15060] =	vst v63  }
0x17b: {  	_ =	swait.ge [sflag:s23], $0x3200  }
0x17c: {  	[sflag:s23] =	ssyncset.done $0x0  }
0x17d: {  	[sflag:s23] =	ssyncadd.s32 $0xFFFFCE00  }
0x17e: {  	_ =	swait.ge [sflag:s23], $0xC8  }
0x17f: {  	[sflag:s23] =	ssyncset.done $0x0  }
0x180: {  	[sflag:s23] =	ssyncadd.s32 $0xFFFFFF38  }
0x181: {  	v6 =	vld [tilespmem:$0x65C0]  }
0x182: {  	v7 =	vld [tilespmem:$0x65D0]  }
0x183: {  	v8 =	vld [tilespmem:$0x65E0]  }
0x184: {  	v9 =	vld [tilespmem:$0x65F0]  }
0x185: {  	v10 =	vld [tilespmem:$0x6600]  }
0x186: {  	v12 =	vld [tilespmem:$0x6610];
	v11 =	vmax.f32 v6, $-1.000000020e+30  }
0x187: {  	v7 =	vmax.f32 v11, v7;
	v11 =	vld [tilespmem:$0x6620]  }
0x188: {  	v7 =	vmax.f32 v7, v8;
	v8 =	vld [tilespmem:$0x6630]  }
0x189: {  	v7 =	vmax.f32 v7, v9;
	v9 =	vld [tilespmem:$0x6640]  }
0x18a: {  	v7 =	vmax.f32 v7, v10;
	v10 =	vld [tilespmem:$0x6650]  }
0x18b: {  	v7 =	vmax.f32 v7, v12;
	v12 =	vld [tilespmem:$0x6660]  }
0x18c: {  	v7 =	vmax.f32 v7, v11;
	v11 =	vld [tilespmem:$0x6670]  }
0x18d: {  	v7 =	vmax.f32 v7, v8;
	v8 =	vld [tilespmem:$0x6680]  }
0x18e: {  	v7 =	vmax.f32 v7, v9  }
0x18f: {  	v7 =	vmax.f32 v7, v10  }
0x190: {  	v7 =	vmax.f32 v7, v12  }
0x191: {  	v7 =	vmax.f32 v7, v11  }
0x192: {  	v7 =	vmax.f32 v7, v8  }
0x193: {  	v8 =	vperm.xlane v7, v1;
	_ =	sdelay $0x1  }
0x194: {  	v7 =	vmax.f32 v7, v8  }
0x195: {  	v8 =	vperm.xlane v7, v3;
	_ =	sdelay $0x1  }
0x196: {  	v7 =	vmax.f32 v7, v8  }
0x197: {  	v8 =	vperm.xlane v7, v4;
	_ =	sdelay $0x1  }
0x198: {  	v7 =	vmax.f32 v7, v8  }
0x199: {  	v9 =	vld [tilespmem:$0x65D0];
	v8 =	vperm.xlane v7, v2;
	_ =	sdelay $0x1  }
0x19a: {  	v7 =	vmax.f32 v7, v8;
	v8 =	vld [tilespmem:$0x65E0]  }
0x19b: {  	v6 =	vsub.f32 v6, v7  }
0x19c: {  	v10 =	vld [tilespmem:$0x65F0]  }
0x19d: {  	v9 =	vsub.f32 v9, v7;
	v6 =	vmul.f32 $1.442695020e+00, v6  }
0x19e: {  	v11 =	vld [tilespmem:$0x6600]  }
0x19f: {  	(erf) = vpow2.f32 v6;
	v6 =	vmul.f32 $1.442695020e+00, v9;
	v8 =	vsub.f32 v8, v7  }
0x1a0: {  	v9 =	vld [tilespmem:$0x6610]  }
0x1a1: {  	(erf) = vpow2.f32 v6;
	v6 =	vmul.f32 $1.442695020e+00, v8;
	v8 =	vsub.f32 v10, v7;
	_ =	sdelay $0x1  }
0x1a2: {  	(erf) = vpow2.f32 v6;
	v6 =	vmul.f32 $1.442695020e+00, v8;
	v8 =	vsub.f32 v11, v7  }
0x1a3: {  	v10 =	vld [tilespmem:$0x6620]  }
0x1a4: {  	(erf) = vpow2.f32 v6;
	v6 =	vmul.f32 $1.442695020e+00, v8;
	v8 =	vsub.f32 v9, v7  }
0x1a5: {  	v9 =	vld [tilespmem:$0x6630]  }
0x1a6: {  	(erf) = vpow2.f32 v6;
	v6 =	vmul.f32 $1.442695020e+00, v8;
	v8 =	vld [tilespmem:$0x6640]  }
0x1a7: {  	v11 =	vpop (erf)  }
0x1a8: {  	v10 =	vsub.f32 v10, v7;
	v12 =	vadd.f32 $0.0e+00, v11;
	(erf) = vpow2.f32 v6;
	v6 =	vld [tilespmem:$0x6650]  }
0x1a9: {  	v13 =	vpop (erf)  }
0x1aa: {  	v14 =	vld [tilespmem:$0x6660];
	v10 =	vmul.f32 $1.442695020e+00, v10;
	v9 =	vsub.f32 v9, v7;
	v12 =	vadd.f32 v13, v12  }
0x1ab: {  	v15 =	vpop (erf);
	v8 =	vsub.f32 v8, v7  }
0x1ac: {  	(erf) = vpow2.f32 v10;
	v9 =	vmul.f32 $1.442695020e+00, v9;
	v10 =	vadd.f32 v15, v12;
	v12 =	vld [tilespmem:$0x6670]  }
0x1ad: {  	v16 =	vpop (erf);
	v8 =	vmul.f32 $1.442695020e+00, v8;
	v6 =	vsub.f32 v6, v7  }
0x1ae: {  	(erf) = vpow2.f32 v9;
	v9 =	vadd.f32 v16, v10;
	v10 =	vld [tilespmem:$0x6680]  }
0x1af: {  	(erf) = vpow2.f32 v8;
	v6 =	vmul.f32 $1.442695020e+00, v6;
	v8 =	vsub.f32 v14, v7  }
0x1b0: {  	v17 =	vpop (erf)  }
0x1b1: {  	v14 =	vpop (erf);
	(erf) = vpow2.f32 v6;
	v6 =	vmul.f32 $1.442695020e+00, v8;
	v8 =	vsub.f32 v12, v7  }
0x1b2: {  	v9 =	vadd.f32 v17, v9  }
0x1b3: {  	(erf) = vpow2.f32 v6;
	v6 =	vmul.f32 $1.442695020e+00, v8;
	v7 =	vsub.f32 v10, v7  }
0x1b4: {  	v9 =	vadd.f32 v14, v9  }
0x1b5: {  	[tilespmem:$0x12F80] =	vst v11;
	v8 =	vpop (erf);
	(erf) = vpow2.f32 v6;
	v6 =	vmul.f32 $1.442695020e+00, v7  }
0x1b6: {  	[tilespmem:$0x12F90] =	vst v13;
	v9 =	vadd.f32 v8, v9  }
0x1b7: {  	[tilespmem:$0x12FA0] =	vst v15;
	v7 =	vpop (erf);
	(erf) = vpow2.f32 v6  }
0x1b8: {  	[tilespmem:$0x12FB0] =	vst v16;
	v9 =	vadd.f32 v7, v9  }
0x1b9: {  	[tilespmem:$0x12FC0] =	vst v17;
	v6 =	vpop (erf)  }
0x1ba: {  	[tilespmem:$0x12FD0] =	vst v14;
	v9 =	vadd.f32 v6, v9  }
0x1bb: {  	[tilespmem:$0x12FE0] =	vst v8;
	v10 =	vpop (erf)  }
0x1bc: {  	[tilespmem:$0x12FF0] =	vst v7;
	v9 =	vadd.f32 v10, v9  }
0x1bd: {  	[tilespmem:$0x13000] =	vst v6;
	v12 =	vpop (erf)  }
0x1be: {  	[tilespmem:$0x13010] =	vst v10;
	v9 =	vadd.f32 v12, v9  }
0x1bf: {  	[tilespmem:$0x13020] =	vst v12;
	v18 =	vpop (erf)  }
0x1c0: {  	[tilespmem:$0x13030] =	vst v18;
	v9 =	vadd.f32 v18, v9;
	v11 =	vpop (erf)  }
0x1c1: {  	s12 =	simm.s32 $0x4;
	s31 =	simm.s32 $0xCC80;
	[tilespmem:$0x13040] =	vst v11  }
0x1c2: {  	v21 =	vmov s12;
	s12 =	simm.s32 $0x1;
	v9 =	vadd.f32 v11, v9;
	v10 =	vld [tilespmem:s31+$0xC0]  }
0x1c3: {  	v24 =	vmov s12;
	s10 =	simm.s32 $0x6;
	v12 =	vld [tilespmem:s31+$0xD0]  }
0x1c4: {  	v30 =	vshrl.u32 v21, $0x3;
	v16 =	vmov s10;
	s10 =	simm.s32 $0x3;
	v11 =	vld [tilespmem:s31+$0x90];
	v13 =	vperm.xlane v9, v1  }
0x1c5: {  	s11 =	simm.s32 $0x5;
	v32 =	vshrl.u32 v24, $0x3;
	v22 =	vmov s10;
	v16 =	vshrl.u32 v16, $0x3;
	v14 =	vld [tilespmem:s31+$0x50]  }
0x1c6: {  	s1 =	simm.s32 $0x7;
	v17 =	vmov s11;
	s11 =	simm.s32 $0x2;
	v31 =	vshrl.u32 v22, $0x3;
	v18 =	vld [tilespmem:s31+$0x0];
	v7 =	vadd.f32 v13, v9  }
0x1c7: {  	v25 =	vmov s11;
	v17 =	vshrl.u32 v17, $0x3;
	v20 =	vld [tilespmem:s31+$0x10];
	v13 =	vmov s1  }
0x1c8: {  	v33 =	vshll.u32 v31, v5;
	v19 =	vld [tilespmem:s31+$0xFFFFFFC0];
	s1 =	simm.s32 $0x0;
	v15 =	vshrl.u32 v13, $0x3;
	v6 =	vperm.xlane v7, v3  }
0x1c9: {  	v29 =	vshrl.u32 v25, $0x3;
	v21 =	vld [tilespmem:s31+$0xFFFFFF80];
	v23 =	vmov s1;
	v15 =	vshll.u32 v15, v5  }
0x1ca: {  	v22 =	vld [tilespmem:s31+$0xFFFFFF90];
	v26 =	vshrl.u32 v23, $0x3;
	v15 =	vadd.s32 $0x7, v15;
	v6 =	vadd.f32 v6, v7  }
0x1cb: {  	v8 =	vimm.f32 $0.0e+00;
	v24 =	vld [tilespmem:s31+$0xFFFFFF40];
	v26 =	vshll.u32 v26, v5;
	v27 =	vbroadcast v15, $0x0  }
0x1cc: {  	v25 =	vld [tilespmem:s31+$0xFFFFFF00];
	v28 =	vbroadcast v26, $0x0;
	v15 =	vshll.u32 v16, v5;
	v7 =	vperm.xlane v6, v4  }
0x1cd: {  	v9 =	vld [tilespmem:s31+$0x80];
	v16 =	vshll.u32 v17, v5;
	v17 =	vshll.u32 v30, v5;
	v15 =	vadd.s32 $0x6, v15  }
0x1ce: {  	v13 =	vld [tilespmem:s31+$0x40];
	v16 =	vadd.s32 $0x5, v16;
	v34 =	vadd.s32 $0x4, v17;
	v6 =	vadd.f32 v7, v6  }
0x1cf: {  	v23 =	vld [tilespmem:s31+$0xFFFFFFD0];
	v17 =	vimm.f32 $0.0e+00;
	v30 =	vbroadcast v15, $0x0;
	v31 =	vbroadcast v16, $0x0  }
0x1d0: {  	s1 =	simm.s32 $0xF;
	v26 =	vld [tilespmem:s31+$0xFFFFFF10];
	v15 =	vimm.f32 $0.0e+00;
	v16 =	vimm.f32 $0.0e+00;
	v7 =	vperm.xlane v6, v2  }
.LBB2_7:
0x1d1: {  	p1 =	sne.s32 s1, $0xC7;
	v35 =	vld [tilespmem:s31+$0xFFFFFF20];
	v29 =	vshll.u32 v29, v5;
	v33 =	vadd.s32 $0x3, v33;
	v34 =	vbroadcast v34, $0x0  }
0x1d2: {  	v32 =	vshll.u32 v32, v5;
	v29 =	vadd.s32 $0x2, v29;
	v33 =	vbroadcast v33, $0x0;
	v27 =	vld.idx.msk [tilespmem:v27+s21+$0x0], $0xffff  }
0x1d3: {  	v32 =	vadd.s32 $0x1, v32;
	v28 =	vld.idx.msk [tilespmem:v28+s21+$0x0], $0xffff;
	v29 =	vbroadcast v29, $0x0  }
0x1d4: {  	v32 =	vbroadcast v32, $0x0;
	v36 =	vld [tilespmem:s31+$0xFFFFFF30]  }
0x1d5: {  	v30 =	vld.idx.msk [tilespmem:v30+s21+$0x0], $0xffff  }
0x1d6: {  	v31 =	vld.idx.msk [tilespmem:v31+s21+$0x0], $0xffff  }
0x1d7: {  	v34 =	vld.idx.msk [tilespmem:v34+s21+$0x0], $0xffff  }
0x1d8: {  	v37 =	vmul.f32 v10, v27;
	v38 =	vmul.f32 v12, v27;
	v33 =	vld.idx.msk [tilespmem:v33+s21+$0x0], $0xffff  }
0x1d9: {  	v10 =	vmul.f32 v25, v28;
	v12 =	vmul.f32 v26, v28;
	v25 =	vld.idx.msk [tilespmem:v29+s21+$0x0], $0xffff  }
0x1da: {  	v26 =	vmul.f32 v35, v28;
	v28 =	vmul.f32 v36, v28;
	v29 =	vld.idx.msk [tilespmem:v32+s21+$0x0], $0xffff  }
0x1db: {  	v35 =	vmul.f32 v9, v30;
	v36 =	vmul.f32 v11, v30;
	v32 =	vld [tilespmem:s31+$0xFFFFFF50]  }
0x1dc: {  	v11 =	vmul.f32 v13, v31;
	v13 =	vmul.f32 v14, v31;
	v9 =	vld [tilespmem:s31+$0xFFFFFF60]  }
0x1dd: {  	v14 =	vmov s1;
	v18 =	vmul.f32 v18, v34;
	v20 =	vmul.f32 v20, v34;
	v39 =	vld [tilespmem:s31+$0xFFFFFF70]  }
0x1de: {  	s0 =	sadd.s32 $0xFFFFFFFF, s1;
	v40 =	vshrl.u32 v14, $0x3;
	v19 =	vmul.f32 v19, v33;
	v23 =	vmul.f32 v23, v33;
	v14 =	vld [tilespmem:s31+$0xFFFFFFA0]  }
0x1df: {  	s10 =	sadd.s32 $0xFFFFFFFE, s1;
	v41 =	vmov s0;
	v21 =	vmul.f32 v21, v25;
	v22 =	vmul.f32 v22, v25;
	v42 =	vld [tilespmem:s31+$0xFFFFFFB0]  }
0x1e0: {  	v43 =	vmov s10;
	v24 =	vmul.f32 v24, v29;
	v32 =	vmul.f32 v32, v29;
	v44 =	vld [tilespmem:s31+$0xFFFFFFE0]  }
0x1e1: {  	v8 =	vadd.f32 v10, v8;
	v10 =	vadd.f32 v12, v15;
	v9 =	vmul.f32 v9, v29;
	v12 =	vld [tilespmem:s31+$0xFFFFFFF0]  }
0x1e2: {  	v15 =	vadd.f32 v26, v16;
	v16 =	vadd.f32 v28, v17;
	v17 =	vmul.f32 v39, v29;
	v26 =	vld [tilespmem:s31+$0x20]  }
0x1e3: {  	v8 =	vadd.f32 v24, v8;
	v10 =	vadd.f32 v32, v10;
	v14 =	vmul.f32 v14, v25;
	v24 =	vld [tilespmem:s31+$0x30]  }
0x1e4: {  	v9 =	vadd.f32 v9, v15;
	v15 =	vadd.f32 v17, v16;
	v16 =	vmul.f32 v42, v25;
	v17 =	vld [tilespmem:s31+$0x60]  }
0x1e5: {  	v8 =	vadd.f32 v21, v8;
	v10 =	vadd.f32 v22, v10;
	v21 =	vmul.f32 v44, v33;
	v22 =	vld [tilespmem:s31+$0x70]  }
0x1e6: {  	v9 =	vadd.f32 v14, v9;
	v14 =	vadd.f32 v16, v15;
	v12 =	vmul.f32 v12, v33;
	v15 =	vld [tilespmem:s31+$0xA0]  }
0x1e7: {  	v8 =	vadd.f32 v19, v8;
	v10 =	vadd.f32 v23, v10;
	v16 =	vmul.f32 v26, v34;
	v19 =	vld [tilespmem:s31+$0xB0]  }
0x1e8: {  	v9 =	vadd.f32 v21, v9;
	v12 =	vadd.f32 v12, v14;
	v14 =	vmul.f32 v24, v34;
	v21 =	vld [tilespmem:s31+$0xE0]  }
0x1e9: {  	v8 =	vadd.f32 v18, v8;
	v18 =	vadd.f32 v20, v10;
	v17 =	vmul.f32 v17, v31;
	v20 =	vld [tilespmem:s31+$0xF0];
	s31 =	sadd.s32 $0x200, s31  }
0x1ea: {  	v16 =	vadd.f32 v16, v9;
	v10 =	vld [tilespmem:s31+$0xC0];
	v14 =	vadd.f32 v14, v12;
	v22 =	vmul.f32 v22, v31  }
0x1eb: {  	v8 =	vadd.f32 v11, v8;
	v13 =	vadd.f32 v13, v18;
	v12 =	vld [tilespmem:s31+$0xD0];
	v15 =	vmul.f32 v15, v30  }
0x1ec: {  	v16 =	vadd.f32 v17, v16;
	v9 =	vld [tilespmem:s31+$0x80];
	v14 =	vadd.f32 v22, v14;
	v17 =	vmul.f32 v19, v30  }
0x1ed: {  	v8 =	vadd.f32 v35, v8;
	v18 =	vadd.f32 v36, v13;
	v11 =	vld [tilespmem:s31+$0x90];
	v19 =	vmul.f32 v21, v27  }
0x1ee: {  	s0 =	sadd.s32 $0xFFFFFFFD, s1;
	v16 =	vadd.f32 v15, v16;
	v13 =	vld [tilespmem:s31+$0x40];
	v17 =	vadd.f32 v17, v14;
	v20 =	vmul.f32 v20, v27  }
0x1ef: {  	s10 =	sadd.s32 $0xFFFFFFFC, s1;
	v21 =	vmov s0;
	v8 =	vadd.f32 v37, v8;
	v15 =	vadd.f32 v38, v18;
	v14 =	vld [tilespmem:s31+$0x50]  }
0x1f0: {  	s11 =	sadd.s32 $0xFFFFFFFA, s1;
	s12 =	sadd.s32 $0xFFFFFFFB, s1;
	v22 =	vmov s10;
	s0 =	sadd.s32 $0xFFFFFFF9, s1;
	v16 =	vadd.f32 v19, v16;
	v18 =	vld [tilespmem:s31+$0x0];
	v17 =	vadd.f32 v20, v17  }
0x1f1: {  	v25 =	vmov s12;
	v24 =	vmov s11;
	v23 =	vmov s0;
	v20 =	vld [tilespmem:s31+$0x10]  }
0x1f2: {  	v26 =	vshrl.u32 v43, $0x3;
	v30 =	vshrl.u32 v41, $0x3;
	v27 =	vshll.u32 v40, v5;
	v19 =	vld [tilespmem:s31+$0xFFFFFFC0]  }
0x1f3: {  	v31 =	vshrl.u32 v21, $0x3;
	v28 =	vshrl.u32 v23, $0x3;
	v27 =	vadd.s32 $0x7, v27;
	v23 =	vld [tilespmem:s31+$0xFFFFFFD0]  }
.Ltmp4:
0x1f4: {  	v33 =	vshrl.u32 v22, $0x3;
	v28 =	vshll.u32 v28, v5;
	v27 =	vbroadcast v27, $0x0;
	v21 =	vld [tilespmem:s31+$0xFFFFFF80];
	(pc) =	sbr.rel @p1 .LBB2_7-.Ltmp4, $4  }
0x1f5: {  	v29 =	vshrl.u32 v25, $0x3;
	v25 =	vshll.u32 v30, v5;
	v28 =	vbroadcast v28, $0x0;
	v22 =	vld [tilespmem:s31+$0xFFFFFF90]  }
0x1f6: {  	v26 =	vshll.u32 v26, v5;
	v32 =	vshrl.u32 v24, $0x3;
	v30 =	vadd.s32 $0x6, v25;
	v24 =	vld [tilespmem:s31+$0xFFFFFF40]  }
0x1f7: {  	v35 =	vadd.s32 $0x5, v26;
	v31 =	vshll.u32 v31, v5;
	v30 =	vbroadcast v30, $0x0;
	v25 =	vld [tilespmem:s31+$0xFFFFFF00]  }
0x1f8: {  	s1 =	sadd.s32 $0x8, s1;
	v33 =	vshll.u32 v33, v5;
	v34 =	vadd.s32 $0x4, v31;
	v31 =	vbroadcast v35, $0x0;
	v26 =	vld [tilespmem:s31+$0xFFFFFF10]  }
0x1f9: {  	_ =	sdelay $0x2  }
0x1fa: {  	v35 =	vld [tilespmem:s31+$0xFFFFFF20]  }
0x1fb: {  	v27 =	vld.idx.msk [tilespmem:v27+s21+$0x0], $0xffff  }
0x1fc: {  	v33 =	vadd.s32 $0x3, v33;
	v34 =	vbroadcast v34, $0x0;
	v32 =	vshll.u32 v32, v5;
	v28 =	vld.idx.msk [tilespmem:v28+s21+$0x0], $0xffff  }
0x1fd: {  	v36 =	vld [tilespmem:s31+$0xFFFFFF30];
	v33 =	vbroadcast v33, $0x0;
	v32 =	vadd.s32 $0x1, v32  }
0x1fe: {  	v29 =	vshll.u32 v29, v5;
	v30 =	vld.idx.msk [tilespmem:v30+s21+$0x0], $0xffff;
	v32 =	vbroadcast v32, $0x0  }
0x1ff: {  	v63 =	vld [tilespmem:s31+$0xFFFFFF50];
	v29 =	vadd.s32 $0x2, v29  }
0x200: {  	v37 =	vld [tilespmem:s31+$0xFFFFFF60];
	v6 =	vadd.f32 v7, v6;
	v29 =	vbroadcast v29, $0x0  }
0x201: {  	v31 =	vld.idx.msk [tilespmem:v31+s21+$0x0], $0xffff  }
0x202: {  	(erf) = vrcp.f32 v6;
	v34 =	vld.idx.msk [tilespmem:v34+s21+$0x0], $0xffff  }
0x203: {  	v10 =	vmul.f32 v10, v27;
	v12 =	vmul.f32 v12, v27;
	v33 =	vld.idx.msk [tilespmem:v33+s21+$0x0], $0xffff  }
0x204: {  	v25 =	vmul.f32 v25, v28;
	v26 =	vmul.f32 v26, v28;
	v32 =	vld.idx.msk [tilespmem:v32+s21+$0x0], $0xffff  }
0x205: {  	v38 =	vld [tilespmem:s31+$0xFFFFFF70];
	v35 =	vmul.f32 v35, v28;
	v28 =	vmul.f32 v36, v28  }
0x206: {  	v9 =	vmul.f32 v9, v30;
	v11 =	vmul.f32 v11, v30;
	v29 =	vld.idx.msk [tilespmem:v29+s21+$0x0], $0xffff  }
0x207: {  	v13 =	vmul.f32 v13, v31;
	v14 =	vmul.f32 v14, v31;
	v8 =	vadd.f32 v25, v8  }
0x208: {  	v39 =	vld [tilespmem:s31+$0xFFFFFFA0];
	v15 =	vadd.f32 v26, v15;
	v18 =	vmul.f32 v18, v34;
	v20 =	vmul.f32 v20, v34  }
0x209: {  	v40 =	vld [tilespmem:s31+$0xFFFFFFB0];
	v16 =	vadd.f32 v35, v16;
	v19 =	vmul.f32 v19, v33;
	v24 =	vmul.f32 v24, v32  }
0x20a: {  	v41 =	vld [tilespmem:s31+$0xFFFFFFE0];
	v17 =	vadd.f32 v28, v17;
	v36 =	vmul.f32 v63, v32;
	v25 =	vmul.f32 v37, v32  }
0x20b: {  	v28 =	vld [tilespmem:s31+$0xFFFFFFF0];
	v26 =	vmul.f32 v38, v32;
	v21 =	vmul.f32 v21, v29;
	v8 =	vadd.f32 v24, v8  }
0x20c: {  	v22 =	vmul.f32 v22, v29;
	v15 =	vadd.f32 v36, v15;
	v24 =	vld [tilespmem:s31+$0x20];
	v16 =	vadd.f32 v25, v16  }
0x20d: {  	v17 =	vadd.f32 v26, v17;
	v25 =	vmul.f32 v39, v29;
	v26 =	vld [tilespmem:s31+$0x30];
	v8 =	vadd.f32 v21, v8  }
0x20e: {  	v23 =	vmul.f32 v23, v33;
	v7 =	vmul.f32 v40, v29;
	v21 =	vld [tilespmem:s31+$0x60];
	v15 =	vadd.f32 v22, v15  }
0x20f: {  	v29 =	vld [tilespmem:s31+$0x70];
	v22 =	vmul.f32 v41, v33;
	v16 =	vadd.f32 v25, v16;
	v8 =	vadd.f32 v19, v8  }
0x210: {  	v6 =	vadd.f32 v7, v17;
	v7 =	vmul.f32 v28, v33;
	v17 =	vld [tilespmem:s31+$0xA0];
	v15 =	vadd.f32 v23, v15  }
0x211: {  	v23 =	vld [tilespmem:s31+$0xB0];
	v16 =	vadd.f32 v22, v16;
	v19 =	vmul.f32 v24, v34;
	v8 =	vadd.f32 v18, v8  }
0x212: {  	v6 =	vadd.f32 v7, v6;
	v7 =	vmul.f32 v26, v34;
	v18 =	vld [tilespmem:s31+$0xE0];
	v15 =	vadd.f32 v20, v15  }
0x213: {  	v20 =	vmul.f32 v21, v31;
	v21 =	vld [tilespmem:s31+$0xF0];
	v16 =	vadd.f32 v19, v16;
	v8 =	vadd.f32 v13, v8  }
0x214: {  	v6 =	vadd.f32 v7, v6;
	v7 =	vmul.f32 v29, v31;
	v13 =	vadd.f32 v14, v15  }
0x215: {  	v14 =	vmul.f32 v17, v30;
	v15 =	vadd.f32 v20, v16;
	v8 =	vadd.f32 v9, v8  }
0x216: {  	v6 =	vadd.f32 v7, v6;
	v7 =	vmul.f32 v23, v30;
	v9 =	vadd.f32 v11, v13  }
0x217: {  	v11 =	vmul.f32 v18, v27;
	v13 =	vadd.f32 v14, v15;
	v8 =	vadd.f32 v10, v8  }
0x218: {  	v6 =	vadd.f32 v7, v6;
	v7 =	vmul.f32 v21, v27;
	v9 =	vadd.f32 v12, v9;
	v10 =	vpop (erf)  }
0x219: {  	v11 =	vadd.f32 v11, v13;
	v8 =	vmul.f32 v8, v10  }
0x21a: {  	v6 =	vadd.f32 v7, v6;
	v7 =	vmul.f32 v9, v10  }
0x21b: {  	[tilespmem:s29+$0x130E0] =	vst v8;
	v8 =	vmul.f32 v11, v10  }
0x21c: {  	[tilespmem:s29+$0x130F0] =	vst v7;
	v6 =	vmul.f32 v6, v10  }
0x21d: {  	[tilespmem:s29+$0x13100] =	vst v8  }
0x21e: {  	s0 =	sadd.s32 @!p0 $0x4B0, s30;
	s1 =	simm.s32 @!p0 $0xC8;
	s10 =	simm.s32 @!p0 $0xCB80;
	[tilespmem:s29+$0x13110] =	vst v6  }
0x21f: {  	[tilespmem:s10], [sflag:$0x3] =	stream.indirect.gather @!p0 [hbm4b:s3+s1], $0x40, s0, s1, $0xb8;
	[tilespmem:$0x15060] =	vst v63  }
0x220: {  	s10 =	simm.s32 @!p0 $0x65C0  }
0x221: {  	[tilespmem:s10], [sflag:$0x3] =	stream.indirect.gather @!p0 [hbm4b:s4+s1], $0x1, s0, s1, $0xb8;
	[tilespmem:$0x15060] =	vst v63  }
0x222: {  	_ =	swait.ge [sflag:s24], $0x3200  }
0x223: {  	[sflag:s24] =	ssyncset.done $0x0  }
0x224: {  	[sflag:s24] =	ssyncadd.s32 $0xFFFFCE00  }
0x225: {  	_ =	swait.ge [sflag:s24], $0xC8  }
0x226: {  	[sflag:s24] =	ssyncset.done $0x0  }
0x227: {  	[sflag:s24] =	ssyncadd.s32 $0xFFFFFF38  }
0x228: {  	v6 =	vld [tilespmem:$0x66A0]  }
0x229: {  	v7 =	vld [tilespmem:$0x66B0]  }
0x22a: {  	v8 =	vld [tilespmem:$0x66C0]  }
0x22b: {  	v9 =	vld [tilespmem:$0x66D0]  }
0x22c: {  	v10 =	vld [tilespmem:$0x66E0]  }
0x22d: {  	v12 =	vld [tilespmem:$0x66F0];
	v11 =	vmax.f32 v6, $-1.000000020e+30  }
0x22e: {  	v7 =	vmax.f32 v11, v7;
	v11 =	vld [tilespmem:$0x6700]  }
0x22f: {  	v7 =	vmax.f32 v7, v8;
	v8 =	vld [tilespmem:$0x6710]  }
0x230: {  	v7 =	vmax.f32 v7, v9;
	v9 =	vld [tilespmem:$0x6720]  }
0x231: {  	v7 =	vmax.f32 v7, v10;
	v10 =	vld [tilespmem:$0x6730]  }
0x232: {  	v7 =	vmax.f32 v7, v12;
	v12 =	vld [tilespmem:$0x6740]  }
0x233: {  	v7 =	vmax.f32 v7, v11;
	v11 =	vld [tilespmem:$0x6750]  }
0x234: {  	v7 =	vmax.f32 v7, v8;
	v8 =	vld [tilespmem:$0x6760]  }
0x235: {  	v7 =	vmax.f32 v7, v9  }
0x236: {  	v7 =	vmax.f32 v7, v10  }
0x237: {  	v7 =	vmax.f32 v7, v12  }
0x238: {  	v7 =	vmax.f32 v7, v11  }
0x239: {  	v7 =	vmax.f32 v7, v8  }
0x23a: {  	v8 =	vperm.xlane v7, v1;
	_ =	sdelay $0x1  }
0x23b: {  	v7 =	vmax.f32 v7, v8  }
0x23c: {  	v8 =	vperm.xlane v7, v3;
	_ =	sdelay $0x1  }
0x23d: {  	v7 =	vmax.f32 v7, v8  }
0x23e: {  	v8 =	vperm.xlane v7, v4;
	_ =	sdelay $0x1  }
0x23f: {  	v7 =	vmax.f32 v7, v8  }
0x240: {  	v9 =	vld [tilespmem:$0x66B0];
	v8 =	vperm.xlane v7, v2;
	_ =	sdelay $0x1  }
0x241: {  	v7 =	vmax.f32 v7, v8;
	v8 =	vld [tilespmem:$0x66C0]  }
0x242: {  	v6 =	vsub.f32 v6, v7  }
0x243: {  	v10 =	vld [tilespmem:$0x66D0]  }
0x244: {  	v9 =	vsub.f32 v9, v7;
	v6 =	vmul.f32 $1.442695020e+00, v6  }
0x245: {  	v11 =	vld [tilespmem:$0x66E0]  }
0x246: {  	(erf) = vpow2.f32 v6;
	v6 =	vmul.f32 $1.442695020e+00, v9;
	v8 =	vsub.f32 v8, v7  }
0x247: {  	v9 =	vld [tilespmem:$0x66F0]  }
0x248: {  	(erf) = vpow2.f32 v6;
	v6 =	vmul.f32 $1.442695020e+00, v8;
	v8 =	vsub.f32 v10, v7;
	_ =	sdelay $0x1  }
0x249: {  	(erf) = vpow2.f32 v6;
	v6 =	vmul.f32 $1.442695020e+00, v8;
	v8 =	vsub.f32 v11, v7  }
0x24a: {  	v10 =	vld [tilespmem:$0x6700]  }
0x24b: {  	(erf) = vpow2.f32 v6;
	v6 =	vmul.f32 $1.442695020e+00, v8;
	v8 =	vsub.f32 v9, v7  }
0x24c: {  	v9 =	vld [tilespmem:$0x6710]  }
0x24d: {  	(erf) = vpow2.f32 v6;
	v6 =	vmul.f32 $1.442695020e+00, v8;
	v8 =	vld [tilespmem:$0x6720]  }
0x24e: {  	v11 =	vpop (erf)  }
0x24f: {  	v10 =	vsub.f32 v10, v7;
	v12 =	vadd.f32 $0.0e+00, v11;
	(erf) = vpow2.f32 v6;
	v6 =	vld [tilespmem:$0x6730]  }
0x250: {  	v13 =	vpop (erf)  }
0x251: {  	v14 =	vld [tilespmem:$0x6740];
	v10 =	vmul.f32 $1.442695020e+00, v10;
	v9 =	vsub.f32 v9, v7;
	v12 =	vadd.f32 v13, v12  }
0x252: {  	v15 =	vpop (erf);
	v8 =	vsub.f32 v8, v7  }
0x253: {  	(erf) = vpow2.f32 v10;
	v9 =	vmul.f32 $1.442695020e+00, v9;
	v10 =	vadd.f32 v15, v12;
	v12 =	vld [tilespmem:$0x6750]  }
0x254: {  	v16 =	vpop (erf);
	v8 =	vmul.f32 $1.442695020e+00, v8;
	v6 =	vsub.f32 v6, v7  }
0x255: {  	(erf) = vpow2.f32 v9;
	v9 =	vadd.f32 v16, v10;
	v10 =	vld [tilespmem:$0x6760]  }
0x256: {  	(erf) = vpow2.f32 v8;
	v6 =	vmul.f32 $1.442695020e+00, v6;
	v8 =	vsub.f32 v14, v7  }
0x257: {  	v17 =	vpop (erf)  }
0x258: {  	v14 =	vpop (erf);
	(erf) = vpow2.f32 v6;
	v6 =	vmul.f32 $1.442695020e+00, v8;
	v8 =	vsub.f32 v12, v7  }
0x259: {  	v9 =	vadd.f32 v17, v9  }
0x25a: {  	(erf) = vpow2.f32 v6;
	v6 =	vmul.f32 $1.442695020e+00, v8;
	v7 =	vsub.f32 v10, v7  }
0x25b: {  	v9 =	vadd.f32 v14, v9  }
0x25c: {  	[tilespmem:$0x12F80] =	vst v11;
	v8 =	vpop (erf);
	(erf) = vpow2.f32 v6;
	v6 =	vmul.f32 $1.442695020e+00, v7  }
0x25d: {  	[tilespmem:$0x12F90] =	vst v13;
	v9 =	vadd.f32 v8, v9  }
0x25e: {  	[tilespmem:$0x12FA0] =	vst v15;
	v7 =	vpop (erf);
	(erf) = vpow2.f32 v6  }
0x25f: {  	[tilespmem:$0x12FB0] =	vst v16;
	v9 =	vadd.f32 v7, v9  }
0x260: {  	[tilespmem:$0x12FC0] =	vst v17;
	v6 =	vpop (erf)  }
0x261: {  	[tilespmem:$0x12FD0] =	vst v14;
	v9 =	vadd.f32 v6, v9  }
0x262: {  	[tilespmem:$0x12FE0] =	vst v8;
	v10 =	vpop (erf)  }
0x263: {  	[tilespmem:$0x12FF0] =	vst v7;
	v9 =	vadd.f32 v10, v9  }
0x264: {  	[tilespmem:$0x13000] =	vst v6;
	v12 =	vpop (erf)  }
0x265: {  	[tilespmem:$0x13010] =	vst v10;
	v9 =	vadd.f32 v12, v9  }
0x266: {  	[tilespmem:$0x13020] =	vst v12;
	v18 =	vpop (erf)  }
0x267: {  	[tilespmem:$0x13030] =	vst v18;
	v9 =	vadd.f32 v18, v9;
	v11 =	vpop (erf)  }
0x268: {  	s30 =	simm.s32 $0xFE80;
	[tilespmem:$0x13040] =	vst v11  }
0x269: {  	s12 =	simm.s32 $0x6;
	s10 =	simm.s32 $0x3;
	v9 =	vadd.f32 v11, v9;
	v10 =	vld [tilespmem:s30+$0xC0]  }
0x26a: {  	v22 =	vmov s10;
	v16 =	vmov s12;
	s12 =	simm.s32 $0x0;
	v12 =	vld [tilespmem:s30+$0xD0]  }
0x26b: {  	v31 =	vshrl.u32 v22, $0x3;
	v23 =	vmov s12;
	v11 =	vld [tilespmem:s30+$0x90];
	v13 =	vperm.xlane v9, v1  }
0x26c: {  	s31 =	simm.s32 $0x5;
	v33 =	vshll.u32 v31, v5;
	v16 =	vshrl.u32 v16, $0x3;
	v26 =	vshrl.u32 v23, $0x3;
	v14 =	vld [tilespmem:s30+$0x50]  }
0x26d: {  	v17 =	vmov s31;
	s31 =	simm.s32 $0x1;
	v26 =	vshll.u32 v26, v5;
	v18 =	vld [tilespmem:s30+$0x0];
	v7 =	vadd.f32 v13, v9  }
0x26e: {  	s11 =	simm.s32 $0x7;
	v24 =	vmov s31;
	v17 =	vshrl.u32 v17, $0x3;
	v28 =	vbroadcast v26, $0x0;
	v20 =	vld [tilespmem:s30+$0x10]  }
0x26f: {  	v32 =	vshrl.u32 v24, $0x3;
	v19 =	vld [tilespmem:s30+$0xFFFFFFC0];
	v13 =	vmov s11;
	s11 =	simm.s32 $0x4;
	v6 =	vperm.xlane v7, v3  }
0x270: {  	v8 =	vimm.f32 $0.0e+00;
	v23 =	vld [tilespmem:s30+$0xFFFFFFD0];
	v15 =	vshrl.u32 v13, $0x3;
	v21 =	vmov s11;
	s11 =	simm.s32 $0x2  }
0x271: {  	v22 =	vld [tilespmem:s30+$0xFFFFFF90];
	v25 =	vmov s11;
	v15 =	vshll.u32 v15, v5;
	v6 =	vadd.f32 v6, v7  }
0x272: {  	v24 =	vld [tilespmem:s30+$0xFFFFFF40];
	v30 =	vshrl.u32 v21, $0x3;
	v15 =	vadd.s32 $0x7, v15;
	v29 =	vshrl.u32 v25, $0x3  }
0x273: {  	v26 =	vld [tilespmem:s30+$0xFFFFFF10];
	v27 =	vbroadcast v15, $0x0;
	v15 =	vshll.u32 v16, v5;
	v7 =	vperm.xlane v6, v4  }
0x274: {  	v9 =	vld [tilespmem:s30+$0x80];
	v16 =	vshll.u32 v17, v5;
	v17 =	vshll.u32 v30, v5;
	v15 =	vadd.s32 $0x6, v15  }
0x275: {  	v13 =	vld [tilespmem:s30+$0x40];
	v16 =	vadd.s32 $0x5, v16;
	v34 =	vadd.s32 $0x4, v17;
	v6 =	vadd.f32 v7, v6  }
0x276: {  	v21 =	vld [tilespmem:s30+$0xFFFFFF80];
	v17 =	vimm.f32 $0.0e+00;
	v30 =	vbroadcast v15, $0x0;
	v31 =	vbroadcast v16, $0x0  }
0x277: {  	s1 =	simm.s32 $0xF;
	v25 =	vld [tilespmem:s30+$0xFFFFFF00];
	v15 =	vimm.f32 $0.0e+00;
	v16 =	vimm.f32 $0.0e+00;
	v7 =	vperm.xlane v6, v2  }
.LBB2_9:
0x278: {  	p1 =	sne.s32 s1, $0xC7;
	v35 =	vld [tilespmem:s30+$0xFFFFFF20];
	v29 =	vshll.u32 v29, v5;
	v33 =	vadd.s32 $0x3, v33;
	v34 =	vbroadcast v34, $0x0  }
0x279: {  	v32 =	vshll.u32 v32, v5;
	v29 =	vadd.s32 $0x2, v29;
	v33 =	vbroadcast v33, $0x0;
	v27 =	vld.idx.msk [tilespmem:v27+s21+$0x0], $0xffff  }
0x27a: {  	v32 =	vadd.s32 $0x1, v32;
	v28 =	vld.idx.msk [tilespmem:v28+s21+$0x0], $0xffff;
	v29 =	vbroadcast v29, $0x0  }
0x27b: {  	v32 =	vbroadcast v32, $0x0;
	v36 =	vld [tilespmem:s30+$0xFFFFFF30]  }
0x27c: {  	v30 =	vld.idx.msk [tilespmem:v30+s21+$0x0], $0xffff  }
0x27d: {  	v31 =	vld.idx.msk [tilespmem:v31+s21+$0x0], $0xffff  }
0x27e: {  	v34 =	vld.idx.msk [tilespmem:v34+s21+$0x0], $0xffff  }
0x27f: {  	v37 =	vmul.f32 v10, v27;
	v38 =	vmul.f32 v12, v27;
	v33 =	vld.idx.msk [tilespmem:v33+s21+$0x0], $0xffff  }
0x280: {  	v10 =	vmul.f32 v25, v28;
	v12 =	vmul.f32 v26, v28;
	v25 =	vld.idx.msk [tilespmem:v29+s21+$0x0], $0xffff  }
0x281: {  	v26 =	vmul.f32 v35, v28;
	v28 =	vmul.f32 v36, v28;
	v29 =	vld.idx.msk [tilespmem:v32+s21+$0x0], $0xffff  }
0x282: {  	v35 =	vmul.f32 v9, v30;
	v36 =	vmul.f32 v11, v30;
	v32 =	vld [tilespmem:s30+$0xFFFFFF50]  }
0x283: {  	v11 =	vmul.f32 v13, v31;
	v13 =	vmul.f32 v14, v31;
	v9 =	vld [tilespmem:s30+$0xFFFFFF60]  }
0x284: {  	v14 =	vmov s1;
	v18 =	vmul.f32 v18, v34;
	v20 =	vmul.f32 v20, v34;
	v39 =	vld [tilespmem:s30+$0xFFFFFF70]  }
0x285: {  	s0 =	sadd.s32 $0xFFFFFFFF, s1;
	v40 =	vshrl.u32 v14, $0x3;
	v19 =	vmul.f32 v19, v33;
	v23 =	vmul.f32 v23, v33;
	v14 =	vld [tilespmem:s30+$0xFFFFFFA0]  }
0x286: {  	s10 =	sadd.s32 $0xFFFFFFFE, s1;
	v41 =	vmov s0;
	v21 =	vmul.f32 v21, v25;
	v22 =	vmul.f32 v22, v25;
	v42 =	vld [tilespmem:s30+$0xFFFFFFB0]  }
0x287: {  	v43 =	vmov s10;
	v24 =	vmul.f32 v24, v29;
	v32 =	vmul.f32 v32, v29;
	v44 =	vld [tilespmem:s30+$0xFFFFFFE0]  }
0x288: {  	v8 =	vadd.f32 v10, v8;
	v10 =	vadd.f32 v12, v15;
	v9 =	vmul.f32 v9, v29;
	v12 =	vld [tilespmem:s30+$0xFFFFFFF0]  }
0x289: {  	v15 =	vadd.f32 v26, v16;
	v16 =	vadd.f32 v28, v17;
	v17 =	vmul.f32 v39, v29;
	v26 =	vld [tilespmem:s30+$0x20]  }
0x28a: {  	v8 =	vadd.f32 v24, v8;
	v10 =	vadd.f32 v32, v10;
	v14 =	vmul.f32 v14, v25;
	v24 =	vld [tilespmem:s30+$0x30]  }
0x28b: {  	v9 =	vadd.f32 v9, v15;
	v15 =	vadd.f32 v17, v16;
	v16 =	vmul.f32 v42, v25;
	v17 =	vld [tilespmem:s30+$0x60]  }
0x28c: {  	v8 =	vadd.f32 v21, v8;
	v10 =	vadd.f32 v22, v10;
	v21 =	vmul.f32 v44, v33;
	v22 =	vld [tilespmem:s30+$0x70]  }
0x28d: {  	v9 =	vadd.f32 v14, v9;
	v14 =	vadd.f32 v16, v15;
	v12 =	vmul.f32 v12, v33;
	v15 =	vld [tilespmem:s30+$0xA0]  }
0x28e: {  	v8 =	vadd.f32 v19, v8;
	v10 =	vadd.f32 v23, v10;
	v16 =	vmul.f32 v26, v34;
	v19 =	vld [tilespmem:s30+$0xB0]  }
0x28f: {  	v9 =	vadd.f32 v21, v9;
	v12 =	vadd.f32 v12, v14;
	v14 =	vmul.f32 v24, v34;
	v21 =	vld [tilespmem:s30+$0xE0]  }
0x290: {  	v8 =	vadd.f32 v18, v8;
	v18 =	vadd.f32 v20, v10;
	v17 =	vmul.f32 v17, v31;
	v20 =	vld [tilespmem:s30+$0xF0];
	s30 =	sadd.s32 $0x200, s30  }
0x291: {  	v16 =	vadd.f32 v16, v9;
	v10 =	vld [tilespmem:s30+$0xC0];
	v14 =	vadd.f32 v14, v12;
	v22 =	vmul.f32 v22, v31  }
0x292: {  	v8 =	vadd.f32 v11, v8;
	v13 =	vadd.f32 v13, v18;
	v12 =	vld [tilespmem:s30+$0xD0];
	v15 =	vmul.f32 v15, v30  }
0x293: {  	v16 =	vadd.f32 v17, v16;
	v9 =	vld [tilespmem:s30+$0x80];
	v14 =	vadd.f32 v22, v14;
	v17 =	vmul.f32 v19, v30  }
0x294: {  	v8 =	vadd.f32 v35, v8;
	v18 =	vadd.f32 v36, v13;
	v11 =	vld [tilespmem:s30+$0x90];
	v19 =	vmul.f32 v21, v27  }
0x295: {  	s0 =	sadd.s32 $0xFFFFFFFD, s1;
	v16 =	vadd.f32 v15, v16;
	v13 =	vld [tilespmem:s30+$0x40];
	v17 =	vadd.f32 v17, v14;
	v20 =	vmul.f32 v20, v27  }
0x296: {  	s10 =	sadd.s32 $0xFFFFFFFC, s1;
	v21 =	vmov s0;
	v8 =	vadd.f32 v37, v8;
	v15 =	vadd.f32 v38, v18;
	v14 =	vld [tilespmem:s30+$0x50]  }
0x297: {  	s11 =	sadd.s32 $0xFFFFFFFA, s1;
	s12 =	sadd.s32 $0xFFFFFFFB, s1;
	v22 =	vmov s10;
	s0 =	sadd.s32 $0xFFFFFFF9, s1;
	v16 =	vadd.f32 v19, v16;
	v18 =	vld [tilespmem:s30+$0x0];
	v17 =	vadd.f32 v20, v17  }
0x298: {  	v25 =	vmov s12;
	v24 =	vmov s11;
	v23 =	vmov s0;
	v20 =	vld [tilespmem:s30+$0x10]  }
0x299: {  	v26 =	vshrl.u32 v43, $0x3;
	v30 =	vshrl.u32 v41, $0x3;
	v27 =	vshll.u32 v40, v5;
	v19 =	vld [tilespmem:s30+$0xFFFFFFC0]  }
0x29a: {  	v31 =	vshrl.u32 v21, $0x3;
	v28 =	vshrl.u32 v23, $0x3;
	v27 =	vadd.s32 $0x7, v27;
	v23 =	vld [tilespmem:s30+$0xFFFFFFD0]  }
.Ltmp5:
0x29b: {  	v33 =	vshrl.u32 v22, $0x3;
	v28 =	vshll.u32 v28, v5;
	v27 =	vbroadcast v27, $0x0;
	v21 =	vld [tilespmem:s30+$0xFFFFFF80];
	(pc) =	sbr.rel @p1 .LBB2_9-.Ltmp5, $4  }
0x29c: {  	v29 =	vshrl.u32 v25, $0x3;
	v25 =	vshll.u32 v30, v5;
	v28 =	vbroadcast v28, $0x0;
	v22 =	vld [tilespmem:s30+$0xFFFFFF90]  }
0x29d: {  	v26 =	vshll.u32 v26, v5;
	v32 =	vshrl.u32 v24, $0x3;
	v30 =	vadd.s32 $0x6, v25;
	v24 =	vld [tilespmem:s30+$0xFFFFFF40]  }
0x29e: {  	v35 =	vadd.s32 $0x5, v26;
	v31 =	vshll.u32 v31, v5;
	v30 =	vbroadcast v30, $0x0;
	v25 =	vld [tilespmem:s30+$0xFFFFFF00]  }
0x29f: {  	s1 =	sadd.s32 $0x8, s1;
	v33 =	vshll.u32 v33, v5;
	v34 =	vadd.s32 $0x4, v31;
	v31 =	vbroadcast v35, $0x0;
	v26 =	vld [tilespmem:s30+$0xFFFFFF10]  }
0x2a0: {  	_ =	sdelay $0x2  }
0x2a1: {  	v35 =	vld [tilespmem:s30+$0xFFFFFF20]  }
0x2a2: {  	v33 =	vadd.s32 $0x3, v33;
	v34 =	vbroadcast v34, $0x0;
	v32 =	vshll.u32 v32, v5;
	v27 =	vld.idx.msk [tilespmem:v27+s21+$0x0], $0xffff  }
0x2a3: {  	v28 =	vld.idx.msk [tilespmem:v28+s21+$0x0], $0xffff;
	v33 =	vbroadcast v33, $0x0;
	v32 =	vadd.s32 $0x1, v32  }
0x2a4: {  	v36 =	vld [tilespmem:s30+$0xFFFFFF30];
	v29 =	vshll.u32 v29, v5;
	v32 =	vbroadcast v32, $0x0  }
0x2a5: {  	v30 =	vld.idx.msk [tilespmem:v30+s21+$0x0], $0xffff;
	v29 =	vadd.s32 $0x2, v29  }
0x2a6: {  	v63 =	vld [tilespmem:s30+$0xFFFFFF50];
	v6 =	vadd.f32 v7, v6;
	v29 =	vbroadcast v29, $0x0  }
0x2a7: {  	v31 =	vld.idx.msk [tilespmem:v31+s21+$0x0], $0xffff  }
0x2a8: {  	(erf) = vrcp.f32 v6;
	v34 =	vld.idx.msk [tilespmem:v34+s21+$0x0], $0xffff  }
0x2a9: {  	v10 =	vmul.f32 v10, v27;
	v12 =	vmul.f32 v12, v27;
	v33 =	vld.idx.msk [tilespmem:v33+s21+$0x0], $0xffff  }
0x2aa: {  	v25 =	vmul.f32 v25, v28;
	v26 =	vmul.f32 v26, v28;
	v32 =	vld.idx.msk [tilespmem:v32+s21+$0x0], $0xffff  }
0x2ab: {  	v37 =	vld [tilespmem:s30+$0xFFFFFF60];
	v35 =	vmul.f32 v35, v28;
	v28 =	vmul.f32 v36, v28  }
0x2ac: {  	v9 =	vmul.f32 v9, v30;
	v11 =	vmul.f32 v11, v30;
	v29 =	vld.idx.msk [tilespmem:v29+s21+$0x0], $0xffff  }
0x2ad: {  	v38 =	vld [tilespmem:s30+$0xFFFFFF70];
	v13 =	vmul.f32 v13, v31;
	v14 =	vmul.f32 v14, v31;
	v8 =	vadd.f32 v25, v8  }
0x2ae: {  	v39 =	vld [tilespmem:s30+$0xFFFFFFA0];
	v15 =	vadd.f32 v26, v15;
	v18 =	vmul.f32 v18, v34;
	v20 =	vmul.f32 v20, v34  }
0x2af: {  	v40 =	vld [tilespmem:s30+$0xFFFFFFB0];
	v16 =	vadd.f32 v35, v16;
	v19 =	vmul.f32 v19, v33;
	v24 =	vmul.f32 v24, v32  }
0x2b0: {  	v41 =	vld [tilespmem:s30+$0xFFFFFFE0];
	v17 =	vadd.f32 v28, v17;
	v23 =	vmul.f32 v23, v33;
	v36 =	vmul.f32 v63, v32  }
0x2b1: {  	v43 =	vld [tilespmem:s30+$0xFFFFFFF0];
	v37 =	vmul.f32 v37, v32;
	v21 =	vmul.f32 v21, v29;
	v8 =	vadd.f32 v24, v8  }
0x2b2: {  	v44 =	vld [tilespmem:s30+$0x20];
	v42 =	vmul.f32 v38, v32;
	v22 =	vmul.f32 v22, v29;
	v15 =	vadd.f32 v36, v15  }
0x2b3: {  	v46 =	vld [tilespmem:s30+$0x30];
	v45 =	vmul.f32 v39, v29;
	v16 =	vadd.f32 v37, v16;
	v8 =	vadd.f32 v21, v8  }
0x2b4: {  	v47 =	vld [tilespmem:s30+$0x60];
	v7 =	vmul.f32 v40, v29;
	v17 =	vadd.f32 v42, v17;
	v15 =	vadd.f32 v22, v15  }
0x2b5: {  	v49 =	vld [tilespmem:s30+$0x70];
	v48 =	vmul.f32 v41, v33;
	v16 =	vadd.f32 v45, v16;
	v8 =	vadd.f32 v19, v8  }
0x2b6: {  	v50 =	vld [tilespmem:s30+$0xA0];
	v6 =	vadd.f32 v7, v17;
	v7 =	vmul.f32 v43, v33;
	v15 =	vadd.f32 v23, v15  }
0x2b7: {  	v52 =	vld [tilespmem:s30+$0xB0];
	v51 =	vmul.f32 v44, v34;
	v16 =	vadd.f32 v48, v16;
	v8 =	vadd.f32 v18, v8  }
0x2b8: {  	v53 =	vld [tilespmem:s30+$0xE0];
	v6 =	vadd.f32 v7, v6;
	v7 =	vmul.f32 v46, v34;
	v15 =	vadd.f32 v20, v15  }
0x2b9: {  	v55 =	vld [tilespmem:s30+$0xF0];
	v54 =	vmul.f32 v47, v31;
	v16 =	vadd.f32 v51, v16;
	v8 =	vadd.f32 v13, v8  }
0x2ba: {  	v6 =	vadd.f32 v7, v6;
	v7 =	vmul.f32 v49, v31;
	v56 =	vadd.f32 v14, v15  }
0x2bb: {  	v57 =	vmul.f32 v50, v30;
	v58 =	vadd.f32 v54, v16;
	v8 =	vadd.f32 v9, v8  }
0x2bc: {  	v6 =	vadd.f32 v7, v6;
	v7 =	vmul.f32 v52, v30;
	v59 =	vadd.f32 v11, v56  }
0x2bd: {  	v60 =	vmul.f32 v53, v27;
	v61 =	vadd.f32 v57, v58;
	v8 =	vadd.f32 v10, v8  }
0x2be: {  	v62 =	vpop (erf);
	v6 =	vadd.f32 v7, v6;
	v7 =	vmul.f32 v55, v27;
	v9 =	vadd.f32 v12, v59  }
0x2bf: {  	v11 =	vadd.f32 v60, v61;
	v8 =	vmul.f32 v8, v62  }
.Ltmp6:
0x2c0: {  	v6 =	vadd.f32 v7, v6;
	v7 =	vmul.f32 v9, v62;
	(pc) =	sbr.rel @p0 .LBB2_12-.Ltmp6, $4  }
0x2c1: {  	v63 =	vmul.f32 v11, v62;
	[tilespmem:s29+$0x13120] =	vst v8  }
0x2c2: {  	v6 =	vmul.f32 v6, v62;
	[tilespmem:s29+$0x13130] =	vst v7  }
0x2c3: {  	[tilespmem:s29+$0x13140] =	vst v63  }
0x2c4: {  	[tilespmem:s29+$0x13150] =	vst v6  }
0x2c5: {  	s0 =	smul.u32 $0xC80, s28;
	_ =	sdelay $0x1  }
.Ltmp7:
0x2c6: {  	s0 =	sshra.s32 s0, $0x2;
	(pc) =	sbr.rel .LBB2_2-.Ltmp7, $4  }
0x2c7: {  	s0 =	sadd.s32 $0x578, s0  }
0x2c8: {  	[tilespmem:s18], [sflag:$0x4] =	stream.indirect.gather [hbm4b:s3+s9], $0x40, s0, s9, $0xb8;
	[tilespmem:$0x15060] =	vst v63  }
0x2c9: {  	s28 =	sadd.s32 $0x1, s28  }
0x2ca: {  	[tilespmem:s19], [sflag:$0x4] =	stream.indirect.gather [hbm4b:s4+s9], $0x1, s0, s9, $0xb8;
	[tilespmem:$0x15060] =	vst v63  }
.LBB2_13:
0x2cb: {  	_ =	sfence.sel $0x180000  }
0x2cc: {  	[bflag:$0x0] =	sbarrier.arrive $0xFFFF  }
0x2cd: {  	_ =	strace $0x90000047  }
0x2ce: {  	s0 =	stileid.u32;
	[bflag:$0x2] =	sbarrier.arrive $0xFFFF  }
0x2cf: {  	p0 =	sne.s32 s0, $0x0;
	s0 =	rddreg [dreg:$0x2]  }
0x2d0: {  	s0 =	sadd.s32 @!p0 $0x100000, s0  }
0x2d1: {  	[sflag:s0] =	ssyncadd.tile.s32 @!p0 $0x1;
	_ =	shalt  }
.Lfunc_end2:
_tile_overlayer_lowered:
.L_overlay_start_2:
0x2d2: {  	(tag) =	ssettag $0x2  }
0x2d3: {  	s0 =	rddreg [dreg:$0x0];
	s2 =	stileid.u32  }
0x2d4: {  	s1 =	rddreg [dreg:$0x1];
	p0 =	sne.s32 s2, $0x0  }
0x2d5: {  	s3 =	rddreg [dreg:$0x2];
	[bflag:$0x3] =	sbarrier.arrive $0xFFFF;
	s2 =	simm.s32 @!p0 $0x1C05  }
0x2d6: {  	[timem:s3], [sflag:s2] =	dma.local @!p0 [hbm:s0], s1  }
0x2d7: {  	s0 =	simm.s32 @!p0 $0x5  }
0x2d8: {  	_ =	swait.ge @!p0 [sflag:s0], s1  }
0x2d9: {  	s1 =	ssub.s32 @!p0 $0x0, s1;
	[sflag:s0] =	ssyncset.done @!p0 $0x0  }
0x2da: {  	[sflag:s0] =	ssyncadd.s32 @!p0 s1  }
0x2db: {  	[bflag:$0x3] =	sbarrier.arrive $0xFFFF  }
0x2dc: {  	_ =	shalt  }

</sc_bundles>
